<compile_context>
chip_gen: v7x
topology: tpu7x:2x2x1
jax: 0.10.2.dev20260603
libtpu: 0.0.44.dev20260713+nightly
codegen_flags: <defaults>
</compile_context>

<pallas_src>
import functools

import jax
import jax.numpy as jnp
from jax import lax
from jax.experimental import pallas as pl
from jax.experimental.pallas import tpu as pltpu
from jax.experimental.pallas import tpu_sc as plsc

_TR = 2048
_SEG = 8
_TAIL = 512



def _repack_body(t_ref, tail_ref, o_ref, seg, sems):
    i = pl.program_id(0)
    nb = pl.num_programs(0)
    D = t_ref.shape[0]

    def issue(block, slot):
        base = block * (_SEG * _TR)
        for s in range(_SEG):
            pltpu.make_async_copy(
                t_ref.at[:, pl.ds(base + s * _TR, _TR)],
                seg.at[slot, pl.ds(D * s, D)], sems.at[slot, s]).start()

    def issue_tail(slot):
        pltpu.make_async_copy(
            t_ref.at[:, pl.ds((nb - 1) * _SEG * _TR, _TAIL)],
            seg.at[slot, pl.ds(0, D), pl.ds(0, _TAIL)], sems.at[slot, 0]).start()

    @pl.when(i == 0)
    def _():
        issue(0, 0)

    buf = lax.rem(i, 2)

    @pl.when(i + 1 < nb - 1)
    def _():
        issue(i + 1, 1 - buf)

    @pl.when(i + 1 == nb - 1)
    def _():
        issue_tail(1 - buf)

    @pl.when(i < nb - 1)
    def _():
        for s in range(_SEG):
            pltpu.make_async_copy(
                t_ref.at[:, pl.ds(0, _TR)], seg.at[buf, pl.ds(D * s, D)],
                sems.at[buf, s]).wait()

    @pl.when(i == nb - 1)
    def _():
        pltpu.make_async_copy(
            t_ref.at[:, pl.ds(0, _TAIL)],
            seg.at[buf, pl.ds(0, D), pl.ds(0, _TAIL)], sems.at[buf, 0]).wait()

    packed = pltpu.bitcast(seg[buf].astype(jnp.bfloat16), jnp.float32)
    o_ref[...] = jnp.transpose(packed, (1, 0))

    @pl.when(i == nb - 1)
    def _():
        nt = tail_ref.shape[0]
        o_ref[_TR - nt:, :] = tail_ref[...]


def _repack(table_t, tail):
    D, V = table_t.shape
    NB = pl.cdiv(V, _SEG * _TR)
    W = _SEG * D // 2
    return pl.pallas_call(
        _repack_body,
        grid=(NB,),
        in_specs=[pl.BlockSpec(memory_space=pl.ANY),
                  pl.BlockSpec((tail.shape[0], W), lambda i: (0, 0))],
        out_specs=pl.BlockSpec((_TR, W), lambda i: (i, 0)),
        out_shape=jax.ShapeDtypeStruct((NB * _TR, W), jnp.float32),
        scratch_shapes=[
            pltpu.VMEM((2, _SEG * D, _TR), jnp.float32),
            pltpu.SemaphoreType.DMA((2, _SEG)),
        ],
    )(table_t, tail)



def _make_pool_kernel(B, D, n_ids):
    info = plsc.get_sparse_core_info()
    NC, NS, L = info.num_cores, info.num_subcores, info.num_lanes
    NW = NC * NS
    assert D == 2 * L and n_ids == 10
    assert B % NW == 0
    b_per_w = B // NW
    CHUNK = 128
    assert b_per_w % CHUNK == 0
    n_chunks = b_per_w // CHUNK
    ids_per_chunk = CHUNK * n_ids
    assert ids_per_chunk % 128 == 0
    idx_rows = ids_per_chunk // 128
    ids_w = b_per_w * n_ids
    assert ids_w % 8 == 0

    mesh = plsc.VectorSubcoreMesh(core_axis_name="c", subcore_axis_name="s")

    @functools.partial(
        pl.kernel,
        mesh=mesh,
        compiler_params=pltpu.CompilerParams(
            use_tc_tiling_on_sc=False, needs_layout_passes=False),
        out_type=jax.ShapeDtypeStruct((B, 2 * D), jnp.float32),
        scratch_types=[
            pltpu.VMEM((ids_w,), jnp.int32),
            pltpu.VMEM((ids_per_chunk, D // 2), jnp.float32),
            pltpu.VMEM((CHUNK, 2 * D), jnp.float32),
            pltpu.SemaphoreType.DMA,
        ],
    )
    def pool_kernel(ids_hbm, table_hbm, out_hbm, idx_v, rows_v, pool_v, sem):
        wid = lax.axis_index("s") * NC + lax.axis_index("c")
        pltpu.sync_copy(ids_hbm.at[pl.ds(wid * ids_w, ids_w)], idx_v)

        for c in range(n_chunks):
            handles = []
            for j in range(idx_rows):
                handles.append(
                    pltpu.async_copy(
                        table_hbm.at[
                            idx_v.at[pl.ds(c * ids_per_chunk + j * 128, 128)]],
                        rows_v.at[pl.ds(j * 128, 128)],
                        sem,
                    )
                )
            for h in handles:
                h.wait()

            def body(i, carry):
                i10 = i * n_ids
                for t in range(2):
                    acc_a = None
                    for j in range(5):
                        wv = rows_v[i10 + 5 * t + j, pl.ds(0, L)]
                        a, b = plsc.unpack(plsc.bitcast(wv, jnp.bfloat16),
                                           format=plsc.PackFormat.INTERLEAVED)
                        if acc_a is None:
                            acc_a, acc_b = a, b
                        else:
                            acc_a = acc_a + a
                            acc_b = acc_b + b
                    pool_v[i, pl.ds(t * D, L)] = acc_a * 0.2
                    pool_v[i, pl.ds(t * D + L, L)] = acc_b * 0.2
                return carry

            lax.fori_loop(0, CHUNK, body, 0)

            out_base = wid * b_per_w + c * CHUNK
            pltpu.sync_copy(pool_v, out_hbm.at[pl.ds(out_base, CHUNK)])

    return pool_kernel



def _mlp_body(p_ref, e_ref, w1a_ref, w1b_ref, b1_ref, w2_ref, b2_ref, o_ref):
    h = jnp.dot(p_ref[...], w1a_ref[...], preferred_element_type=jnp.float32)
    h = h + jnp.dot(e_ref[...], w1b_ref[...], preferred_element_type=jnp.float32)
    h = jnp.maximum(h + b1_ref[...], 0.0)
    o_ref[...] = jnp.sum(h * w2_ref[...], axis=1, keepdims=True) + b2_ref[0]


def _mlp(pooled, extras, W1a, W1b, b1r, w2t, b2, Bt=1024):
    B, F = pooled.shape
    E = extras.shape[1]
    H = W1a.shape[1]
    grid = (B // Bt,)
    return pl.pallas_call(
        _mlp_body,
        grid=grid,
        in_specs=[
            pl.BlockSpec((Bt, F), lambda i: (i, 0)),
            pl.BlockSpec((Bt, E), lambda i: (i, 0)),
            pl.BlockSpec((F, H), lambda i: (0, 0)),
            pl.BlockSpec((E, H), lambda i: (0, 0)),
            pl.BlockSpec((1, H), lambda i: (0, 0)),
            pl.BlockSpec((1, H), lambda i: (0, 0)),
            pl.BlockSpec(memory_space=pltpu.SMEM),
        ],
        out_specs=pl.BlockSpec((Bt, 1), lambda i: (i, 0)),
        out_shape=jax.ShapeDtypeStruct((B, 1), jnp.float32),
    )(pooled, extras, W1a, W1b, b1r, w2t, b2)



def kernel(radiant_ids, dire_ids, avg_rank_tiers, num_rank_tiers, durations,
           emb_table, W1, b1, W2, b2):
    B = radiant_ids.shape[0]
    V, D = emb_table.shape
    H = W1.shape[1]

    NB = pl.cdiv(V, _SEG * _TR)
    NR = NB * _TR
    tail_base = (NB - 1) * _SEG * _TR + _TAIL
    n_tail = V - tail_base
    spare_q = NR - n_tail // _SEG
    tailp = lax.bitcast_convert_type(
        emb_table[tail_base:].astype(jnp.bfloat16).reshape(
            n_tail // _SEG, _SEG * D // 2, 2), jnp.float32)
    rp = _repack(emb_table.T, tailp)

    table_lin = rp.reshape(_SEG * NR, D // 2)

    ids = jnp.concatenate(
        [radiant_ids.astype(jnp.int32), dire_ids.astype(jnp.int32)], axis=1)
    w = ids % (_SEG * _TR)
    rows = (ids - w) + _SEG * (w % _TR) + (w // _TR)
    rows = jnp.where(ids >= tail_base,
                     _SEG * spare_q + (ids - tail_base), rows)

    pooled = _make_pool_kernel(B, D, 10)(rows.reshape(B * 10), table_lin)

    extras = jnp.stack([avg_rank_tiers, num_rank_tiers, durations], axis=1)
    perm = jnp.array([t * D + c for t in range(2)
                      for c in list(range(0, D, 2)) + list(range(1, D, 2))])
    W1a = W1[: 2 * D][perm]
    W1b = W1[2 * D:]

    logit = _mlp(pooled, extras, W1a, W1b,
                 b1.reshape(1, H), W2.reshape(1, H), b2)
    return logit.reshape(B)

# --- scband reference (transcript-rebuilt; emitter-appended) ---
"""Pipeline reference for scband-dota-model-62680752718092 (READ-ONLY COPY).

The authoritative reference and input builder live on the scoring server;
editing this copy changes nothing except your own understanding.
"""

import jax, jax.numpy as jnp
import numpy as np

B = 16384
V = 1000000
D = 32
H = 1024

def setup_inputs(seed: int = 0) -> dict:
    key = jax.random.key(seed)
    ks = jax.random.split(key, 10)
    radiant_ids = jax.random.randint(ks[0], (B, 5), 0, V, dtype=jnp.int64) if jax.config.jax_enable_x64 else jax.random.randint(ks[0], (B, 5), 0, V)
    dire_ids = jax.random.randint(ks[1], (B, 5), 0, V)
    avg_rank_tiers = jax.random.normal(ks[2], (B,), dtype=jnp.float32)
    num_rank_tiers = jax.random.normal(ks[3], (B,), dtype=jnp.float32)
    durations = jax.random.normal(ks[4], (B,), dtype=jnp.float32)
    emb_table = jax.random.normal(ks[5], (V, D), dtype=jnp.float32) * 0.02
    W1 = jax.random.normal(ks[6], (2 * D + 3, H), dtype=jnp.float32) * 0.02
    b1 = jnp.zeros((H,), dtype=jnp.float32)
    W2 = jax.random.normal(ks[7], (H, 1), dtype=jnp.float32) * 0.02
    b2 = jnp.zeros((1,), dtype=jnp.float32)
    return {
        "radiant_ids": radiant_ids,
        "dire_ids": dire_ids,
        "avg_rank_tiers": avg_rank_tiers,
        "num_rank_tiers": num_rank_tiers,
        "durations": durations,
        "emb_table": emb_table,
        "W1": W1,
        "b1": b1,
        "W2": W2,
        "b2": b2,
    }

def reference(radiant_ids, dire_ids, avg_rank_tiers, num_rank_tiers, durations, emb_table, W1, b1, W2, b2):
    # nn.Embedding lookups (gathers)
    emb_r = jnp.take(emb_table, radiant_ids, axis=0)  # [B, 5, D]
    emb_d = jnp.take(emb_table, dire_ids, axis=0)     # [B, 5, D]
    team_r = emb_r.mean(axis=1)                        # [B, D]
    team_d = emb_d.mean(axis=1)                        # [B, D]
    x = jnp.concatenate([
        team_r,
        team_d,
        avg_rank_tiers[:, None],
        num_rank_tiers[:, None],
        durations[:, None],
    ], axis=1)                                         # [B, 2D+3]
    # dropout is identity in eval mode
    h = jnp.maximum(x @ W1 + b1, 0.0)
    logit = h @ W2 + b2                                # [B, 1]
    return logit.squeeze(1)

if __name__ == "__main__":
    import jax
    _d = setup_inputs()
    print(jax.jit(kernel)(*tuple(_d.values())))

</pallas_src>

<mosaic_0001>
#map = affine_map<(d0, d1) -> (0)>
#map1 = affine_map<(d0, d1) -> (0, 0)>
module attributes {stable_mosaic.version = 14 : i64} {
  func.func @pool_kernel(%arg0: i32, %arg1: i32, %arg2: memref<163840xi32, #tpu.memory_space<hbm>>, %arg3: memref<1015808x16xf32, #tpu.memory_space<hbm>>, %arg4: memref<16384x64xf32, #tpu.memory_space<hbm>>, %arg5: memref<5120xi32, #tpu.memory_space<vmem>>, %arg6: memref<1280x16xf32, #tpu.memory_space<vmem>>, %arg7: memref<128x64xf32, #tpu.memory_space<vmem>>, %arg8: memref<!tpu.dma_semaphore, #tpu.memory_space<semaphore_mem>>) attributes {dimension_semantics = [#tpu.dimension_semantics<core_parallel>, #tpu.dimension_semantics<subcore_parallel>], iteration_bounds = array<i64: 2, 16>, scalar_prefetch = 0 : i64, scratch_operands = 4 : i64, tpu.core_type = #tpu.core_type<sc_vector_subcore>, window_params = [{transform_indices = #map}, {transform_indices = #map1}, {transform_indices = #map1}]} {
    %mul3A = arith.constant 2 : i32
    %mul3A_0 = arith.muli %arg1, %mul3A : i32
    %add3A = arith.addi %mul3A_0, %arg0 : i32
    %mul3A_1 = arith.constant 5120 : i32
    %mul3A_2 = arith.muli %add3A, %mul3A_1 : i32
    "tpu.region"() ({
      %run_scoped3A = tpu.sem_alloc : memref<!tpu.dma_semaphore, #tpu.memory_space<semaphore_mem>>
      %dma_start3A_680 = tpu.memref_slice %arg2[%mul3A_2] : memref<163840xi32, #tpu.memory_space<hbm>> -> memref<5120xi32, #tpu.memory_space<hbm>>
      %dma_start3A_681 = tpu.memref_slice %arg2[%mul3A_2] : memref<163840xi32, #tpu.memory_space<hbm>> -> memref<5120xi32, #tpu.memory_space<hbm>>
      tpu.enqueue_dma source(%dma_start3A_681 : memref<5120xi32, #tpu.memory_space<hbm>>) target(%arg5 : memref<5120xi32, #tpu.memory_space<vmem>>) target_semaphore(%run_scoped3A : memref<!tpu.dma_semaphore, #tpu.memory_space<semaphore_mem>>)
      %dma_wait3A_682 = tpu.memref_slice %arg2[%mul3A_2] : memref<163840xi32, #tpu.memory_space<hbm>> -> memref<5120xi32, #tpu.memory_space<hbm>>
      %dma_wait3A_683 = tpu.memref_slice %arg2[%mul3A_2] : memref<163840xi32, #tpu.memory_space<hbm>> -> memref<5120xi32, #tpu.memory_space<hbm>>
      tpu.wait_dma2 semaphore(%run_scoped3A : memref<!tpu.dma_semaphore, #tpu.memory_space<semaphore_mem>>) src(%dma_wait3A_683 : memref<5120xi32, #tpu.memory_space<hbm>>) dst(%arg5 : memref<5120xi32, #tpu.memory_space<vmem>>)
      tpu.yield
    }) : () -> ()
    %dma_start3A = arith.constant 0 : i32
    %dma_start3A_3 = arith.constant 0 : i32
    %dma_start3A_4 = tpu.memref_slice %arg6[%dma_start3A, %dma_start3A_3] : memref<1280x16xf32, #tpu.memory_space<vmem>> -> memref<128x16xf32, #tpu.memory_space<vmem>>
    %dma_start3A_5 = arith.constant 0 : i32
    %dma_start3A_6 = tpu.memref_slice %arg5[%dma_start3A_5] : memref<5120xi32, #tpu.memory_space<vmem>> -> memref<128xi32, #tpu.memory_space<vmem>>
    %dma_start3A_7 = arith.constant 0 : i32
    %dma_start3A_8 = arith.constant 0 : i32
    %dma_start3A_9 = tpu.memref_slice %arg3[%dma_start3A_7, %dma_start3A_8] : memref<1015808x16xf32, #tpu.memory_space<hbm>> -> memref<1015808x16xf32, #tpu.memory_space<hbm>>
    tpu.enqueue_indirect_dma source(%dma_start3A_9 : memref<1015808x16xf32, #tpu.memory_space<hbm>>) target(%dma_start3A_4 : memref<128x16xf32, #tpu.memory_space<vmem>>) offsets(%dma_start3A_6 : memref<128xi32, #tpu.memory_space<vmem>>) semaphore(%arg8 : memref<!tpu.dma_semaphore, #tpu.memory_space<semaphore_mem>>)
    %dma_start3A_10 = arith.constant 128 : i32
    %dma_start3A_11 = arith.constant 0 : i32
    %dma_start3A_12 = tpu.memref_slice %arg6[%dma_start3A_10, %dma_start3A_11] : memref<1280x16xf32, #tpu.memory_space<vmem>> -> memref<128x16xf32, #tpu.memory_space<vmem>>
    %dma_start3A_13 = arith.constant 128 : i32
    %dma_start3A_14 = tpu.memref_slice %arg5[%dma_start3A_13] : memref<5120xi32, #tpu.memory_space<vmem>> -> memref<128xi32, #tpu.memory_space<vmem>>
    %dma_start3A_15 = arith.constant 0 : i32
    %dma_start3A_16 = arith.constant 0 : i32
    %dma_start3A_17 = tpu.memref_slice %arg3[%dma_start3A_15, %dma_start3A_16] : memref<1015808x16xf32, #tpu.memory_space<hbm>> -> memref<1015808x16xf32, #tpu.memory_space<hbm>>
    tpu.enqueue_indirect_dma source(%dma_start3A_17 : memref<1015808x16xf32, #tpu.memory_space<hbm>>) target(%dma_start3A_12 : memref<128x16xf32, #tpu.memory_space<vmem>>) offsets(%dma_start3A_14 : memref<128xi32, #tpu.memory_space<vmem>>) semaphore(%arg8 : memref<!tpu.dma_semaphore, #tpu.memory_space<semaphore_mem>>)
    %dma_start3A_18 = arith.constant 256 : i32
    %dma_start3A_19 = arith.constant 0 : i32
    %dma_start3A_20 = tpu.memref_slice %arg6[%dma_start3A_18, %dma_start3A_19] : memref<1280x16xf32, #tpu.memory_space<vmem>> -> memref<128x16xf32, #tpu.memory_space<vmem>>
    %dma_start3A_21 = arith.constant 256 : i32
    %dma_start3A_22 = tpu.memref_slice %arg5[%dma_start3A_21] : memref<5120xi32, #tpu.memory_space<vmem>> -> memref<128xi32, #tpu.memory_space<vmem>>
    %dma_start3A_23 = arith.constant 0 : i32
    %dma_start3A_24 = arith.constant 0 : i32
    %dma_start3A_25 = tpu.memref_slice %arg3[%dma_start3A_23, %dma_start3A_24] : memref<1015808x16xf32, #tpu.memory_space<hbm>> -> memref<1015808x16xf32, #tpu.memory_space<hbm>>
    tpu.enqueue_indirect_dma source(%dma_start3A_25 : memref<1015808x16xf32, #tpu.memory_space<hbm>>) target(%dma_start3A_20 : memref<128x16xf32, #tpu.memory_space<vmem>>) offsets(%dma_start3A_22 : memref<128xi32, #tpu.memory_space<vmem>>) semaphore(%arg8 : memref<!tpu.dma_semaphore, #tpu.memory_space<semaphore_mem>>)
    %dma_start3A_26 = arith.constant 384 : i32
    %dma_start3A_27 = arith.constant 0 : i32
    %dma_start3A_28 = tpu.memref_slice %arg6[%dma_start3A_26, %dma_start3A_27] : memref<1280x16xf32, #tpu.memory_space<vmem>> -> memref<128x16xf32, #tpu.memory_space<vmem>>
    %dma_start3A_29 = arith.constant 384 : i32
    %dma_start3A_30 = tpu.memref_slice %arg5[%dma_start3A_29] : memref<5120xi32, #tpu.memory_space<vmem>> -> memref<128xi32, #tpu.memory_space<vmem>>
    %dma_start3A_31 = arith.constant 0 : i32
    %dma_start3A_32 = arith.constant 0 : i32
    %dma_start3A_33 = tpu.memref_slice %arg3[%dma_start3A_31, %dma_start3A_32] : memref<1015808x16xf32, #tpu.memory_space<hbm>> -> memref<1015808x16xf32, #tpu.memory_space<hbm>>
    tpu.enqueue_indirect_dma source(%dma_start3A_33 : memref<1015808x16xf32, #tpu.memory_space<hbm>>) target(%dma_start3A_28 : memref<128x16xf32, #tpu.memory_space<vmem>>) offsets(%dma_start3A_30 : memref<128xi32, #tpu.memory_space<vmem>>) semaphore(%arg8 : memref<!tpu.dma_semaphore, #tpu.memory_space<semaphore_mem>>)
    %dma_start3A_34 = arith.constant 512 : i32
    %dma_start3A_35 = arith.constant 0 : i32
    %dma_start3A_36 = tpu.memref_slice %arg6[%dma_start3A_34, %dma_start3A_35] : memref<1280x16xf32, #tpu.memory_space<vmem>> -> memref<128x16xf32, #tpu.memory_space<vmem>>
    %dma_start3A_37 = arith.constant 512 : i32
    %dma_start3A_38 = tpu.memref_slice %arg5[%dma_start3A_37] : memref<5120xi32, #tpu.memory_space<vmem>> -> memref<128xi32, #tpu.memory_space<vmem>>
    %dma_start3A_39 = arith.constant 0 : i32
    %dma_start3A_40 = arith.constant 0 : i32
    %dma_start3A_41 = tpu.memref_slice %arg3[%dma_start3A_39, %dma_start3A_40] : memref<1015808x16xf32, #tpu.memory_space<hbm>> -> memref<1015808x16xf32, #tpu.memory_space<hbm>>
    tpu.enqueue_indirect_dma source(%dma_start3A_41 : memref<1015808x16xf32, #tpu.memory_space<hbm>>) target(%dma_start3A_36 : memref<128x16xf32, #tpu.memory_space<vmem>>) offsets(%dma_start3A_38 : memref<128xi32, #tpu.memory_space<vmem>>) semaphore(%arg8 : memref<!tpu.dma_semaphore, #tpu.memory_space<semaphore_mem>>)
    %dma_start3A_42 = arith.constant 640 : i32
    %dma_start3A_43 = arith.constant 0 : i32
    %dma_start3A_44 = tpu.memref_slice %arg6[%dma_start3A_42, %dma_start3A_43] : memref<1280x16xf32, #tpu.memory_space<vmem>> -> memref<128x16xf32, #tpu.memory_space<vmem>>
    %dma_start3A_45 = arith.constant 640 : i32
    %dma_start3A_46 = tpu.memref_slice %arg5[%dma_start3A_45] : memref<5120xi32, #tpu.memory_space<vmem>> -> memref<128xi32, #tpu.memory_space<vmem>>
    %dma_start3A_47 = arith.constant 0 : i32
    %dma_start3A_48 = arith.constant 0 : i32
    %dma_start3A_49 = tpu.memref_slice %arg3[%dma_start3A_47, %dma_start3A_48] : memref<1015808x16xf32, #tpu.memory_space<hbm>> -> memref<1015808x16xf32, #tpu.memory_space<hbm>>
    tpu.enqueue_indirect_dma source(%dma_start3A_49 : memref<1015808x16xf32, #tpu.memory_space<hbm>>) target(%dma_start3A_44 : memref<128x16xf32, #tpu.memory_space<vmem>>) offsets(%dma_start3A_46 : memref<128xi32, #tpu.memory_space<vmem>>) semaphore(%arg8 : memref<!tpu.dma_semaphore, #tpu.memory_space<semaphore_mem>>)
    %dma_start3A_50 = arith.constant 768 : i32
    %dma_start3A_51 = arith.constant 0 : i32
    %dma_start3A_52 = tpu.memref_slice %arg6[%dma_start3A_50, %dma_start3A_51] : memref<1280x16xf32, #tpu.memory_space<vmem>> -> memref<128x16xf32, #tpu.memory_space<vmem>>
    %dma_start3A_53 = arith.constant 768 : i32
    %dma_start3A_54 = tpu.memref_slice %arg5[%dma_start3A_53] : memref<5120xi32, #tpu.memory_space<vmem>> -> memref<128xi32, #tpu.memory_space<vmem>>
    %dma_start3A_55 = arith.constant 0 : i32
    %dma_start3A_56 = arith.constant 0 : i32
    %dma_start3A_57 = tpu.memref_slice %arg3[%dma_start3A_55, %dma_start3A_56] : memref<1015808x16xf32, #tpu.memory_space<hbm>> -> memref<1015808x16xf32, #tpu.memory_space<hbm>>
    tpu.enqueue_indirect_dma source(%dma_start3A_57 : memref<1015808x16xf32, #tpu.memory_space<hbm>>) target(%dma_start3A_52 : memref<128x16xf32, #tpu.memory_space<vmem>>) offsets(%dma_start3A_54 : memref<128xi32, #tpu.memory_space<vmem>>) semaphore(%arg8 : memref<!tpu.dma_semaphore, #tpu.memory_space<semaphore_mem>>)
    %dma_start3A_58 = arith.constant 896 : i32
    %dma_start3A_59 = arith.constant 0 : i32
    %dma_start3A_60 = tpu.memref_slice %arg6[%dma_start3A_58, %dma_start3A_59] : memref<1280x16xf32, #tpu.memory_space<vmem>> -> memref<128x16xf32, #tpu.memory_space<vmem>>
    %dma_start3A_61 = arith.constant 896 : i32
    %dma_start3A_62 = tpu.memref_slice %arg5[%dma_start3A_61] : memref<5120xi32, #tpu.memory_space<vmem>> -> memref<128xi32, #tpu.memory_space<vmem>>
    %dma_start3A_63 = arith.constant 0 : i32
    %dma_start3A_64 = arith.constant 0 : i32
    %dma_start3A_65 = tpu.memref_slice %arg3[%dma_start3A_63, %dma_start3A_64] : memref<1015808x16xf32, #tpu.memory_space<hbm>> -> memref<1015808x16xf32, #tpu.memory_space<hbm>>
    tpu.enqueue_indirect_dma source(%dma_start3A_65 : memref<1015808x16xf32, #tpu.memory_space<hbm>>) target(%dma_start3A_60 : memref<128x16xf32, #tpu.memory_space<vmem>>) offsets(%dma_start3A_62 : memref<128xi32, #tpu.memory_space<vmem>>) semaphore(%arg8 : memref<!tpu.dma_semaphore, #tpu.memory_space<semaphore_mem>>)
    %dma_start3A_66 = arith.constant 1024 : i32
    %dma_start3A_67 = arith.constant 0 : i32
    %dma_start3A_68 = tpu.memref_slice %arg6[%dma_start3A_66, %dma_start3A_67] : memref<1280x16xf32, #tpu.memory_space<vmem>> -> memref<128x16xf32, #tpu.memory_space<vmem>>
    %dma_start3A_69 = arith.constant 1024 : i32
    %dma_start3A_70 = tpu.memref_slice %arg5[%dma_start3A_69] : memref<5120xi32, #tpu.memory_space<vmem>> -> memref<128xi32, #tpu.memory_space<vmem>>
    %dma_start3A_71 = arith.constant 0 : i32
    %dma_start3A_72 = arith.constant 0 : i32
    %dma_start3A_73 = tpu.memref_slice %arg3[%dma_start3A_71, %dma_start3A_72] : memref<1015808x16xf32, #tpu.memory_space<hbm>> -> memref<1015808x16xf32, #tpu.memory_space<hbm>>
    tpu.enqueue_indirect_dma source(%dma_start3A_73 : memref<1015808x16xf32, #tpu.memory_space<hbm>>) target(%dma_start3A_68 : memref<128x16xf32, #tpu.memory_space<vmem>>) offsets(%dma_start3A_70 : memref<128xi32, #tpu.memory_space<vmem>>) semaphore(%arg8 : memref<!tpu.dma_semaphore, #tpu.memory_space<semaphore_mem>>)
    %dma_start3A_74 = arith.constant 1152 : i32
    %dma_start3A_75 = arith.constant 0 : i32
    %dma_start3A_76 = tpu.memref_slice %arg6[%dma_start3A_74, %dma_start3A_75] : memref<1280x16xf32, #tpu.memory_space<vmem>> -> memref<128x16xf32, #tpu.memory_space<vmem>>
    %dma_start3A_77 = arith.constant 1152 : i32
    %dma_start3A_78 = tpu.memref_slice %arg5[%dma_start3A_77] : memref<5120xi32, #tpu.memory_space<vmem>> -> memref<128xi32, #tpu.memory_space<vmem>>
    %dma_start3A_79 = arith.constant 0 : i32
    %dma_start3A_80 = arith.constant 0 : i32
    %dma_start3A_81 = tpu.memref_slice %arg3[%dma_start3A_79, %dma_start3A_80] : memref<1015808x16xf32, #tpu.memory_space<hbm>> -> memref<1015808x16xf32, #tpu.memory_space<hbm>>
    tpu.enqueue_indirect_dma source(%dma_start3A_81 : memref<1015808x16xf32, #tpu.memory_space<hbm>>) target(%dma_start3A_76 : memref<128x16xf32, #tpu.memory_space<vmem>>) offsets(%dma_start3A_78 : memref<128xi32, #tpu.memory_space<vmem>>) semaphore(%arg8 : memref<!tpu.dma_semaphore, #tpu.memory_space<semaphore_mem>>)
    %dma_wait3A = arith.constant 0 : i32
    %dma_wait3A_82 = arith.constant 0 : i32
    %dma_wait3A_83 = tpu.memref_slice %arg6[%dma_wait3A, %dma_wait3A_82] : memref<1280x16xf32, #tpu.memory_space<vmem>> -> memref<128x16xf32, #tpu.memory_space<vmem>>
    %dma_wait3A_84 = arith.constant 0 : i32
    %dma_wait3A_85 = tpu.memref_slice %arg5[%dma_wait3A_84] : memref<5120xi32, #tpu.memory_space<vmem>> -> memref<128xi32, #tpu.memory_space<vmem>>
    %dma_wait3A_86 = arith.constant 0 : i32
    %dma_wait3A_87 = arith.constant 0 : i32
    %dma_wait3A_88 = tpu.memref_slice %arg3[%dma_wait3A_86, %dma_wait3A_87] : memref<1015808x16xf32, #tpu.memory_space<hbm>> -> memref<1015808x16xf32, #tpu.memory_space<hbm>>
    tpu.wait_indirect_dma semaphore(%arg8 : memref<!tpu.dma_semaphore, #tpu.memory_space<semaphore_mem>>) src(%dma_wait3A_88 : memref<1015808x16xf32, #tpu.memory_space<hbm>>) dst(%dma_wait3A_83 : memref<128x16xf32, #tpu.memory_space<vmem>>)
    %dma_wait3A_89 = arith.constant 128 : i32
    %dma_wait3A_90 = arith.constant 0 : i32
    %dma_wait3A_91 = tpu.memref_slice %arg6[%dma_wait3A_89, %dma_wait3A_90] : memref<1280x16xf32, #tpu.memory_space<vmem>> -> memref<128x16xf32, #tpu.memory_space<vmem>>
    %dma_wait3A_92 = arith.constant 128 : i32
    %dma_wait3A_93 = tpu.memref_slice %arg5[%dma_wait3A_92] : memref<5120xi32, #tpu.memory_space<vmem>> -> memref<128xi32, #tpu.memory_space<vmem>>
    %dma_wait3A_94 = arith.constant 0 : i32
    %dma_wait3A_95 = arith.constant 0 : i32
    %dma_wait3A_96 = tpu.memref_slice %arg3[%dma_wait3A_94, %dma_wait3A_95] : memref<1015808x16xf32, #tpu.memory_space<hbm>> -> memref<1015808x16xf32, #tpu.memory_space<hbm>>
    tpu.wait_indirect_dma semaphore(%arg8 : memref<!tpu.dma_semaphore, #tpu.memory_space<semaphore_mem>>) src(%dma_wait3A_96 : memref<1015808x16xf32, #tpu.memory_space<hbm>>) dst(%dma_wait3A_91 : memref<128x16xf32, #tpu.memory_space<vmem>>)
    %dma_wait3A_97 = arith.constant 256 : i32
    %dma_wait3A_98 = arith.constant 0 : i32
    %dma_wait3A_99 = tpu.memref_slice %arg6[%dma_wait3A_97, %dma_wait3A_98] : memref<1280x16xf32, #tpu.memory_space<vmem>> -> memref<128x16xf32, #tpu.memory_space<vmem>>
    %dma_wait3A_100 = arith.constant 256 : i32
    %dma_wait3A_101 = tpu.memref_slice %arg5[%dma_wait3A_100] : memref<5120xi32, #tpu.memory_space<vmem>> -> memref<128xi32, #tpu.memory_space<vmem>>
    %dma_wait3A_102 = arith.constant 0 : i32
    %dma_wait3A_103 = arith.constant 0 : i32
    %dma_wait3A_104 = tpu.memref_slice %arg3[%dma_wait3A_102, %dma_wait3A_103] : memref<1015808x16xf32, #tpu.memory_space<hbm>> -> memref<1015808x16xf32, #tpu.memory_space<hbm>>
    tpu.wait_indirect_dma semaphore(%arg8 : memref<!tpu.dma_semaphore, #tpu.memory_space<semaphore_mem>>) src(%dma_wait3A_104 : memref<1015808x16xf32, #tpu.memory_space<hbm>>) dst(%dma_wait3A_99 : memref<128x16xf32, #tpu.memory_space<vmem>>)
    %dma_wait3A_105 = arith.constant 384 : i32
    %dma_wait3A_106 = arith.constant 0 : i32
    %dma_wait3A_107 = tpu.memref_slice %arg6[%dma_wait3A_105, %dma_wait3A_106] : memref<1280x16xf32, #tpu.memory_space<vmem>> -> memref<128x16xf32, #tpu.memory_space<vmem>>
    %dma_wait3A_108 = arith.constant 384 : i32
    %dma_wait3A_109 = tpu.memref_slice %arg5[%dma_wait3A_108] : memref<5120xi32, #tpu.memory_space<vmem>> -> memref<128xi32, #tpu.memory_space<vmem>>
    %dma_wait3A_110 = arith.constant 0 : i32
    %dma_wait3A_111 = arith.constant 0 : i32
    %dma_wait3A_112 = tpu.memref_slice %arg3[%dma_wait3A_110, %dma_wait3A_111] : memref<1015808x16xf32, #tpu.memory_space<hbm>> -> memref<1015808x16xf32, #tpu.memory_space<hbm>>
    tpu.wait_indirect_dma semaphore(%arg8 : memref<!tpu.dma_semaphore, #tpu.memory_space<semaphore_mem>>) src(%dma_wait3A_112 : memref<1015808x16xf32, #tpu.memory_space<hbm>>) dst(%dma_wait3A_107 : memref<128x16xf32, #tpu.memory_space<vmem>>)
    %dma_wait3A_113 = arith.constant 512 : i32
    %dma_wait3A_114 = arith.constant 0 : i32
    %dma_wait3A_115 = tpu.memref_slice %arg6[%dma_wait3A_113, %dma_wait3A_114] : memref<1280x16xf32, #tpu.memory_space<vmem>> -> memref<128x16xf32, #tpu.memory_space<vmem>>
    %dma_wait3A_116 = arith.constant 512 : i32
    %dma_wait3A_117 = tpu.memref_slice %arg5[%dma_wait3A_116] : memref<5120xi32, #tpu.memory_space<vmem>> -> memref<128xi32, #tpu.memory_space<vmem>>
    %dma_wait3A_118 = arith.constant 0 : i32
    %dma_wait3A_119 = arith.constant 0 : i32
    %dma_wait3A_120 = tpu.memref_slice %arg3[%dma_wait3A_118, %dma_wait3A_119] : memref<1015808x16xf32, #tpu.memory_space<hbm>> -> memref<1015808x16xf32, #tpu.memory_space<hbm>>
    tpu.wait_indirect_dma semaphore(%arg8 : memref<!tpu.dma_semaphore, #tpu.memory_space<semaphore_mem>>) src(%dma_wait3A_120 : memref<1015808x16xf32, #tpu.memory_space<hbm>>) dst(%dma_wait3A_115 : memref<128x16xf32, #tpu.memory_space<vmem>>)
    %dma_wait3A_121 = arith.constant 640 : i32
    %dma_wait3A_122 = arith.constant 0 : i32
    %dma_wait3A_123 = tpu.memref_slice %arg6[%dma_wait3A_121, %dma_wait3A_122] : memref<1280x16xf32, #tpu.memory_space<vmem>> -> memref<128x16xf32, #tpu.memory_space<vmem>>
    %dma_wait3A_124 = arith.constant 640 : i32
    %dma_wait3A_125 = tpu.memref_slice %arg5[%dma_wait3A_124] : memref<5120xi32, #tpu.memory_space<vmem>> -> memref<128xi32, #tpu.memory_space<vmem>>
    %dma_wait3A_126 = arith.constant 0 : i32
    %dma_wait3A_127 = arith.constant 0 : i32
    %dma_wait3A_128 = tpu.memref_slice %arg3[%dma_wait3A_126, %dma_wait3A_127] : memref<1015808x16xf32, #tpu.memory_space<hbm>> -> memref<1015808x16xf32, #tpu.memory_space<hbm>>
    tpu.wait_indirect_dma semaphore(%arg8 : memref<!tpu.dma_semaphore, #tpu.memory_space<semaphore_mem>>) src(%dma_wait3A_128 : memref<1015808x16xf32, #tpu.memory_space<hbm>>) dst(%dma_wait3A_123 : memref<128x16xf32, #tpu.memory_space<vmem>>)
    %dma_wait3A_129 = arith.constant 768 : i32
    %dma_wait3A_130 = arith.constant 0 : i32
    %dma_wait3A_131 = tpu.memref_slice %arg6[%dma_wait3A_129, %dma_wait3A_130] : memref<1280x16xf32, #tpu.memory_space<vmem>> -> memref<128x16xf32, #tpu.memory_space<vmem>>
    %dma_wait3A_132 = arith.constant 768 : i32
    %dma_wait3A_133 = tpu.memref_slice %arg5[%dma_wait3A_132] : memref<5120xi32, #tpu.memory_space<vmem>> -> memref<128xi32, #tpu.memory_space<vmem>>
    %dma_wait3A_134 = arith.constant 0 : i32
    %dma_wait3A_135 = arith.constant 0 : i32
    %dma_wait3A_136 = tpu.memref_slice %arg3[%dma_wait3A_134, %dma_wait3A_135] : memref<1015808x16xf32, #tpu.memory_space<hbm>> -> memref<1015808x16xf32, #tpu.memory_space<hbm>>
    tpu.wait_indirect_dma semaphore(%arg8 : memref<!tpu.dma_semaphore, #tpu.memory_space<semaphore_mem>>) src(%dma_wait3A_136 : memref<1015808x16xf32, #tpu.memory_space<hbm>>) dst(%dma_wait3A_131 : memref<128x16xf32, #tpu.memory_space<vmem>>)
    %dma_wait3A_137 = arith.constant 896 : i32
    %dma_wait3A_138 = arith.constant 0 : i32
    %dma_wait3A_139 = tpu.memref_slice %arg6[%dma_wait3A_137, %dma_wait3A_138] : memref<1280x16xf32, #tpu.memory_space<vmem>> -> memref<128x16xf32, #tpu.memory_space<vmem>>
    %dma_wait3A_140 = arith.constant 896 : i32
    %dma_wait3A_141 = tpu.memref_slice %arg5[%dma_wait3A_140] : memref<5120xi32, #tpu.memory_space<vmem>> -> memref<128xi32, #tpu.memory_space<vmem>>
    %dma_wait3A_142 = arith.constant 0 : i32
    %dma_wait3A_143 = arith.constant 0 : i32
    %dma_wait3A_144 = tpu.memref_slice %arg3[%dma_wait3A_142, %dma_wait3A_143] : memref<1015808x16xf32, #tpu.memory_space<hbm>> -> memref<1015808x16xf32, #tpu.memory_space<hbm>>
    tpu.wait_indirect_dma semaphore(%arg8 : memref<!tpu.dma_semaphore, #tpu.memory_space<semaphore_mem>>) src(%dma_wait3A_144 : memref<1015808x16xf32, #tpu.memory_space<hbm>>) dst(%dma_wait3A_139 : memref<128x16xf32, #tpu.memory_space<vmem>>)
    %dma_wait3A_145 = arith.constant 1024 : i32
    %dma_wait3A_146 = arith.constant 0 : i32
    %dma_wait3A_147 = tpu.memref_slice %arg6[%dma_wait3A_145, %dma_wait3A_146] : memref<1280x16xf32, #tpu.memory_space<vmem>> -> memref<128x16xf32, #tpu.memory_space<vmem>>
    %dma_wait3A_148 = arith.constant 1024 : i32
    %dma_wait3A_149 = tpu.memref_slice %arg5[%dma_wait3A_148] : memref<5120xi32, #tpu.memory_space<vmem>> -> memref<128xi32, #tpu.memory_space<vmem>>
    %dma_wait3A_150 = arith.constant 0 : i32
    %dma_wait3A_151 = arith.constant 0 : i32
    %dma_wait3A_152 = tpu.memref_slice %arg3[%dma_wait3A_150, %dma_wait3A_151] : memref<1015808x16xf32, #tpu.memory_space<hbm>> -> memref<1015808x16xf32, #tpu.memory_space<hbm>>
    tpu.wait_indirect_dma semaphore(%arg8 : memref<!tpu.dma_semaphore, #tpu.memory_space<semaphore_mem>>) src(%dma_wait3A_152 : memref<1015808x16xf32, #tpu.memory_space<hbm>>) dst(%dma_wait3A_147 : memref<128x16xf32, #tpu.memory_space<vmem>>)
    %dma_wait3A_153 = arith.constant 1152 : i32
    %dma_wait3A_154 = arith.constant 0 : i32
    %dma_wait3A_155 = tpu.memref_slice %arg6[%dma_wait3A_153, %dma_wait3A_154] : memref<1280x16xf32, #tpu.memory_space<vmem>> -> memref<128x16xf32, #tpu.memory_space<vmem>>
    %dma_wait3A_156 = arith.constant 1152 : i32
    %dma_wait3A_157 = tpu.memref_slice %arg5[%dma_wait3A_156] : memref<5120xi32, #tpu.memory_space<vmem>> -> memref<128xi32, #tpu.memory_space<vmem>>
    %dma_wait3A_158 = arith.constant 0 : i32
    %dma_wait3A_159 = arith.constant 0 : i32
    %dma_wait3A_160 = tpu.memref_slice %arg3[%dma_wait3A_158, %dma_wait3A_159] : memref<1015808x16xf32, #tpu.memory_space<hbm>> -> memref<1015808x16xf32, #tpu.memory_space<hbm>>
    tpu.wait_indirect_dma semaphore(%arg8 : memref<!tpu.dma_semaphore, #tpu.memory_space<semaphore_mem>>) src(%dma_wait3A_160 : memref<1015808x16xf32, #tpu.memory_space<hbm>>) dst(%dma_wait3A_155 : memref<128x16xf32, #tpu.memory_space<vmem>>)
    %scan3A = arith.constant 0 : i32
    %scan3A_161 = arith.constant 0 : i32
    %scan3A_162 = arith.constant 128 : i32
    %scan3A_163 = arith.addi %scan3A_161, %scan3A_162 : i32
    %scan3A_164 = arith.constant 1 : i32
    scf.for %scan3A_680 = %scan3A_161 to %scan3A_163 step %scan3A_164  : i32 {
      %mul3A_681 = arith.constant 10 : i32
      %mul3A_682 = arith.muli %scan3A_680, %mul3A_681 : i32
      %add3A_683 = arith.constant 0 : i32
      %add3A_684 = arith.addi %mul3A_682, %add3A_683 : i32
      %add3A_685 = arith.constant 0 : i32
      %add3A_686 = arith.addi %add3A_684, %add3A_685 : i32
      %get3A = arith.index_cast %add3A_686 : i32 to index
      %get3A_687 = arith.constant 0 : index
      %get3A_688 = tpu.vector_load %arg6[%get3A, %get3A_687] {strides = array<i32>} : memref<1280x16xf32, #tpu.memory_space<vmem>>, vector<16xf32>,
      %bitcast3A = vector.bitcast %get3A_688 : vector<16xf32> to vector<32xbf16>
      %unpack3A = tpu.unpack_subelements %bitcast3A, 0 {pack_format = #tpu.pack_format<interleaved>} : vector<32xbf16> -> vector<16xf32>
      %unpack3A_689 = tpu.unpack_subelements %bitcast3A, 1 {pack_format = #tpu.pack_format<interleaved>} : vector<32xbf16> -> vector<16xf32>
      %add3A_690 = arith.constant 0 : i32
      %add3A_691 = arith.addi %mul3A_682, %add3A_690 : i32
      %add3A_692 = arith.constant 1 : i32
      %add3A_693 = arith.addi %add3A_691, %add3A_692 : i32
      %get3A_694 = arith.index_cast %add3A_693 : i32 to index
      %get3A_695 = arith.constant 0 : index
      %get3A_696 = tpu.vector_load %arg6[%get3A_694, %get3A_695] {strides = array<i32>} : memref<1280x16xf32, #tpu.memory_space<vmem>>, vector<16xf32>,
      %bitcast3A_697 = vector.bitcast %get3A_696 : vector<16xf32> to vector<32xbf16>
      %unpack3A_698 = tpu.unpack_subelements %bitcast3A_697, 0 {pack_format = #tpu.pack_format<interleaved>} : vector<32xbf16> -> vector<16xf32>
      %unpack3A_699 = tpu.unpack_subelements %bitcast3A_697, 1 {pack_format = #tpu.pack_format<interleaved>} : vector<32xbf16> -> vector<16xf32>
      %add3A_700 = arith.addf %unpack3A, %unpack3A_698 : vector<16xf32>
      %add3A_701 = arith.addf %unpack3A_689, %unpack3A_699 : vector<16xf32>
      %add3A_702 = arith.constant 0 : i32
      %add3A_703 = arith.addi %mul3A_682, %add3A_702 : i32
      %add3A_704 = arith.constant 2 : i32
      %add3A_705 = arith.addi %add3A_703, %add3A_704 : i32
      %get3A_706 = arith.index_cast %add3A_705 : i32 to index
      %get3A_707 = arith.constant 0 : index
      %get3A_708 = tpu.vector_load %arg6[%get3A_706, %get3A_707] {strides = array<i32>} : memref<1280x16xf32, #tpu.memory_space<vmem>>, vector<16xf32>,
      %bitcast3A_709 = vector.bitcast %get3A_708 : vector<16xf32> to vector<32xbf16>
      %unpack3A_710 = tpu.unpack_subelements %bitcast3A_709, 0 {pack_format = #tpu.pack_format<interleaved>} : vector<32xbf16> -> vector<16xf32>
      %unpack3A_711 = tpu.unpack_subelements %bitcast3A_709, 1 {pack_format = #tpu.pack_format<interleaved>} : vector<32xbf16> -> vector<16xf32>
      %add3A_712 = arith.addf %add3A_700, %unpack3A_710 : vector<16xf32>
      %add3A_713 = arith.addf %add3A_701, %unpack3A_711 : vector<16xf32>
      %add3A_714 = arith.constant 0 : i32
      %add3A_715 = arith.addi %mul3A_682, %add3A_714 : i32
      %add3A_716 = arith.constant 3 : i32
      %add3A_717 = arith.addi %add3A_715, %add3A_716 : i32
      %get3A_718 = arith.index_cast %add3A_717 : i32 to index
      %get3A_719 = arith.constant 0 : index
      %get3A_720 = tpu.vector_load %arg6[%get3A_718, %get3A_719] {strides = array<i32>} : memref<1280x16xf32, #tpu.memory_space<vmem>>, vector<16xf32>,
      %bitcast3A_721 = vector.bitcast %get3A_720 : vector<16xf32> to vector<32xbf16>
      %unpack3A_722 = tpu.unpack_subelements %bitcast3A_721, 0 {pack_format = #tpu.pack_format<interleaved>} : vector<32xbf16> -> vector<16xf32>
      %unpack3A_723 = tpu.unpack_subelements %bitcast3A_721, 1 {pack_format = #tpu.pack_format<interleaved>} : vector<32xbf16> -> vector<16xf32>
      %add3A_724 = arith.addf %add3A_712, %unpack3A_722 : vector<16xf32>
      %add3A_725 = arith.addf %add3A_713, %unpack3A_723 : vector<16xf32>
      %add3A_726 = arith.constant 0 : i32
      %add3A_727 = arith.addi %mul3A_682, %add3A_726 : i32
      %add3A_728 = arith.constant 4 : i32
      %add3A_729 = arith.addi %add3A_727, %add3A_728 : i32
      %get3A_730 = arith.index_cast %add3A_729 : i32 to index
      %get3A_731 = arith.constant 0 : index
      %get3A_732 = tpu.vector_load %arg6[%get3A_730, %get3A_731] {strides = array<i32>} : memref<1280x16xf32, #tpu.memory_space<vmem>>, vector<16xf32>,
      %bitcast3A_733 = vector.bitcast %get3A_732 : vector<16xf32> to vector<32xbf16>
      %unpack3A_734 = tpu.unpack_subelements %bitcast3A_733, 0 {pack_format = #tpu.pack_format<interleaved>} : vector<32xbf16> -> vector<16xf32>
      %unpack3A_735 = tpu.unpack_subelements %bitcast3A_733, 1 {pack_format = #tpu.pack_format<interleaved>} : vector<32xbf16> -> vector<16xf32>
      %add3A_736 = arith.addf %add3A_724, %unpack3A_734 : vector<16xf32>
      %add3A_737 = arith.addf %add3A_725, %unpack3A_735 : vector<16xf32>
      %mul3A_738 = arith.constant 2.000000e-01 : f32
      %mul3A_739 = vector.broadcast %mul3A_738 : f32 to vector<16xf32>
      %mul3A_740 = arith.mulf %add3A_736, %mul3A_739 : vector<16xf32>
      %swap3A = arith.index_cast %scan3A_680 : i32 to index
      %swap3A_741 = arith.constant 0 : index
      %swap3A_742 = tpu.vector_load %arg7[%swap3A, %swap3A_741] {strides = array<i32>} : memref<128x64xf32, #tpu.memory_space<vmem>>, vector<16xf32>,
      tpu.vector_store %arg7[%swap3A, %swap3A_741], %mul3A_740 {strides = array<i32>} : memref<128x64xf32, #tpu.memory_space<vmem>>, vector<16xf32>,
      %mul3A_743 = arith.constant 2.000000e-01 : f32
      %mul3A_744 = vector.broadcast %mul3A_743 : f32 to vector<16xf32>
      %mul3A_745 = arith.mulf %add3A_737, %mul3A_744 : vector<16xf32>
      %swap3A_746 = arith.index_cast %scan3A_680 : i32 to index
      %swap3A_747 = arith.constant 16 : index
      %swap3A_748 = tpu.vector_load %arg7[%swap3A_746, %swap3A_747] {strides = array<i32>} : memref<128x64xf32, #tpu.memory_space<vmem>>, vector<16xf32>,
      tpu.vector_store %arg7[%swap3A_746, %swap3A_747], %mul3A_745 {strides = array<i32>} : memref<128x64xf32, #tpu.memory_space<vmem>>, vector<16xf32>,
      %add3A_749 = arith.constant 5 : i32
      %add3A_750 = arith.addi %mul3A_682, %add3A_749 : i32
      %add3A_751 = arith.constant 0 : i32
      %add3A_752 = arith.addi %add3A_750, %add3A_751 : i32
      %get3A_753 = arith.index_cast %add3A_752 : i32 to index
      %get3A_754 = arith.constant 0 : index
      %get3A_755 = tpu.vector_load %arg6[%get3A_753, %get3A_754] {strides = array<i32>} : memref<1280x16xf32, #tpu.memory_space<vmem>>, vector<16xf32>,
      %bitcast3A_756 = vector.bitcast %get3A_755 : vector<16xf32> to vector<32xbf16>
      %unpack3A_757 = tpu.unpack_subelements %bitcast3A_756, 0 {pack_format = #tpu.pack_format<interleaved>} : vector<32xbf16> -> vector<16xf32>
      %unpack3A_758 = tpu.unpack_subelements %bitcast3A_756, 1 {pack_format = #tpu.pack_format<interleaved>} : vector<32xbf16> -> vector<16xf32>
      %add3A_759 = arith.constant 5 : i32
      %add3A_760 = arith.addi %mul3A_682, %add3A_759 : i32
      %add3A_761 = arith.constant 1 : i32
      %add3A_762 = arith.addi %add3A_760, %add3A_761 : i32
      %get3A_763 = arith.index_cast %add3A_762 : i32 to index
      %get3A_764 = arith.constant 0 : index
      %get3A_765 = tpu.vector_load %arg6[%get3A_763, %get3A_764] {strides = array<i32>} : memref<1280x16xf32, #tpu.memory_space<vmem>>, vector<16xf32>,
      %bitcast3A_766 = vector.bitcast %get3A_765 : vector<16xf32> to vector<32xbf16>
      %unpack3A_767 = tpu.unpack_subelements %bitcast3A_766, 0 {pack_format = #tpu.pack_format<interleaved>} : vector<32xbf16> -> vector<16xf32>
      %unpack3A_768 = tpu.unpack_subelements %bitcast3A_766, 1 {pack_format = #tpu.pack_format<interleaved>} : vector<32xbf16> -> vector<16xf32>
      %add3A_769 = arith.addf %unpack3A_757, %unpack3A_767 : vector<16xf32>
      %add3A_770 = arith.addf %unpack3A_758, %unpack3A_768 : vector<16xf32>
      %add3A_771 = arith.constant 5 : i32
      %add3A_772 = arith.addi %mul3A_682, %add3A_771 : i32
      %add3A_773 = arith.constant 2 : i32
      %add3A_774 = arith.addi %add3A_772, %add3A_773 : i32
      %get3A_775 = arith.index_cast %add3A_774 : i32 to index
      %get3A_776 = arith.constant 0 : index
      %get3A_777 = tpu.vector_load %arg6[%get3A_775, %get3A_776] {strides = array<i32>} : memref<1280x16xf32, #tpu.memory_space<vmem>>, vector<16xf32>,
      %bitcast3A_778 = vector.bitcast %get3A_777 : vector<16xf32> to vector<32xbf16>
      %unpack3A_779 = tpu.unpack_subelements %bitcast3A_778, 0 {pack_format = #tpu.pack_format<interleaved>} : vector<32xbf16> -> vector<16xf32>
      %unpack3A_780 = tpu.unpack_subelements %bitcast3A_778, 1 {pack_format = #tpu.pack_format<interleaved>} : vector<32xbf16> -> vector<16xf32>
      %add3A_781 = arith.addf %add3A_769, %unpack3A_779 : vector<16xf32>
      %add3A_782 = arith.addf %add3A_770, %unpack3A_780 : vector<16xf32>
      %add3A_783 = arith.constant 5 : i32
      %add3A_784 = arith.addi %mul3A_682, %add3A_783 : i32
      %add3A_785 = arith.constant 3 : i32
      %add3A_786 = arith.addi %add3A_784, %add3A_785 : i32
      %get3A_787 = arith.index_cast %add3A_786 : i32 to index
      %get3A_788 = arith.constant 0 : index
      %get3A_789 = tpu.vector_load %arg6[%get3A_787, %get3A_788] {strides = array<i32>} : memref<1280x16xf32, #tpu.memory_space<vmem>>, vector<16xf32>,
      %bitcast3A_790 = vector.bitcast %get3A_789 : vector<16xf32> to vector<32xbf16>
      %unpack3A_791 = tpu.unpack_subelements %bitcast3A_790, 0 {pack_format = #tpu.pack_format<interleaved>} : vector<32xbf16> -> vector<16xf32>
      %unpack3A_792 = tpu.unpack_subelements %bitcast3A_790, 1 {pack_format = #tpu.pack_format<interleaved>} : vector<32xbf16> -> vector<16xf32>
      %add3A_793 = arith.addf %add3A_781, %unpack3A_791 : vector<16xf32>
      %add3A_794 = arith.addf %add3A_782, %unpack3A_792 : vector<16xf32>
      %add3A_795 = arith.constant 5 : i32
      %add3A_796 = arith.addi %mul3A_682, %add3A_795 : i32
      %add3A_797 = arith.constant 4 : i32
      %add3A_798 = arith.addi %add3A_796, %add3A_797 : i32
      %get3A_799 = arith.index_cast %add3A_798 : i32 to index
      %get3A_800 = arith.constant 0 : index
      %get3A_801 = tpu.vector_load %arg6[%get3A_799, %get3A_800] {strides = array<i32>} : memref<1280x16xf32, #tpu.memory_space<vmem>>, vector<16xf32>,
      %bitcast3A_802 = vector.bitcast %get3A_801 : vector<16xf32> to vector<32xbf16>
      %unpack3A_803 = tpu.unpack_subelements %bitcast3A_802, 0 {pack_format = #tpu.pack_format<interleaved>} : vector<32xbf16> -> vector<16xf32>
      %unpack3A_804 = tpu.unpack_subelements %bitcast3A_802, 1 {pack_format = #tpu.pack_format<interleaved>} : vector<32xbf16> -> vector<16xf32>
      %add3A_805 = arith.addf %add3A_793, %unpack3A_803 : vector<16xf32>
      %add3A_806 = arith.addf %add3A_794, %unpack3A_804 : vector<16xf32>
      %mul3A_807 = arith.constant 2.000000e-01 : f32
      %mul3A_808 = vector.broadcast %mul3A_807 : f32 to vector<16xf32>
      %mul3A_809 = arith.mulf %add3A_805, %mul3A_808 : vector<16xf32>
      %swap3A_810 = arith.index_cast %scan3A_680 : i32 to index
      %swap3A_811 = arith.constant 32 : index
      %swap3A_812 = tpu.vector_load %arg7[%swap3A_810, %swap3A_811] {strides = array<i32>} : memref<128x64xf32, #tpu.memory_space<vmem>>, vector<16xf32>,
      tpu.vector_store %arg7[%swap3A_810, %swap3A_811], %mul3A_809 {strides = array<i32>} : memref<128x64xf32, #tpu.memory_space<vmem>>, vector<16xf32>,
      %mul3A_813 = arith.constant 2.000000e-01 : f32
      %mul3A_814 = vector.broadcast %mul3A_813 : f32 to vector<16xf32>
      %mul3A_815 = arith.mulf %add3A_806, %mul3A_814 : vector<16xf32>
      %swap3A_816 = arith.index_cast %scan3A_680 : i32 to index
      %swap3A_817 = arith.constant 48 : index
      %swap3A_818 = tpu.vector_load %arg7[%swap3A_816, %swap3A_817] {strides = array<i32>} : memref<128x64xf32, #tpu.memory_space<vmem>>, vector<16xf32>,
      tpu.vector_store %arg7[%swap3A_816, %swap3A_817], %mul3A_815 {strides = array<i32>} : memref<128x64xf32, #tpu.memory_space<vmem>>, vector<16xf32>,
    }
    %scan3A_165 = arith.constant 128 : i32
    %mul3A_166 = arith.constant 512 : i32
    %mul3A_167 = arith.muli %add3A, %mul3A_166 : i32
    %add3A_168 = arith.constant 0 : i32
    %add3A_169 = arith.addi %mul3A_167, %add3A_168 : i32
    "tpu.region"() ({
      %run_scoped3A = tpu.sem_alloc : memref<!tpu.dma_semaphore, #tpu.memory_space<semaphore_mem>>
      %dma_start3A_680 = arith.constant 0 : i32
      %dma_start3A_681 = tpu.memref_slice %arg4[%add3A_169, %dma_start3A_680] : memref<16384x64xf32, #tpu.memory_space<hbm>> -> memref<128x64xf32, #tpu.memory_space<hbm>>
      %dma_start3A_682 = arith.constant 0 : i32
      %dma_start3A_683 = tpu.memref_slice %arg4[%add3A_169, %dma_start3A_682] : memref<16384x64xf32, #tpu.memory_space<hbm>> -> memref<128x64xf32, #tpu.memory_space<hbm>>
      tpu.enqueue_dma source(%arg7 : memref<128x64xf32, #tpu.memory_space<vmem>>) target(%dma_start3A_683 : memref<128x64xf32, #tpu.memory_space<hbm>>) target_semaphore(%run_scoped3A : memref<!tpu.dma_semaphore, #tpu.memory_space<semaphore_mem>>)
      %dma_wait3A_684 = arith.constant 0 : i32
      %dma_wait3A_685 = tpu.memref_slice %arg4[%add3A_169, %dma_wait3A_684] : memref<16384x64xf32, #tpu.memory_space<hbm>> -> memref<128x64xf32, #tpu.memory_space<hbm>>
      %dma_wait3A_686 = arith.constant 0 : i32
      %dma_wait3A_687 = tpu.memref_slice %arg4[%add3A_169, %dma_wait3A_686] : memref<16384x64xf32, #tpu.memory_space<hbm>> -> memref<128x64xf32, #tpu.memory_space<hbm>>
      tpu.wait_dma2 semaphore(%run_scoped3A : memref<!tpu.dma_semaphore, #tpu.memory_space<semaphore_mem>>) src(%arg7 : memref<128x64xf32, #tpu.memory_space<vmem>>) dst(%dma_wait3A_687 : memref<128x64xf32, #tpu.memory_space<hbm>>)
      tpu.yield
    }) : () -> ()
    %dma_start3A_170 = arith.constant 0 : i32
    %dma_start3A_171 = arith.constant 0 : i32
    %dma_start3A_172 = tpu.memref_slice %arg6[%dma_start3A_170, %dma_start3A_171] : memref<1280x16xf32, #tpu.memory_space<vmem>> -> memref<128x16xf32, #tpu.memory_space<vmem>>
    %dma_start3A_173 = arith.constant 1280 : i32
    %dma_start3A_174 = tpu.memref_slice %arg5[%dma_start3A_173] : memref<5120xi32, #tpu.memory_space<vmem>> -> memref<128xi32, #tpu.memory_space<vmem>>
    %dma_start3A_175 = arith.constant 0 : i32
    %dma_start3A_176 = arith.constant 0 : i32
    %dma_start3A_177 = tpu.memref_slice %arg3[%dma_start3A_175, %dma_start3A_176] : memref<1015808x16xf32, #tpu.memory_space<hbm>> -> memref<1015808x16xf32, #tpu.memory_space<hbm>>
    tpu.enqueue_indirect_dma source(%dma_start3A_177 : memref<1015808x16xf32, #tpu.memory_space<hbm>>) target(%dma_start3A_172 : memref<128x16xf32, #tpu.memory_space<vmem>>) offsets(%dma_start3A_174 : memref<128xi32, #tpu.memory_space<vmem>>) semaphore(%arg8 : memref<!tpu.dma_semaphore, #tpu.memory_space<semaphore_mem>>)
    %dma_start3A_178 = arith.constant 128 : i32
    %dma_start3A_179 = arith.constant 0 : i32
    %dma_start3A_180 = tpu.memref_slice %arg6[%dma_start3A_178, %dma_start3A_179] : memref<1280x16xf32, #tpu.memory_space<vmem>> -> memref<128x16xf32, #tpu.memory_space<vmem>>
    %dma_start3A_181 = arith.constant 1408 : i32
    %dma_start3A_182 = tpu.memref_slice %arg5[%dma_start3A_181] : memref<5120xi32, #tpu.memory_space<vmem>> -> memref<128xi32, #tpu.memory_space<vmem>>
    %dma_start3A_183 = arith.constant 0 : i32
    %dma_start3A_184 = arith.constant 0 : i32
    %dma_start3A_185 = tpu.memref_slice %arg3[%dma_start3A_183, %dma_start3A_184] : memref<1015808x16xf32, #tpu.memory_space<hbm>> -> memref<1015808x16xf32, #tpu.memory_space<hbm>>
    tpu.enqueue_indirect_dma source(%dma_start3A_185 : memref<1015808x16xf32, #tpu.memory_space<hbm>>) target(%dma_start3A_180 : memref<128x16xf32, #tpu.memory_space<vmem>>) offsets(%dma_start3A_182 : memref<128xi32, #tpu.memory_space<vmem>>) semaphore(%arg8 : memref<!tpu.dma_semaphore, #tpu.memory_space<semaphore_mem>>)
    %dma_start3A_186 = arith.constant 256 : i32
    %dma_start3A_187 = arith.constant 0 : i32
    %dma_start3A_188 = tpu.memref_slice %arg6[%dma_start3A_186, %dma_start3A_187] : memref<1280x16xf32, #tpu.memory_space<vmem>> -> memref<128x16xf32, #tpu.memory_space<vmem>>
    %dma_start3A_189 = arith.constant 1536 : i32
    %dma_start3A_190 = tpu.memref_slice %arg5[%dma_start3A_189] : memref<5120xi32, #tpu.memory_space<vmem>> -> memref<128xi32, #tpu.memory_space<vmem>>
    %dma_start3A_191 = arith.constant 0 : i32
    %dma_start3A_192 = arith.constant 0 : i32
    %dma_start3A_193 = tpu.memref_slice %arg3[%dma_start3A_191, %dma_start3A_192] : memref<1015808x16xf32, #tpu.memory_space<hbm>> -> memref<1015808x16xf32, #tpu.memory_space<hbm>>
    tpu.enqueue_indirect_dma source(%dma_start3A_193 : memref<1015808x16xf32, #tpu.memory_space<hbm>>) target(%dma_start3A_188 : memref<128x16xf32, #tpu.memory_space<vmem>>) offsets(%dma_start3A_190 : memref<128xi32, #tpu.memory_space<vmem>>) semaphore(%arg8 : memref<!tpu.dma_semaphore, #tpu.memory_space<semaphore_mem>>)
    %dma_start3A_194 = arith.constant 384 : i32
    %dma_start3A_195 = arith.constant 0 : i32
    %dma_start3A_196 = tpu.memref_slice %arg6[%dma_start3A_194, %dma_start3A_195] : memref<1280x16xf32, #tpu.memory_space<vmem>> -> memref<128x16xf32, #tpu.memory_space<vmem>>
    %dma_start3A_197 = arith.constant 1664 : i32
    %dma_start3A_198 = tpu.memref_slice %arg5[%dma_start3A_197] : memref<5120xi32, #tpu.memory_space<vmem>> -> memref<128xi32, #tpu.memory_space<vmem>>
    %dma_start3A_199 = arith.constant 0 : i32
    %dma_start3A_200 = arith.constant 0 : i32
    %dma_start3A_201 = tpu.memref_slice %arg3[%dma_start3A_199, %dma_start3A_200] : memref<1015808x16xf32, #tpu.memory_space<hbm>> -> memref<1015808x16xf32, #tpu.memory_space<hbm>>
    tpu.enqueue_indirect_dma source(%dma_start3A_201 : memref<1015808x16xf32, #tpu.memory_space<hbm>>) target(%dma_start3A_196 : memref<128x16xf32, #tpu.memory_space<vmem>>) offsets(%dma_start3A_198 : memref<128xi32, #tpu.memory_space<vmem>>) semaphore(%arg8 : memref<!tpu.dma_semaphore, #tpu.memory_space<semaphore_mem>>)
    %dma_start3A_202 = arith.constant 512 : i32
    %dma_start3A_203 = arith.constant 0 : i32
    %dma_start3A_204 = tpu.memref_slice %arg6[%dma_start3A_202, %dma_start3A_203] : memref<1280x16xf32, #tpu.memory_space<vmem>> -> memref<128x16xf32, #tpu.memory_space<vmem>>
    %dma_start3A_205 = arith.constant 1792 : i32
    %dma_start3A_206 = tpu.memref_slice %arg5[%dma_start3A_205] : memref<5120xi32, #tpu.memory_space<vmem>> -> memref<128xi32, #tpu.memory_space<vmem>>
    %dma_start3A_207 = arith.constant 0 : i32
    %dma_start3A_208 = arith.constant 0 : i32
    %dma_start3A_209 = tpu.memref_slice %arg3[%dma_start3A_207, %dma_start3A_208] : memref<1015808x16xf32, #tpu.memory_space<hbm>> -> memref<1015808x16xf32, #tpu.memory_space<hbm>>
    tpu.enqueue_indirect_dma source(%dma_start3A_209 : memref<1015808x16xf32, #tpu.memory_space<hbm>>) target(%dma_start3A_204 : memref<128x16xf32, #tpu.memory_space<vmem>>) offsets(%dma_start3A_206 : memref<128xi32, #tpu.memory_space<vmem>>) semaphore(%arg8 : memref<!tpu.dma_semaphore, #tpu.memory_space<semaphore_mem>>)
    %dma_start3A_210 = arith.constant 640 : i32
    %dma_start3A_211 = arith.constant 0 : i32
    %dma_start3A_212 = tpu.memref_slice %arg6[%dma_start3A_210, %dma_start3A_211] : memref<1280x16xf32, #tpu.memory_space<vmem>> -> memref<128x16xf32, #tpu.memory_space<vmem>>
    %dma_start3A_213 = arith.constant 1920 : i32
    %dma_start3A_214 = tpu.memref_slice %arg5[%dma_start3A_213] : memref<5120xi32, #tpu.memory_space<vmem>> -> memref<128xi32, #tpu.memory_space<vmem>>
    %dma_start3A_215 = arith.constant 0 : i32
    %dma_start3A_216 = arith.constant 0 : i32
    %dma_start3A_217 = tpu.memref_slice %arg3[%dma_start3A_215, %dma_start3A_216] : memref<1015808x16xf32, #tpu.memory_space<hbm>> -> memref<1015808x16xf32, #tpu.memory_space<hbm>>
    tpu.enqueue_indirect_dma source(%dma_start3A_217 : memref<1015808x16xf32, #tpu.memory_space<hbm>>) target(%dma_start3A_212 : memref<128x16xf32, #tpu.memory_space<vmem>>) offsets(%dma_start3A_214 : memref<128xi32, #tpu.memory_space<vmem>>) semaphore(%arg8 : memref<!tpu.dma_semaphore, #tpu.memory_space<semaphore_mem>>)
    %dma_start3A_218 = arith.constant 768 : i32
    %dma_start3A_219 = arith.constant 0 : i32
    %dma_start3A_220 = tpu.memref_slice %arg6[%dma_start3A_218, %dma_start3A_219] : memref<1280x16xf32, #tpu.memory_space<vmem>> -> memref<128x16xf32, #tpu.memory_space<vmem>>
    %dma_start3A_221 = arith.constant 2048 : i32
    %dma_start3A_222 = tpu.memref_slice %arg5[%dma_start3A_221] : memref<5120xi32, #tpu.memory_space<vmem>> -> memref<128xi32, #tpu.memory_space<vmem>>
    %dma_start3A_223 = arith.constant 0 : i32
    %dma_start3A_224 = arith.constant 0 : i32
    %dma_start3A_225 = tpu.memref_slice %arg3[%dma_start3A_223, %dma_start3A_224] : memref<1015808x16xf32, #tpu.memory_space<hbm>> -> memref<1015808x16xf32, #tpu.memory_space<hbm>>
    tpu.enqueue_indirect_dma source(%dma_start3A_225 : memref<1015808x16xf32, #tpu.memory_space<hbm>>) target(%dma_start3A_220 : memref<128x16xf32, #tpu.memory_space<vmem>>) offsets(%dma_start3A_222 : memref<128xi32, #tpu.memory_space<vmem>>) semaphore(%arg8 : memref<!tpu.dma_semaphore, #tpu.memory_space<semaphore_mem>>)
    %dma_start3A_226 = arith.constant 896 : i32
    %dma_start3A_227 = arith.constant 0 : i32
    %dma_start3A_228 = tpu.memref_slice %arg6[%dma_start3A_226, %dma_start3A_227] : memref<1280x16xf32, #tpu.memory_space<vmem>> -> memref<128x16xf32, #tpu.memory_space<vmem>>
    %dma_start3A_229 = arith.constant 2176 : i32
    %dma_start3A_230 = tpu.memref_slice %arg5[%dma_start3A_229] : memref<5120xi32, #tpu.memory_space<vmem>> -> memref<128xi32, #tpu.memory_space<vmem>>
    %dma_start3A_231 = arith.constant 0 : i32
    %dma_start3A_232 = arith.constant 0 : i32
    %dma_start3A_233 = tpu.memref_slice %arg3[%dma_start3A_231, %dma_start3A_232] : memref<1015808x16xf32, #tpu.memory_space<hbm>> -> memref<1015808x16xf32, #tpu.memory_space<hbm>>
    tpu.enqueue_indirect_dma source(%dma_start3A_233 : memref<1015808x16xf32, #tpu.memory_space<hbm>>) target(%dma_start3A_228 : memref<128x16xf32, #tpu.memory_space<vmem>>) offsets(%dma_start3A_230 : memref<128xi32, #tpu.memory_space<vmem>>) semaphore(%arg8 : memref<!tpu.dma_semaphore, #tpu.memory_space<semaphore_mem>>)
    %dma_start3A_234 = arith.constant 1024 : i32
    %dma_start3A_235 = arith.constant 0 : i32
    %dma_start3A_236 = tpu.memref_slice %arg6[%dma_start3A_234, %dma_start3A_235] : memref<1280x16xf32, #tpu.memory_space<vmem>> -> memref<128x16xf32, #tpu.memory_space<vmem>>
    %dma_start3A_237 = arith.constant 2304 : i32
    %dma_start3A_238 = tpu.memref_slice %arg5[%dma_start3A_237] : memref<5120xi32, #tpu.memory_space<vmem>> -> memref<128xi32, #tpu.memory_space<vmem>>
    %dma_start3A_239 = arith.constant 0 : i32
    %dma_start3A_240 = arith.constant 0 : i32
    %dma_start3A_241 = tpu.memref_slice %arg3[%dma_start3A_239, %dma_start3A_240] : memref<1015808x16xf32, #tpu.memory_space<hbm>> -> memref<1015808x16xf32, #tpu.memory_space<hbm>>
    tpu.enqueue_indirect_dma source(%dma_start3A_241 : memref<1015808x16xf32, #tpu.memory_space<hbm>>) target(%dma_start3A_236 : memref<128x16xf32, #tpu.memory_space<vmem>>) offsets(%dma_start3A_238 : memref<128xi32, #tpu.memory_space<vmem>>) semaphore(%arg8 : memref<!tpu.dma_semaphore, #tpu.memory_space<semaphore_mem>>)
    %dma_start3A_242 = arith.constant 1152 : i32
    %dma_start3A_243 = arith.constant 0 : i32
    %dma_start3A_244 = tpu.memref_slice %arg6[%dma_start3A_242, %dma_start3A_243] : memref<1280x16xf32, #tpu.memory_space<vmem>> -> memref<128x16xf32, #tpu.memory_space<vmem>>
    %dma_start3A_245 = arith.constant 2432 : i32
    %dma_start3A_246 = tpu.memref_slice %arg5[%dma_start3A_245] : memref<5120xi32, #tpu.memory_space<vmem>> -> memref<128xi32, #tpu.memory_space<vmem>>
    %dma_start3A_247 = arith.constant 0 : i32
    %dma_start3A_248 = arith.constant 0 : i32
    %dma_start3A_249 = tpu.memref_slice %arg3[%dma_start3A_247, %dma_start3A_248] : memref<1015808x16xf32, #tpu.memory_space<hbm>> -> memref<1015808x16xf32, #tpu.memory_space<hbm>>
    tpu.enqueue_indirect_dma source(%dma_start3A_249 : memref<1015808x16xf32, #tpu.memory_space<hbm>>) target(%dma_start3A_244 : memref<128x16xf32, #tpu.memory_space<vmem>>) offsets(%dma_start3A_246 : memref<128xi32, #tpu.memory_space<vmem>>) semaphore(%arg8 : memref<!tpu.dma_semaphore, #tpu.memory_space<semaphore_mem>>)
    %dma_wait3A_250 = arith.constant 0 : i32
    %dma_wait3A_251 = arith.constant 0 : i32
    %dma_wait3A_252 = tpu.memref_slice %arg6[%dma_wait3A_250, %dma_wait3A_251] : memref<1280x16xf32, #tpu.memory_space<vmem>> -> memref<128x16xf32, #tpu.memory_space<vmem>>
    %dma_wait3A_253 = arith.constant 1280 : i32
    %dma_wait3A_254 = tpu.memref_slice %arg5[%dma_wait3A_253] : memref<5120xi32, #tpu.memory_space<vmem>> -> memref<128xi32, #tpu.memory_space<vmem>>
    %dma_wait3A_255 = arith.constant 0 : i32
    %dma_wait3A_256 = arith.constant 0 : i32
    %dma_wait3A_257 = tpu.memref_slice %arg3[%dma_wait3A_255, %dma_wait3A_256] : memref<1015808x16xf32, #tpu.memory_space<hbm>> -> memref<1015808x16xf32, #tpu.memory_space<hbm>>
    tpu.wait_indirect_dma semaphore(%arg8 : memref<!tpu.dma_semaphore, #tpu.memory_space<semaphore_mem>>) src(%dma_wait3A_257 : memref<1015808x16xf32, #tpu.memory_space<hbm>>) dst(%dma_wait3A_252 : memref<128x16xf32, #tpu.memory_space<vmem>>)
    %dma_wait3A_258 = arith.constant 128 : i32
    %dma_wait3A_259 = arith.constant 0 : i32
    %dma_wait3A_260 = tpu.memref_slice %arg6[%dma_wait3A_258, %dma_wait3A_259] : memref<1280x16xf32, #tpu.memory_space<vmem>> -> memref<128x16xf32, #tpu.memory_space<vmem>>
    %dma_wait3A_261 = arith.constant 1408 : i32
    %dma_wait3A_262 = tpu.memref_slice %arg5[%dma_wait3A_261] : memref<5120xi32, #tpu.memory_space<vmem>> -> memref<128xi32, #tpu.memory_space<vmem>>
    %dma_wait3A_263 = arith.constant 0 : i32
    %dma_wait3A_264 = arith.constant 0 : i32
    %dma_wait3A_265 = tpu.memref_slice %arg3[%dma_wait3A_263, %dma_wait3A_264] : memref<1015808x16xf32, #tpu.memory_space<hbm>> -> memref<1015808x16xf32, #tpu.memory_space<hbm>>
    tpu.wait_indirect_dma semaphore(%arg8 : memref<!tpu.dma_semaphore, #tpu.memory_space<semaphore_mem>>) src(%dma_wait3A_265 : memref<1015808x16xf32, #tpu.memory_space<hbm>>) dst(%dma_wait3A_260 : memref<128x16xf32, #tpu.memory_space<vmem>>)
    %dma_wait3A_266 = arith.constant 256 : i32
    %dma_wait3A_267 = arith.constant 0 : i32
    %dma_wait3A_268 = tpu.memref_slice %arg6[%dma_wait3A_266, %dma_wait3A_267] : memref<1280x16xf32, #tpu.memory_space<vmem>> -> memref<128x16xf32, #tpu.memory_space<vmem>>
    %dma_wait3A_269 = arith.constant 1536 : i32
    %dma_wait3A_270 = tpu.memref_slice %arg5[%dma_wait3A_269] : memref<5120xi32, #tpu.memory_space<vmem>> -> memref<128xi32, #tpu.memory_space<vmem>>
    %dma_wait3A_271 = arith.constant 0 : i32
    %dma_wait3A_272 = arith.constant 0 : i32
    %dma_wait3A_273 = tpu.memref_slice %arg3[%dma_wait3A_271, %dma_wait3A_272] : memref<1015808x16xf32, #tpu.memory_space<hbm>> -> memref<1015808x16xf32, #tpu.memory_space<hbm>>
    tpu.wait_indirect_dma semaphore(%arg8 : memref<!tpu.dma_semaphore, #tpu.memory_space<semaphore_mem>>) src(%dma_wait3A_273 : memref<1015808x16xf32, #tpu.memory_space<hbm>>) dst(%dma_wait3A_268 : memref<128x16xf32, #tpu.memory_space<vmem>>)
    %dma_wait3A_274 = arith.constant 384 : i32
    %dma_wait3A_275 = arith.constant 0 : i32
    %dma_wait3A_276 = tpu.memref_slice %arg6[%dma_wait3A_274, %dma_wait3A_275] : memref<1280x16xf32, #tpu.memory_space<vmem>> -> memref<128x16xf32, #tpu.memory_space<vmem>>
    %dma_wait3A_277 = arith.constant 1664 : i32
    %dma_wait3A_278 = tpu.memref_slice %arg5[%dma_wait3A_277] : memref<5120xi32, #tpu.memory_space<vmem>> -> memref<128xi32, #tpu.memory_space<vmem>>
    %dma_wait3A_279 = arith.constant 0 : i32
    %dma_wait3A_280 = arith.constant 0 : i32
    %dma_wait3A_281 = tpu.memref_slice %arg3[%dma_wait3A_279, %dma_wait3A_280] : memref<1015808x16xf32, #tpu.memory_space<hbm>> -> memref<1015808x16xf32, #tpu.memory_space<hbm>>
    tpu.wait_indirect_dma semaphore(%arg8 : memref<!tpu.dma_semaphore, #tpu.memory_space<semaphore_mem>>) src(%dma_wait3A_281 : memref<1015808x16xf32, #tpu.memory_space<hbm>>) dst(%dma_wait3A_276 : memref<128x16xf32, #tpu.memory_space<vmem>>)
    %dma_wait3A_282 = arith.constant 512 : i32
    %dma_wait3A_283 = arith.constant 0 : i32
    %dma_wait3A_284 = tpu.memref_slice %arg6[%dma_wait3A_282, %dma_wait3A_283] : memref<1280x16xf32, #tpu.memory_space<vmem>> -> memref<128x16xf32, #tpu.memory_space<vmem>>
    %dma_wait3A_285 = arith.constant 1792 : i32
    %dma_wait3A_286 = tpu.memref_slice %arg5[%dma_wait3A_285] : memref<5120xi32, #tpu.memory_space<vmem>> -> memref<128xi32, #tpu.memory_space<vmem>>
    %dma_wait3A_287 = arith.constant 0 : i32
    %dma_wait3A_288 = arith.constant 0 : i32
    %dma_wait3A_289 = tpu.memref_slice %arg3[%dma_wait3A_287, %dma_wait3A_288] : memref<1015808x16xf32, #tpu.memory_space<hbm>> -> memref<1015808x16xf32, #tpu.memory_space<hbm>>
    tpu.wait_indirect_dma semaphore(%arg8 : memref<!tpu.dma_semaphore, #tpu.memory_space<semaphore_mem>>) src(%dma_wait3A_289 : memref<1015808x16xf32, #tpu.memory_space<hbm>>) dst(%dma_wait3A_284 : memref<128x16xf32, #tpu.memory_space<vmem>>)
    %dma_wait3A_290 = arith.constant 640 : i32
    %dma_wait3A_291 = arith.constant 0 : i32
    %dma_wait3A_292 = tpu.memref_slice %arg6[%dma_wait3A_290, %dma_wait3A_291] : memref<1280x16xf32, #tpu.memory_space<vmem>> -> memref<128x16xf32, #tpu.memory_space<vmem>>
    %dma_wait3A_293 = arith.constant 1920 : i32
    %dma_wait3A_294 = tpu.memref_slice %arg5[%dma_wait3A_293] : memref<5120xi32, #tpu.memory_space<vmem>> -> memref<128xi32, #tpu.memory_space<vmem>>
    %dma_wait3A_295 = arith.constant 0 : i32
    %dma_wait3A_296 = arith.constant 0 : i32
    %dma_wait3A_297 = tpu.memref_slice %arg3[%dma_wait3A_295, %dma_wait3A_296] : memref<1015808x16xf32, #tpu.memory_space<hbm>> -> memref<1015808x16xf32, #tpu.memory_space<hbm>>
    tpu.wait_indirect_dma semaphore(%arg8 : memref<!tpu.dma_semaphore, #tpu.memory_space<semaphore_mem>>) src(%dma_wait3A_297 : memref<1015808x16xf32, #tpu.memory_space<hbm>>) dst(%dma_wait3A_292 : memref<128x16xf32, #tpu.memory_space<vmem>>)
    %dma_wait3A_298 = arith.constant 768 : i32
    %dma_wait3A_299 = arith.constant 0 : i32
    %dma_wait3A_300 = tpu.memref_slice %arg6[%dma_wait3A_298, %dma_wait3A_299] : memref<1280x16xf32, #tpu.memory_space<vmem>> -> memref<128x16xf32, #tpu.memory_space<vmem>>
    %dma_wait3A_301 = arith.constant 2048 : i32
    %dma_wait3A_302 = tpu.memref_slice %arg5[%dma_wait3A_301] : memref<5120xi32, #tpu.memory_space<vmem>> -> memref<128xi32, #tpu.memory_space<vmem>>
    %dma_wait3A_303 = arith.constant 0 : i32
    %dma_wait3A_304 = arith.constant 0 : i32
    %dma_wait3A_305 = tpu.memref_slice %arg3[%dma_wait3A_303, %dma_wait3A_304] : memref<1015808x16xf32, #tpu.memory_space<hbm>> -> memref<1015808x16xf32, #tpu.memory_space<hbm>>
    tpu.wait_indirect_dma semaphore(%arg8 : memref<!tpu.dma_semaphore, #tpu.memory_space<semaphore_mem>>) src(%dma_wait3A_305 : memref<1015808x16xf32, #tpu.memory_space<hbm>>) dst(%dma_wait3A_300 : memref<128x16xf32, #tpu.memory_space<vmem>>)
    %dma_wait3A_306 = arith.constant 896 : i32
    %dma_wait3A_307 = arith.constant 0 : i32
    %dma_wait3A_308 = tpu.memref_slice %arg6[%dma_wait3A_306, %dma_wait3A_307] : memref<1280x16xf32, #tpu.memory_space<vmem>> -> memref<128x16xf32, #tpu.memory_space<vmem>>
    %dma_wait3A_309 = arith.constant 2176 : i32
    %dma_wait3A_310 = tpu.memref_slice %arg5[%dma_wait3A_309] : memref<5120xi32, #tpu.memory_space<vmem>> -> memref<128xi32, #tpu.memory_space<vmem>>
    %dma_wait3A_311 = arith.constant 0 : i32
    %dma_wait3A_312 = arith.constant 0 : i32
    %dma_wait3A_313 = tpu.memref_slice %arg3[%dma_wait3A_311, %dma_wait3A_312] : memref<1015808x16xf32, #tpu.memory_space<hbm>> -> memref<1015808x16xf32, #tpu.memory_space<hbm>>
    tpu.wait_indirect_dma semaphore(%arg8 : memref<!tpu.dma_semaphore, #tpu.memory_space<semaphore_mem>>) src(%dma_wait3A_313 : memref<1015808x16xf32, #tpu.memory_space<hbm>>) dst(%dma_wait3A_308 : memref<128x16xf32, #tpu.memory_space<vmem>>)
    %dma_wait3A_314 = arith.constant 1024 : i32
    %dma_wait3A_315 = arith.constant 0 : i32
    %dma_wait3A_316 = tpu.memref_slice %arg6[%dma_wait3A_314, %dma_wait3A_315] : memref<1280x16xf32, #tpu.memory_space<vmem>> -> memref<128x16xf32, #tpu.memory_space<vmem>>
    %dma_wait3A_317 = arith.constant 2304 : i32
    %dma_wait3A_318 = tpu.memref_slice %arg5[%dma_wait3A_317] : memref<5120xi32, #tpu.memory_space<vmem>> -> memref<128xi32, #tpu.memory_space<vmem>>
    %dma_wait3A_319 = arith.constant 0 : i32
    %dma_wait3A_320 = arith.constant 0 : i32
    %dma_wait3A_321 = tpu.memref_slice %arg3[%dma_wait3A_319, %dma_wait3A_320] : memref<1015808x16xf32, #tpu.memory_space<hbm>> -> memref<1015808x16xf32, #tpu.memory_space<hbm>>
    tpu.wait_indirect_dma semaphore(%arg8 : memref<!tpu.dma_semaphore, #tpu.memory_space<semaphore_mem>>) src(%dma_wait3A_321 : memref<1015808x16xf32, #tpu.memory_space<hbm>>) dst(%dma_wait3A_316 : memref<128x16xf32, #tpu.memory_space<vmem>>)
    %dma_wait3A_322 = arith.constant 1152 : i32
    %dma_wait3A_323 = arith.constant 0 : i32
    %dma_wait3A_324 = tpu.memref_slice %arg6[%dma_wait3A_322, %dma_wait3A_323] : memref<1280x16xf32, #tpu.memory_space<vmem>> -> memref<128x16xf32, #tpu.memory_space<vmem>>
    %dma_wait3A_325 = arith.constant 2432 : i32
    %dma_wait3A_326 = tpu.memref_slice %arg5[%dma_wait3A_325] : memref<5120xi32, #tpu.memory_space<vmem>> -> memref<128xi32, #tpu.memory_space<vmem>>
    %dma_wait3A_327 = arith.constant 0 : i32
    %dma_wait3A_328 = arith.constant 0 : i32
    %dma_wait3A_329 = tpu.memref_slice %arg3[%dma_wait3A_327, %dma_wait3A_328] : memref<1015808x16xf32, #tpu.memory_space<hbm>> -> memref<1015808x16xf32, #tpu.memory_space<hbm>>
    tpu.wait_indirect_dma semaphore(%arg8 : memref<!tpu.dma_semaphore, #tpu.memory_space<semaphore_mem>>) src(%dma_wait3A_329 : memref<1015808x16xf32, #tpu.memory_space<hbm>>) dst(%dma_wait3A_324 : memref<128x16xf32, #tpu.memory_space<vmem>>)
    %scan3A_330 = arith.constant 0 : i32
    %scan3A_331 = arith.constant 0 : i32
    %scan3A_332 = arith.constant 128 : i32
    %scan3A_333 = arith.addi %scan3A_331, %scan3A_332 : i32
    %scan3A_334 = arith.constant 1 : i32
    scf.for %scan3A_680 = %scan3A_331 to %scan3A_333 step %scan3A_334  : i32 {
      %mul3A_681 = arith.constant 10 : i32
      %mul3A_682 = arith.muli %scan3A_680, %mul3A_681 : i32
      %add3A_683 = arith.constant 0 : i32
      %add3A_684 = arith.addi %mul3A_682, %add3A_683 : i32
      %add3A_685 = arith.constant 0 : i32
      %add3A_686 = arith.addi %add3A_684, %add3A_685 : i32
      %get3A = arith.index_cast %add3A_686 : i32 to index
      %get3A_687 = arith.constant 0 : index
      %get3A_688 = tpu.vector_load %arg6[%get3A, %get3A_687] {strides = array<i32>} : memref<1280x16xf32, #tpu.memory_space<vmem>>, vector<16xf32>,
      %bitcast3A = vector.bitcast %get3A_688 : vector<16xf32> to vector<32xbf16>
      %unpack3A = tpu.unpack_subelements %bitcast3A, 0 {pack_format = #tpu.pack_format<interleaved>} : vector<32xbf16> -> vector<16xf32>
      %unpack3A_689 = tpu.unpack_subelements %bitcast3A, 1 {pack_format = #tpu.pack_format<interleaved>} : vector<32xbf16> -> vector<16xf32>
      %add3A_690 = arith.constant 0 : i32
      %add3A_691 = arith.addi %mul3A_682, %add3A_690 : i32
      %add3A_692 = arith.constant 1 : i32
      %add3A_693 = arith.addi %add3A_691, %add3A_692 : i32
      %get3A_694 = arith.index_cast %add3A_693 : i32 to index
      %get3A_695 = arith.constant 0 : index
      %get3A_696 = tpu.vector_load %arg6[%get3A_694, %get3A_695] {strides = array<i32>} : memref<1280x16xf32, #tpu.memory_space<vmem>>, vector<16xf32>,
      %bitcast3A_697 = vector.bitcast %get3A_696 : vector<16xf32> to vector<32xbf16>
      %unpack3A_698 = tpu.unpack_subelements %bitcast3A_697, 0 {pack_format = #tpu.pack_format<interleaved>} : vector<32xbf16> -> vector<16xf32>
      %unpack3A_699 = tpu.unpack_subelements %bitcast3A_697, 1 {pack_format = #tpu.pack_format<interleaved>} : vector<32xbf16> -> vector<16xf32>
      %add3A_700 = arith.addf %unpack3A, %unpack3A_698 : vector<16xf32>
      %add3A_701 = arith.addf %unpack3A_689, %unpack3A_699 : vector<16xf32>
      %add3A_702 = arith.constant 0 : i32
      %add3A_703 = arith.addi %mul3A_682, %add3A_702 : i32
      %add3A_704 = arith.constant 2 : i32
      %add3A_705 = arith.addi %add3A_703, %add3A_704 : i32
      %get3A_706 = arith.index_cast %add3A_705 : i32 to index
      %get3A_707 = arith.constant 0 : index
      %get3A_708 = tpu.vector_load %arg6[%get3A_706, %get3A_707] {strides = array<i32>} : memref<1280x16xf32, #tpu.memory_space<vmem>>, vector<16xf32>,
      %bitcast3A_709 = vector.bitcast %get3A_708 : vector<16xf32> to vector<32xbf16>
      %unpack3A_710 = tpu.unpack_subelements %bitcast3A_709, 0 {pack_format = #tpu.pack_format<interleaved>} : vector<32xbf16> -> vector<16xf32>
      %unpack3A_711 = tpu.unpack_subelements %bitcast3A_709, 1 {pack_format = #tpu.pack_format<interleaved>} : vector<32xbf16> -> vector<16xf32>
      %add3A_712 = arith.addf %add3A_700, %unpack3A_710 : vector<16xf32>
      %add3A_713 = arith.addf %add3A_701, %unpack3A_711 : vector<16xf32>
      %add3A_714 = arith.constant 0 : i32
      %add3A_715 = arith.addi %mul3A_682, %add3A_714 : i32
      %add3A_716 = arith.constant 3 : i32
      %add3A_717 = arith.addi %add3A_715, %add3A_716 : i32
      %get3A_718 = arith.index_cast %add3A_717 : i32 to index
      %get3A_719 = arith.constant 0 : index
      %get3A_720 = tpu.vector_load %arg6[%get3A_718, %get3A_719] {strides = array<i32>} : memref<1280x16xf32, #tpu.memory_space<vmem>>, vector<16xf32>,
      %bitcast3A_721 = vector.bitcast %get3A_720 : vector<16xf32> to vector<32xbf16>
      %unpack3A_722 = tpu.unpack_subelements %bitcast3A_721, 0 {pack_format = #tpu.pack_format<interleaved>} : vector<32xbf16> -> vector<16xf32>
      %unpack3A_723 = tpu.unpack_subelements %bitcast3A_721, 1 {pack_format = #tpu.pack_format<interleaved>} : vector<32xbf16> -> vector<16xf32>
      %add3A_724 = arith.addf %add3A_712, %unpack3A_722 : vector<16xf32>
      %add3A_725 = arith.addf %add3A_713, %unpack3A_723 : vector<16xf32>
      %add3A_726 = arith.constant 0 : i32
      %add3A_727 = arith.addi %mul3A_682, %add3A_726 : i32
      %add3A_728 = arith.constant 4 : i32
      %add3A_729 = arith.addi %add3A_727, %add3A_728 : i32
      %get3A_730 = arith.index_cast %add3A_729 : i32 to index
      %get3A_731 = arith.constant 0 : index
      %get3A_732 = tpu.vector_load %arg6[%get3A_730, %get3A_731] {strides = array<i32>} : memref<1280x16xf32, #tpu.memory_space<vmem>>, vector<16xf32>,
      %bitcast3A_733 = vector.bitcast %get3A_732 : vector<16xf32> to vector<32xbf16>
      %unpack3A_734 = tpu.unpack_subelements %bitcast3A_733, 0 {pack_format = #tpu.pack_format<interleaved>} : vector<32xbf16> -> vector<16xf32>
      %unpack3A_735 = tpu.unpack_subelements %bitcast3A_733, 1 {pack_format = #tpu.pack_format<interleaved>} : vector<32xbf16> -> vector<16xf32>
      %add3A_736 = arith.addf %add3A_724, %unpack3A_734 : vector<16xf32>
      %add3A_737 = arith.addf %add3A_725, %unpack3A_735 : vector<16xf32>
      %mul3A_738 = arith.constant 2.000000e-01 : f32
      %mul3A_739 = vector.broadcast %mul3A_738 : f32 to vector<16xf32>
      %mul3A_740 = arith.mulf %add3A_736, %mul3A_739 : vector<16xf32>
      %swap3A = arith.index_cast %scan3A_680 : i32 to index
      %swap3A_741 = arith.constant 0 : index
      %swap3A_742 = tpu.vector_load %arg7[%swap3A, %swap3A_741] {strides = array<i32>} : memref<128x64xf32, #tpu.memory_space<vmem>>, vector<16xf32>,
      tpu.vector_store %arg7[%swap3A, %swap3A_741], %mul3A_740 {strides = array<i32>} : memref<128x64xf32, #tpu.memory_space<vmem>>, vector<16xf32>,
      %mul3A_743 = arith.constant 2.000000e-01 : f32
      %mul3A_744 = vector.broadcast %mul3A_743 : f32 to vector<16xf32>
      %mul3A_745 = arith.mulf %add3A_737, %mul3A_744 : vector<16xf32>
      %swap3A_746 = arith.index_cast %scan3A_680 : i32 to index
      %swap3A_747 = arith.constant 16 : index
      %swap3A_748 = tpu.vector_load %arg7[%swap3A_746, %swap3A_747] {strides = array<i32>} : memref<128x64xf32, #tpu.memory_space<vmem>>, vector<16xf32>,
      tpu.vector_store %arg7[%swap3A_746, %swap3A_747], %mul3A_745 {strides = array<i32>} : memref<128x64xf32, #tpu.memory_space<vmem>>, vector<16xf32>,
      %add3A_749 = arith.constant 5 : i32
      %add3A_750 = arith.addi %mul3A_682, %add3A_749 : i32
      %add3A_751 = arith.constant 0 : i32
      %add3A_752 = arith.addi %add3A_750, %add3A_751 : i32
      %get3A_753 = arith.index_cast %add3A_752 : i32 to index
      %get3A_754 = arith.constant 0 : index
      %get3A_755 = tpu.vector_load %arg6[%get3A_753, %get3A_754] {strides = array<i32>} : memref<1280x16xf32, #tpu.memory_space<vmem>>, vector<16xf32>,
      %bitcast3A_756 = vector.bitcast %get3A_755 : vector<16xf32> to vector<32xbf16>
      %unpack3A_757 = tpu.unpack_subelements %bitcast3A_756, 0 {pack_format = #tpu.pack_format<interleaved>} : vector<32xbf16> -> vector<16xf32>
      %unpack3A_758 = tpu.unpack_subelements %bitcast3A_756, 1 {pack_format = #tpu.pack_format<interleaved>} : vector<32xbf16> -> vector<16xf32>
      %add3A_759 = arith.constant 5 : i32
      %add3A_760 = arith.addi %mul3A_682, %add3A_759 : i32
      %add3A_761 = arith.constant 1 : i32
      %add3A_762 = arith.addi %add3A_760, %add3A_761 : i32
      %get3A_763 = arith.index_cast %add3A_762 : i32 to index
      %get3A_764 = arith.constant 0 : index
      %get3A_765 = tpu.vector_load %arg6[%get3A_763, %get3A_764] {strides = array<i32>} : memref<1280x16xf32, #tpu.memory_space<vmem>>, vector<16xf32>,
      %bitcast3A_766 = vector.bitcast %get3A_765 : vector<16xf32> to vector<32xbf16>
      %unpack3A_767 = tpu.unpack_subelements %bitcast3A_766, 0 {pack_format = #tpu.pack_format<interleaved>} : vector<32xbf16> -> vector<16xf32>
      %unpack3A_768 = tpu.unpack_subelements %bitcast3A_766, 1 {pack_format = #tpu.pack_format<interleaved>} : vector<32xbf16> -> vector<16xf32>
      %add3A_769 = arith.addf %unpack3A_757, %unpack3A_767 : vector<16xf32>
      %add3A_770 = arith.addf %unpack3A_758, %unpack3A_768 : vector<16xf32>
      %add3A_771 = arith.constant 5 : i32
      %add3A_772 = arith.addi %mul3A_682, %add3A_771 : i32
      %add3A_773 = arith.constant 2 : i32
      %add3A_774 = arith.addi %add3A_772, %add3A_773 : i32
      %get3A_775 = arith.index_cast %add3A_774 : i32 to index
      %get3A_776 = arith.constant 0 : index
      %get3A_777 = tpu.vector_load %arg6[%get3A_775, %get3A_776] {strides = array<i32>} : memref<1280x16xf32, #tpu.memory_space<vmem>>, vector<16xf32>,
      %bitcast3A_778 = vector.bitcast %get3A_777 : vector<16xf32> to vector<32xbf16>
      %unpack3A_779 = tpu.unpack_subelements %bitcast3A_778, 0 {pack_format = #tpu.pack_format<interleaved>} : vector<32xbf16> -> vector<16xf32>
      %unpack3A_780 = tpu.unpack_subelements %bitcast3A_778, 1 {pack_format = #tpu.pack_format<interleaved>} : vector<32xbf16> -> vector<16xf32>
      %add3A_781 = arith.addf %add3A_769, %unpack3A_779 : vector<16xf32>
      %add3A_782 = arith.addf %add3A_770, %unpack3A_780 : vector<16xf32>
      %add3A_783 = arith.constant 5 : i32
      %add3A_784 = arith.addi %mul3A_682, %add3A_783 : i32
      %add3A_785 = arith.constant 3 : i32
      %add3A_786 = arith.addi %add3A_784, %add3A_785 : i32
      %get3A_787 = arith.index_cast %add3A_786 : i32 to index
      %get3A_788 = arith.constant 0 : index
      %get3A_789 = tpu.vector_load %arg6[%get3A_787, %get3A_788] {strides = array<i32>} : memref<1280x16xf32, #tpu.memory_space<vmem>>, vector<16xf32>,
      %bitcast3A_790 = vector.bitcast %get3A_789 : vector<16xf32> to vector<32xbf16>
      %unpack3A_791 = tpu.unpack_subelements %bitcast3A_790, 0 {pack_format = #tpu.pack_format<interleaved>} : vector<32xbf16> -> vector<16xf32>
      %unpack3A_792 = tpu.unpack_subelements %bitcast3A_790, 1 {pack_format = #tpu.pack_format<interleaved>} : vector<32xbf16> -> vector<16xf32>
      %add3A_793 = arith.addf %add3A_781, %unpack3A_791 : vector<16xf32>
      %add3A_794 = arith.addf %add3A_782, %unpack3A_792 : vector<16xf32>
      %add3A_795 = arith.constant 5 : i32
      %add3A_796 = arith.addi %mul3A_682, %add3A_795 : i32
      %add3A_797 = arith.constant 4 : i32
      %add3A_798 = arith.addi %add3A_796, %add3A_797 : i32
      %get3A_799 = arith.index_cast %add3A_798 : i32 to index
      %get3A_800 = arith.constant 0 : index
      %get3A_801 = tpu.vector_load %arg6[%get3A_799, %get3A_800] {strides = array<i32>} : memref<1280x16xf32, #tpu.memory_space<vmem>>, vector<16xf32>,
      %bitcast3A_802 = vector.bitcast %get3A_801 : vector<16xf32> to vector<32xbf16>
      %unpack3A_803 = tpu.unpack_subelements %bitcast3A_802, 0 {pack_format = #tpu.pack_format<interleaved>} : vector<32xbf16> -> vector<16xf32>
      %unpack3A_804 = tpu.unpack_subelements %bitcast3A_802, 1 {pack_format = #tpu.pack_format<interleaved>} : vector<32xbf16> -> vector<16xf32>
      %add3A_805 = arith.addf %add3A_793, %unpack3A_803 : vector<16xf32>
      %add3A_806 = arith.addf %add3A_794, %unpack3A_804 : vector<16xf32>
      %mul3A_807 = arith.constant 2.000000e-01 : f32
      %mul3A_808 = vector.broadcast %mul3A_807 : f32 to vector<16xf32>
      %mul3A_809 = arith.mulf %add3A_805, %mul3A_808 : vector<16xf32>
      %swap3A_810 = arith.index_cast %scan3A_680 : i32 to index
      %swap3A_811 = arith.constant 32 : index
      %swap3A_812 = tpu.vector_load %arg7[%swap3A_810, %swap3A_811] {strides = array<i32>} : memref<128x64xf32, #tpu.memory_space<vmem>>, vector<16xf32>,
      tpu.vector_store %arg7[%swap3A_810, %swap3A_811], %mul3A_809 {strides = array<i32>} : memref<128x64xf32, #tpu.memory_space<vmem>>, vector<16xf32>,
      %mul3A_813 = arith.constant 2.000000e-01 : f32
      %mul3A_814 = vector.broadcast %mul3A_813 : f32 to vector<16xf32>
      %mul3A_815 = arith.mulf %add3A_806, %mul3A_814 : vector<16xf32>
      %swap3A_816 = arith.index_cast %scan3A_680 : i32 to index
      %swap3A_817 = arith.constant 48 : index
      %swap3A_818 = tpu.vector_load %arg7[%swap3A_816, %swap3A_817] {strides = array<i32>} : memref<128x64xf32, #tpu.memory_space<vmem>>, vector<16xf32>,
      tpu.vector_store %arg7[%swap3A_816, %swap3A_817], %mul3A_815 {strides = array<i32>} : memref<128x64xf32, #tpu.memory_space<vmem>>, vector<16xf32>,
    }
    %scan3A_335 = arith.constant 128 : i32
    %mul3A_336 = arith.constant 512 : i32
    %mul3A_337 = arith.muli %add3A, %mul3A_336 : i32
    %add3A_338 = arith.constant 128 : i32
    %add3A_339 = arith.addi %mul3A_337, %add3A_338 : i32
    "tpu.region"() ({
      %run_scoped3A = tpu.sem_alloc : memref<!tpu.dma_semaphore, #tpu.memory_space<semaphore_mem>>
      %dma_start3A_680 = arith.constant 0 : i32
      %dma_start3A_681 = tpu.memref_slice %arg4[%add3A_339, %dma_start3A_680] : memref<16384x64xf32, #tpu.memory_space<hbm>> -> memref<128x64xf32, #tpu.memory_space<hbm>>
      %dma_start3A_682 = arith.constant 0 : i32
      %dma_start3A_683 = tpu.memref_slice %arg4[%add3A_339, %dma_start3A_682] : memref<16384x64xf32, #tpu.memory_space<hbm>> -> memref<128x64xf32, #tpu.memory_space<hbm>>
      tpu.enqueue_dma source(%arg7 : memref<128x64xf32, #tpu.memory_space<vmem>>) target(%dma_start3A_683 : memref<128x64xf32, #tpu.memory_space<hbm>>) target_semaphore(%run_scoped3A : memref<!tpu.dma_semaphore, #tpu.memory_space<semaphore_mem>>)
      %dma_wait3A_684 = arith.constant 0 : i32
      %dma_wait3A_685 = tpu.memref_slice %arg4[%add3A_339, %dma_wait3A_684] : memref<16384x64xf32, #tpu.memory_space<hbm>> -> memref<128x64xf32, #tpu.memory_space<hbm>>
      %dma_wait3A_686 = arith.constant 0 : i32
      %dma_wait3A_687 = tpu.memref_slice %arg4[%add3A_339, %dma_wait3A_686] : memref<16384x64xf32, #tpu.memory_space<hbm>> -> memref<128x64xf32, #tpu.memory_space<hbm>>
      tpu.wait_dma2 semaphore(%run_scoped3A : memref<!tpu.dma_semaphore, #tpu.memory_space<semaphore_mem>>) src(%arg7 : memref<128x64xf32, #tpu.memory_space<vmem>>) dst(%dma_wait3A_687 : memref<128x64xf32, #tpu.memory_space<hbm>>)
      tpu.yield
    }) : () -> ()
    %dma_start3A_340 = arith.constant 0 : i32
    %dma_start3A_341 = arith.constant 0 : i32
    %dma_start3A_342 = tpu.memref_slice %arg6[%dma_start3A_340, %dma_start3A_341] : memref<1280x16xf32, #tpu.memory_space<vmem>> -> memref<128x16xf32, #tpu.memory_space<vmem>>
    %dma_start3A_343 = arith.constant 2560 : i32
    %dma_start3A_344 = tpu.memref_slice %arg5[%dma_start3A_343] : memref<5120xi32, #tpu.memory_space<vmem>> -> memref<128xi32, #tpu.memory_space<vmem>>
    %dma_start3A_345 = arith.constant 0 : i32
    %dma_start3A_346 = arith.constant 0 : i32
    %dma_start3A_347 = tpu.memref_slice %arg3[%dma_start3A_345, %dma_start3A_346] : memref<1015808x16xf32, #tpu.memory_space<hbm>> -> memref<1015808x16xf32, #tpu.memory_space<hbm>>
    tpu.enqueue_indirect_dma source(%dma_start3A_347 : memref<1015808x16xf32, #tpu.memory_space<hbm>>) target(%dma_start3A_342 : memref<128x16xf32, #tpu.memory_space<vmem>>) offsets(%dma_start3A_344 : memref<128xi32, #tpu.memory_space<vmem>>) semaphore(%arg8 : memref<!tpu.dma_semaphore, #tpu.memory_space<semaphore_mem>>)
    %dma_start3A_348 = arith.constant 128 : i32
    %dma_start3A_349 = arith.constant 0 : i32
    %dma_start3A_350 = tpu.memref_slice %arg6[%dma_start3A_348, %dma_start3A_349] : memref<1280x16xf32, #tpu.memory_space<vmem>> -> memref<128x16xf32, #tpu.memory_space<vmem>>
    %dma_start3A_351 = arith.constant 2688 : i32
    %dma_start3A_352 = tpu.memref_slice %arg5[%dma_start3A_351] : memref<5120xi32, #tpu.memory_space<vmem>> -> memref<128xi32, #tpu.memory_space<vmem>>
    %dma_start3A_353 = arith.constant 0 : i32
    %dma_start3A_354 = arith.constant 0 : i32
    %dma_start3A_355 = tpu.memref_slice %arg3[%dma_start3A_353, %dma_start3A_354] : memref<1015808x16xf32, #tpu.memory_space<hbm>> -> memref<1015808x16xf32, #tpu.memory_space<hbm>>
    tpu.enqueue_indirect_dma source(%dma_start3A_355 : memref<1015808x16xf32, #tpu.memory_space<hbm>>) target(%dma_start3A_350 : memref<128x16xf32, #tpu.memory_space<vmem>>) offsets(%dma_start3A_352 : memref<128xi32, #tpu.memory_space<vmem>>) semaphore(%arg8 : memref<!tpu.dma_semaphore, #tpu.memory_space<semaphore_mem>>)
    %dma_start3A_356 = arith.constant 256 : i32
    %dma_start3A_357 = arith.constant 0 : i32
    %dma_start3A_358 = tpu.memref_slice %arg6[%dma_start3A_356, %dma_start3A_357] : memref<1280x16xf32, #tpu.memory_space<vmem>> -> memref<128x16xf32, #tpu.memory_space<vmem>>
    %dma_start3A_359 = arith.constant 2816 : i32
    %dma_start3A_360 = tpu.memref_slice %arg5[%dma_start3A_359] : memref<5120xi32, #tpu.memory_space<vmem>> -> memref<128xi32, #tpu.memory_space<vmem>>
    %dma_start3A_361 = arith.constant 0 : i32
    %dma_start3A_362 = arith.constant 0 : i32
    %dma_start3A_363 = tpu.memref_slice %arg3[%dma_start3A_361, %dma_start3A_362] : memref<1015808x16xf32, #tpu.memory_space<hbm>> -> memref<1015808x16xf32, #tpu.memory_space<hbm>>
    tpu.enqueue_indirect_dma source(%dma_start3A_363 : memref<1015808x16xf32, #tpu.memory_space<hbm>>) target(%dma_start3A_358 : memref<128x16xf32, #tpu.memory_space<vmem>>) offsets(%dma_start3A_360 : memref<128xi32, #tpu.memory_space<vmem>>) semaphore(%arg8 : memref<!tpu.dma_semaphore, #tpu.memory_space<semaphore_mem>>)
    %dma_start3A_364 = arith.constant 384 : i32
    %dma_start3A_365 = arith.constant 0 : i32
    %dma_start3A_366 = tpu.memref_slice %arg6[%dma_start3A_364, %dma_start3A_365] : memref<1280x16xf32, #tpu.memory_space<vmem>> -> memref<128x16xf32, #tpu.memory_space<vmem>>
    %dma_start3A_367 = arith.constant 2944 : i32
    %dma_start3A_368 = tpu.memref_slice %arg5[%dma_start3A_367] : memref<5120xi32, #tpu.memory_space<vmem>> -> memref<128xi32, #tpu.memory_space<vmem>>
    %dma_start3A_369 = arith.constant 0 : i32
    %dma_start3A_370 = arith.constant 0 : i32
    %dma_start3A_371 = tpu.memref_slice %arg3[%dma_start3A_369, %dma_start3A_370] : memref<1015808x16xf32, #tpu.memory_space<hbm>> -> memref<1015808x16xf32, #tpu.memory_space<hbm>>
    tpu.enqueue_indirect_dma source(%dma_start3A_371 : memref<1015808x16xf32, #tpu.memory_space<hbm>>) target(%dma_start3A_366 : memref<128x16xf32, #tpu.memory_space<vmem>>) offsets(%dma_start3A_368 : memref<128xi32, #tpu.memory_space<vmem>>) semaphore(%arg8 : memref<!tpu.dma_semaphore, #tpu.memory_space<semaphore_mem>>)
    %dma_start3A_372 = arith.constant 512 : i32
    %dma_start3A_373 = arith.constant 0 : i32
    %dma_start3A_374 = tpu.memref_slice %arg6[%dma_start3A_372, %dma_start3A_373] : memref<1280x16xf32, #tpu.memory_space<vmem>> -> memref<128x16xf32, #tpu.memory_space<vmem>>
    %dma_start3A_375 = arith.constant 3072 : i32
    %dma_start3A_376 = tpu.memref_slice %arg5[%dma_start3A_375] : memref<5120xi32, #tpu.memory_space<vmem>> -> memref<128xi32, #tpu.memory_space<vmem>>
    %dma_start3A_377 = arith.constant 0 : i32
    %dma_start3A_378 = arith.constant 0 : i32
    %dma_start3A_379 = tpu.memref_slice %arg3[%dma_start3A_377, %dma_start3A_378] : memref<1015808x16xf32, #tpu.memory_space<hbm>> -> memref<1015808x16xf32, #tpu.memory_space<hbm>>
    tpu.enqueue_indirect_dma source(%dma_start3A_379 : memref<1015808x16xf32, #tpu.memory_space<hbm>>) target(%dma_start3A_374 : memref<128x16xf32, #tpu.memory_space<vmem>>) offsets(%dma_start3A_376 : memref<128xi32, #tpu.memory_space<vmem>>) semaphore(%arg8 : memref<!tpu.dma_semaphore, #tpu.memory_space<semaphore_mem>>)
    %dma_start3A_380 = arith.constant 640 : i32
    %dma_start3A_381 = arith.constant 0 : i32
    %dma_start3A_382 = tpu.memref_slice %arg6[%dma_start3A_380, %dma_start3A_381] : memref<1280x16xf32, #tpu.memory_space<vmem>> -> memref<128x16xf32, #tpu.memory_space<vmem>>
    %dma_start3A_383 = arith.constant 3200 : i32
    %dma_start3A_384 = tpu.memref_slice %arg5[%dma_start3A_383] : memref<5120xi32, #tpu.memory_space<vmem>> -> memref<128xi32, #tpu.memory_space<vmem>>
    %dma_start3A_385 = arith.constant 0 : i32
    %dma_start3A_386 = arith.constant 0 : i32
    %dma_start3A_387 = tpu.memref_slice %arg3[%dma_start3A_385, %dma_start3A_386] : memref<1015808x16xf32, #tpu.memory_space<hbm>> -> memref<1015808x16xf32, #tpu.memory_space<hbm>>
    tpu.enqueue_indirect_dma source(%dma_start3A_387 : memref<1015808x16xf32, #tpu.memory_space<hbm>>) target(%dma_start3A_382 : memref<128x16xf32, #tpu.memory_space<vmem>>) offsets(%dma_start3A_384 : memref<128xi32, #tpu.memory_space<vmem>>) semaphore(%arg8 : memref<!tpu.dma_semaphore, #tpu.memory_space<semaphore_mem>>)
    %dma_start3A_388 = arith.constant 768 : i32
    %dma_start3A_389 = arith.constant 0 : i32
    %dma_start3A_390 = tpu.memref_slice %arg6[%dma_start3A_388, %dma_start3A_389] : memref<1280x16xf32, #tpu.memory_space<vmem>> -> memref<128x16xf32, #tpu.memory_space<vmem>>
    %dma_start3A_391 = arith.constant 3328 : i32
    %dma_start3A_392 = tpu.memref_slice %arg5[%dma_start3A_391] : memref<5120xi32, #tpu.memory_space<vmem>> -> memref<128xi32, #tpu.memory_space<vmem>>
    %dma_start3A_393 = arith.constant 0 : i32
    %dma_start3A_394 = arith.constant 0 : i32
    %dma_start3A_395 = tpu.memref_slice %arg3[%dma_start3A_393, %dma_start3A_394] : memref<1015808x16xf32, #tpu.memory_space<hbm>> -> memref<1015808x16xf32, #tpu.memory_space<hbm>>
    tpu.enqueue_indirect_dma source(%dma_start3A_395 : memref<1015808x16xf32, #tpu.memory_space<hbm>>) target(%dma_start3A_390 : memref<128x16xf32, #tpu.memory_space<vmem>>) offsets(%dma_start3A_392 : memref<128xi32, #tpu.memory_space<vmem>>) semaphore(%arg8 : memref<!tpu.dma_semaphore, #tpu.memory_space<semaphore_mem>>)
    %dma_start3A_396 = arith.constant 896 : i32
    %dma_start3A_397 = arith.constant 0 : i32
    %dma_start3A_398 = tpu.memref_slice %arg6[%dma_start3A_396, %dma_start3A_397] : memref<1280x16xf32, #tpu.memory_space<vmem>> -> memref<128x16xf32, #tpu.memory_space<vmem>>
    %dma_start3A_399 = arith.constant 3456 : i32
    %dma_start3A_400 = tpu.memref_slice %arg5[%dma_start3A_399] : memref<5120xi32, #tpu.memory_space<vmem>> -> memref<128xi32, #tpu.memory_space<vmem>>
    %dma_start3A_401 = arith.constant 0 : i32
    %dma_start3A_402 = arith.constant 0 : i32
    %dma_start3A_403 = tpu.memref_slice %arg3[%dma_start3A_401, %dma_start3A_402] : memref<1015808x16xf32, #tpu.memory_space<hbm>> -> memref<1015808x16xf32, #tpu.memory_space<hbm>>
    tpu.enqueue_indirect_dma source(%dma_start3A_403 : memref<1015808x16xf32, #tpu.memory_space<hbm>>) target(%dma_start3A_398 : memref<128x16xf32, #tpu.memory_space<vmem>>) offsets(%dma_start3A_400 : memref<128xi32, #tpu.memory_space<vmem>>) semaphore(%arg8 : memref<!tpu.dma_semaphore, #tpu.memory_space<semaphore_mem>>)
    %dma_start3A_404 = arith.constant 1024 : i32
    %dma_start3A_405 = arith.constant 0 : i32
    %dma_start3A_406 = tpu.memref_slice %arg6[%dma_start3A_404, %dma_start3A_405] : memref<1280x16xf32, #tpu.memory_space<vmem>> -> memref<128x16xf32, #tpu.memory_space<vmem>>
    %dma_start3A_407 = arith.constant 3584 : i32
    %dma_start3A_408 = tpu.memref_slice %arg5[%dma_start3A_407] : memref<5120xi32, #tpu.memory_space<vmem>> -> memref<128xi32, #tpu.memory_space<vmem>>
    %dma_start3A_409 = arith.constant 0 : i32
    %dma_start3A_410 = arith.constant 0 : i32
    %dma_start3A_411 = tpu.memref_slice %arg3[%dma_start3A_409, %dma_start3A_410] : memref<1015808x16xf32, #tpu.memory_space<hbm>> -> memref<1015808x16xf32, #tpu.memory_space<hbm>>
    tpu.enqueue_indirect_dma source(%dma_start3A_411 : memref<1015808x16xf32, #tpu.memory_space<hbm>>) target(%dma_start3A_406 : memref<128x16xf32, #tpu.memory_space<vmem>>) offsets(%dma_start3A_408 : memref<128xi32, #tpu.memory_space<vmem>>) semaphore(%arg8 : memref<!tpu.dma_semaphore, #tpu.memory_space<semaphore_mem>>)
    %dma_start3A_412 = arith.constant 1152 : i32
    %dma_start3A_413 = arith.constant 0 : i32
    %dma_start3A_414 = tpu.memref_slice %arg6[%dma_start3A_412, %dma_start3A_413] : memref<1280x16xf32, #tpu.memory_space<vmem>> -> memref<128x16xf32, #tpu.memory_space<vmem>>
    %dma_start3A_415 = arith.constant 3712 : i32
    %dma_start3A_416 = tpu.memref_slice %arg5[%dma_start3A_415] : memref<5120xi32, #tpu.memory_space<vmem>> -> memref<128xi32, #tpu.memory_space<vmem>>
    %dma_start3A_417 = arith.constant 0 : i32
    %dma_start3A_418 = arith.constant 0 : i32
    %dma_start3A_419 = tpu.memref_slice %arg3[%dma_start3A_417, %dma_start3A_418] : memref<1015808x16xf32, #tpu.memory_space<hbm>> -> memref<1015808x16xf32, #tpu.memory_space<hbm>>
    tpu.enqueue_indirect_dma source(%dma_start3A_419 : memref<1015808x16xf32, #tpu.memory_space<hbm>>) target(%dma_start3A_414 : memref<128x16xf32, #tpu.memory_space<vmem>>) offsets(%dma_start3A_416 : memref<128xi32, #tpu.memory_space<vmem>>) semaphore(%arg8 : memref<!tpu.dma_semaphore, #tpu.memory_space<semaphore_mem>>)
    %dma_wait3A_420 = arith.constant 0 : i32
    %dma_wait3A_421 = arith.constant 0 : i32
    %dma_wait3A_422 = tpu.memref_slice %arg6[%dma_wait3A_420, %dma_wait3A_421] : memref<1280x16xf32, #tpu.memory_space<vmem>> -> memref<128x16xf32, #tpu.memory_space<vmem>>
    %dma_wait3A_423 = arith.constant 2560 : i32
    %dma_wait3A_424 = tpu.memref_slice %arg5[%dma_wait3A_423] : memref<5120xi32, #tpu.memory_space<vmem>> -> memref<128xi32, #tpu.memory_space<vmem>>
    %dma_wait3A_425 = arith.constant 0 : i32
    %dma_wait3A_426 = arith.constant 0 : i32
    %dma_wait3A_427 = tpu.memref_slice %arg3[%dma_wait3A_425, %dma_wait3A_426] : memref<1015808x16xf32, #tpu.memory_space<hbm>> -> memref<1015808x16xf32, #tpu.memory_space<hbm>>
    tpu.wait_indirect_dma semaphore(%arg8 : memref<!tpu.dma_semaphore, #tpu.memory_space<semaphore_mem>>) src(%dma_wait3A_427 : memref<1015808x16xf32, #tpu.memory_space<hbm>>) dst(%dma_wait3A_422 : memref<128x16xf32, #tpu.memory_space<vmem>>)
    %dma_wait3A_428 = arith.constant 128 : i32
    %dma_wait3A_429 = arith.constant 0 : i32
    %dma_wait3A_430 = tpu.memref_slice %arg6[%dma_wait3A_428, %dma_wait3A_429] : memref<1280x16xf32, #tpu.memory_space<vmem>> -> memref<128x16xf32, #tpu.memory_space<vmem>>
    %dma_wait3A_431 = arith.constant 2688 : i32
    %dma_wait3A_432 = tpu.memref_slice %arg5[%dma_wait3A_431] : memref<5120xi32, #tpu.memory_space<vmem>> -> memref<128xi32, #tpu.memory_space<vmem>>
    %dma_wait3A_433 = arith.constant 0 : i32
    %dma_wait3A_434 = arith.constant 0 : i32
    %dma_wait3A_435 = tpu.memref_slice %arg3[%dma_wait3A_433, %dma_wait3A_434] : memref<1015808x16xf32, #tpu.memory_space<hbm>> -> memref<1015808x16xf32, #tpu.memory_space<hbm>>
    tpu.wait_indirect_dma semaphore(%arg8 : memref<!tpu.dma_semaphore, #tpu.memory_space<semaphore_mem>>) src(%dma_wait3A_435 : memref<1015808x16xf32, #tpu.memory_space<hbm>>) dst(%dma_wait3A_430 : memref<128x16xf32, #tpu.memory_space<vmem>>)
    %dma_wait3A_436 = arith.constant 256 : i32
    %dma_wait3A_437 = arith.constant 0 : i32
    %dma_wait3A_438 = tpu.memref_slice %arg6[%dma_wait3A_436, %dma_wait3A_437] : memref<1280x16xf32, #tpu.memory_space<vmem>> -> memref<128x16xf32, #tpu.memory_space<vmem>>
    %dma_wait3A_439 = arith.constant 2816 : i32
    %dma_wait3A_440 = tpu.memref_slice %arg5[%dma_wait3A_439] : memref<5120xi32, #tpu.memory_space<vmem>> -> memref<128xi32, #tpu.memory_space<vmem>>
    %dma_wait3A_441 = arith.constant 0 : i32
    %dma_wait3A_442 = arith.constant 0 : i32
    %dma_wait3A_443 = tpu.memref_slice %arg3[%dma_wait3A_441, %dma_wait3A_442] : memref<1015808x16xf32, #tpu.memory_space<hbm>> -> memref<1015808x16xf32, #tpu.memory_space<hbm>>
    tpu.wait_indirect_dma semaphore(%arg8 : memref<!tpu.dma_semaphore, #tpu.memory_space<semaphore_mem>>) src(%dma_wait3A_443 : memref<1015808x16xf32, #tpu.memory_space<hbm>>) dst(%dma_wait3A_438 : memref<128x16xf32, #tpu.memory_space<vmem>>)
    %dma_wait3A_444 = arith.constant 384 : i32
    %dma_wait3A_445 = arith.constant 0 : i32
    %dma_wait3A_446 = tpu.memref_slice %arg6[%dma_wait3A_444, %dma_wait3A_445] : memref<1280x16xf32, #tpu.memory_space<vmem>> -> memref<128x16xf32, #tpu.memory_space<vmem>>
    %dma_wait3A_447 = arith.constant 2944 : i32
    %dma_wait3A_448 = tpu.memref_slice %arg5[%dma_wait3A_447] : memref<5120xi32, #tpu.memory_space<vmem>> -> memref<128xi32, #tpu.memory_space<vmem>>
    %dma_wait3A_449 = arith.constant 0 : i32
    %dma_wait3A_450 = arith.constant 0 : i32
    %dma_wait3A_451 = tpu.memref_slice %arg3[%dma_wait3A_449, %dma_wait3A_450] : memref<1015808x16xf32, #tpu.memory_space<hbm>> -> memref<1015808x16xf32, #tpu.memory_space<hbm>>
    tpu.wait_indirect_dma semaphore(%arg8 : memref<!tpu.dma_semaphore, #tpu.memory_space<semaphore_mem>>) src(%dma_wait3A_451 : memref<1015808x16xf32, #tpu.memory_space<hbm>>) dst(%dma_wait3A_446 : memref<128x16xf32, #tpu.memory_space<vmem>>)
    %dma_wait3A_452 = arith.constant 512 : i32
    %dma_wait3A_453 = arith.constant 0 : i32
    %dma_wait3A_454 = tpu.memref_slice %arg6[%dma_wait3A_452, %dma_wait3A_453] : memref<1280x16xf32, #tpu.memory_space<vmem>> -> memref<128x16xf32, #tpu.memory_space<vmem>>
    %dma_wait3A_455 = arith.constant 3072 : i32
    %dma_wait3A_456 = tpu.memref_slice %arg5[%dma_wait3A_455] : memref<5120xi32, #tpu.memory_space<vmem>> -> memref<128xi32, #tpu.memory_space<vmem>>
    %dma_wait3A_457 = arith.constant 0 : i32
    %dma_wait3A_458 = arith.constant 0 : i32
    %dma_wait3A_459 = tpu.memref_slice %arg3[%dma_wait3A_457, %dma_wait3A_458] : memref<1015808x16xf32, #tpu.memory_space<hbm>> -> memref<1015808x16xf32, #tpu.memory_space<hbm>>
    tpu.wait_indirect_dma semaphore(%arg8 : memref<!tpu.dma_semaphore, #tpu.memory_space<semaphore_mem>>) src(%dma_wait3A_459 : memref<1015808x16xf32, #tpu.memory_space<hbm>>) dst(%dma_wait3A_454 : memref<128x16xf32, #tpu.memory_space<vmem>>)
    %dma_wait3A_460 = arith.constant 640 : i32
    %dma_wait3A_461 = arith.constant 0 : i32
    %dma_wait3A_462 = tpu.memref_slice %arg6[%dma_wait3A_460, %dma_wait3A_461] : memref<1280x16xf32, #tpu.memory_space<vmem>> -> memref<128x16xf32, #tpu.memory_space<vmem>>
    %dma_wait3A_463 = arith.constant 3200 : i32
    %dma_wait3A_464 = tpu.memref_slice %arg5[%dma_wait3A_463] : memref<5120xi32, #tpu.memory_space<vmem>> -> memref<128xi32, #tpu.memory_space<vmem>>
    %dma_wait3A_465 = arith.constant 0 : i32
    %dma_wait3A_466 = arith.constant 0 : i32
    %dma_wait3A_467 = tpu.memref_slice %arg3[%dma_wait3A_465, %dma_wait3A_466] : memref<1015808x16xf32, #tpu.memory_space<hbm>> -> memref<1015808x16xf32, #tpu.memory_space<hbm>>
    tpu.wait_indirect_dma semaphore(%arg8 : memref<!tpu.dma_semaphore, #tpu.memory_space<semaphore_mem>>) src(%dma_wait3A_467 : memref<1015808x16xf32, #tpu.memory_space<hbm>>) dst(%dma_wait3A_462 : memref<128x16xf32, #tpu.memory_space<vmem>>)
    %dma_wait3A_468 = arith.constant 768 : i32
    %dma_wait3A_469 = arith.constant 0 : i32
    %dma_wait3A_470 = tpu.memref_slice %arg6[%dma_wait3A_468, %dma_wait3A_469] : memref<1280x16xf32, #tpu.memory_space<vmem>> -> memref<128x16xf32, #tpu.memory_space<vmem>>
    %dma_wait3A_471 = arith.constant 3328 : i32
    %dma_wait3A_472 = tpu.memref_slice %arg5[%dma_wait3A_471] : memref<5120xi32, #tpu.memory_space<vmem>> -> memref<128xi32, #tpu.memory_space<vmem>>
    %dma_wait3A_473 = arith.constant 0 : i32
    %dma_wait3A_474 = arith.constant 0 : i32
    %dma_wait3A_475 = tpu.memref_slice %arg3[%dma_wait3A_473, %dma_wait3A_474] : memref<1015808x16xf32, #tpu.memory_space<hbm>> -> memref<1015808x16xf32, #tpu.memory_space<hbm>>
    tpu.wait_indirect_dma semaphore(%arg8 : memref<!tpu.dma_semaphore, #tpu.memory_space<semaphore_mem>>) src(%dma_wait3A_475 : memref<1015808x16xf32, #tpu.memory_space<hbm>>) dst(%dma_wait3A_470 : memref<128x16xf32, #tpu.memory_space<vmem>>)
    %dma_wait3A_476 = arith.constant 896 : i32
    %dma_wait3A_477 = arith.constant 0 : i32
    %dma_wait3A_478 = tpu.memref_slice %arg6[%dma_wait3A_476, %dma_wait3A_477] : memref<1280x16xf32, #tpu.memory_space<vmem>> -> memref<128x16xf32, #tpu.memory_space<vmem>>
    %dma_wait3A_479 = arith.constant 3456 : i32
    %dma_wait3A_480 = tpu.memref_slice %arg5[%dma_wait3A_479] : memref<5120xi32, #tpu.memory_space<vmem>> -> memref<128xi32, #tpu.memory_space<vmem>>
    %dma_wait3A_481 = arith.constant 0 : i32
    %dma_wait3A_482 = arith.constant 0 : i32
    %dma_wait3A_483 = tpu.memref_slice %arg3[%dma_wait3A_481, %dma_wait3A_482] : memref<1015808x16xf32, #tpu.memory_space<hbm>> -> memref<1015808x16xf32, #tpu.memory_space<hbm>>
    tpu.wait_indirect_dma semaphore(%arg8 : memref<!tpu.dma_semaphore, #tpu.memory_space<semaphore_mem>>) src(%dma_wait3A_483 : memref<1015808x16xf32, #tpu.memory_space<hbm>>) dst(%dma_wait3A_478 : memref<128x16xf32, #tpu.memory_space<vmem>>)
    %dma_wait3A_484 = arith.constant 1024 : i32
    %dma_wait3A_485 = arith.constant 0 : i32
    %dma_wait3A_486 = tpu.memref_slice %arg6[%dma_wait3A_484, %dma_wait3A_485] : memref<1280x16xf32, #tpu.memory_space<vmem>> -> memref<128x16xf32, #tpu.memory_space<vmem>>
    %dma_wait3A_487 = arith.constant 3584 : i32
    %dma_wait3A_488 = tpu.memref_slice %arg5[%dma_wait3A_487] : memref<5120xi32, #tpu.memory_space<vmem>> -> memref<128xi32, #tpu.memory_space<vmem>>
    %dma_wait3A_489 = arith.constant 0 : i32
    %dma_wait3A_490 = arith.constant 0 : i32
    %dma_wait3A_491 = tpu.memref_slice %arg3[%dma_wait3A_489, %dma_wait3A_490] : memref<1015808x16xf32, #tpu.memory_space<hbm>> -> memref<1015808x16xf32, #tpu.memory_space<hbm>>
    tpu.wait_indirect_dma semaphore(%arg8 : memref<!tpu.dma_semaphore, #tpu.memory_space<semaphore_mem>>) src(%dma_wait3A_491 : memref<1015808x16xf32, #tpu.memory_space<hbm>>) dst(%dma_wait3A_486 : memref<128x16xf32, #tpu.memory_space<vmem>>)
    %dma_wait3A_492 = arith.constant 1152 : i32
    %dma_wait3A_493 = arith.constant 0 : i32
    %dma_wait3A_494 = tpu.memref_slice %arg6[%dma_wait3A_492, %dma_wait3A_493] : memref<1280x16xf32, #tpu.memory_space<vmem>> -> memref<128x16xf32, #tpu.memory_space<vmem>>
    %dma_wait3A_495 = arith.constant 3712 : i32
    %dma_wait3A_496 = tpu.memref_slice %arg5[%dma_wait3A_495] : memref<5120xi32, #tpu.memory_space<vmem>> -> memref<128xi32, #tpu.memory_space<vmem>>
    %dma_wait3A_497 = arith.constant 0 : i32
    %dma_wait3A_498 = arith.constant 0 : i32
    %dma_wait3A_499 = tpu.memref_slice %arg3[%dma_wait3A_497, %dma_wait3A_498] : memref<1015808x16xf32, #tpu.memory_space<hbm>> -> memref<1015808x16xf32, #tpu.memory_space<hbm>>
    tpu.wait_indirect_dma semaphore(%arg8 : memref<!tpu.dma_semaphore, #tpu.memory_space<semaphore_mem>>) src(%dma_wait3A_499 : memref<1015808x16xf32, #tpu.memory_space<hbm>>) dst(%dma_wait3A_494 : memref<128x16xf32, #tpu.memory_space<vmem>>)
    %scan3A_500 = arith.constant 0 : i32
    %scan3A_501 = arith.constant 0 : i32
    %scan3A_502 = arith.constant 128 : i32
    %scan3A_503 = arith.addi %scan3A_501, %scan3A_502 : i32
    %scan3A_504 = arith.constant 1 : i32
    scf.for %scan3A_680 = %scan3A_501 to %scan3A_503 step %scan3A_504  : i32 {
      %mul3A_681 = arith.constant 10 : i32
      %mul3A_682 = arith.muli %scan3A_680, %mul3A_681 : i32
      %add3A_683 = arith.constant 0 : i32
      %add3A_684 = arith.addi %mul3A_682, %add3A_683 : i32
      %add3A_685 = arith.constant 0 : i32
      %add3A_686 = arith.addi %add3A_684, %add3A_685 : i32
      %get3A = arith.index_cast %add3A_686 : i32 to index
      %get3A_687 = arith.constant 0 : index
      %get3A_688 = tpu.vector_load %arg6[%get3A, %get3A_687] {strides = array<i32>} : memref<1280x16xf32, #tpu.memory_space<vmem>>, vector<16xf32>,
      %bitcast3A = vector.bitcast %get3A_688 : vector<16xf32> to vector<32xbf16>
      %unpack3A = tpu.unpack_subelements %bitcast3A, 0 {pack_format = #tpu.pack_format<interleaved>} : vector<32xbf16> -> vector<16xf32>
      %unpack3A_689 = tpu.unpack_subelements %bitcast3A, 1 {pack_format = #tpu.pack_format<interleaved>} : vector<32xbf16> -> vector<16xf32>
      %add3A_690 = arith.constant 0 : i32
      %add3A_691 = arith.addi %mul3A_682, %add3A_690 : i32
      %add3A_692 = arith.constant 1 : i32
      %add3A_693 = arith.addi %add3A_691, %add3A_692 : i32
      %get3A_694 = arith.index_cast %add3A_693 : i32 to index
      %get3A_695 = arith.constant 0 : index
      %get3A_696 = tpu.vector_load %arg6[%get3A_694, %get3A_695] {strides = array<i32>} : memref<1280x16xf32, #tpu.memory_space<vmem>>, vector<16xf32>,
      %bitcast3A_697 = vector.bitcast %get3A_696 : vector<16xf32> to vector<32xbf16>
      %unpack3A_698 = tpu.unpack_subelements %bitcast3A_697, 0 {pack_format = #tpu.pack_format<interleaved>} : vector<32xbf16> -> vector<16xf32>
      %unpack3A_699 = tpu.unpack_subelements %bitcast3A_697, 1 {pack_format = #tpu.pack_format<interleaved>} : vector<32xbf16> -> vector<16xf32>
      %add3A_700 = arith.addf %unpack3A, %unpack3A_698 : vector<16xf32>
      %add3A_701 = arith.addf %unpack3A_689, %unpack3A_699 : vector<16xf32>
      %add3A_702 = arith.constant 0 : i32
      %add3A_703 = arith.addi %mul3A_682, %add3A_702 : i32
      %add3A_704 = arith.constant 2 : i32
      %add3A_705 = arith.addi %add3A_703, %add3A_704 : i32
      %get3A_706 = arith.index_cast %add3A_705 : i32 to index
      %get3A_707 = arith.constant 0 : index
      %get3A_708 = tpu.vector_load %arg6[%get3A_706, %get3A_707] {strides = array<i32>} : memref<1280x16xf32, #tpu.memory_space<vmem>>, vector<16xf32>,
      %bitcast3A_709 = vector.bitcast %get3A_708 : vector<16xf32> to vector<32xbf16>
      %unpack3A_710 = tpu.unpack_subelements %bitcast3A_709, 0 {pack_format = #tpu.pack_format<interleaved>} : vector<32xbf16> -> vector<16xf32>
      %unpack3A_711 = tpu.unpack_subelements %bitcast3A_709, 1 {pack_format = #tpu.pack_format<interleaved>} : vector<32xbf16> -> vector<16xf32>
      %add3A_712 = arith.addf %add3A_700, %unpack3A_710 : vector<16xf32>
      %add3A_713 = arith.addf %add3A_701, %unpack3A_711 : vector<16xf32>
      %add3A_714 = arith.constant 0 : i32
      %add3A_715 = arith.addi %mul3A_682, %add3A_714 : i32
      %add3A_716 = arith.constant 3 : i32
      %add3A_717 = arith.addi %add3A_715, %add3A_716 : i32
      %get3A_718 = arith.index_cast %add3A_717 : i32 to index
      %get3A_719 = arith.constant 0 : index
      %get3A_720 = tpu.vector_load %arg6[%get3A_718, %get3A_719] {strides = array<i32>} : memref<1280x16xf32, #tpu.memory_space<vmem>>, vector<16xf32>,
      %bitcast3A_721 = vector.bitcast %get3A_720 : vector<16xf32> to vector<32xbf16>
      %unpack3A_722 = tpu.unpack_subelements %bitcast3A_721, 0 {pack_format = #tpu.pack_format<interleaved>} : vector<32xbf16> -> vector<16xf32>
      %unpack3A_723 = tpu.unpack_subelements %bitcast3A_721, 1 {pack_format = #tpu.pack_format<interleaved>} : vector<32xbf16> -> vector<16xf32>
      %add3A_724 = arith.addf %add3A_712, %unpack3A_722 : vector<16xf32>
      %add3A_725 = arith.addf %add3A_713, %unpack3A_723 : vector<16xf32>
      %add3A_726 = arith.constant 0 : i32
      %add3A_727 = arith.addi %mul3A_682, %add3A_726 : i32
      %add3A_728 = arith.constant 4 : i32
      %add3A_729 = arith.addi %add3A_727, %add3A_728 : i32
      %get3A_730 = arith.index_cast %add3A_729 : i32 to index
      %get3A_731 = arith.constant 0 : index
      %get3A_732 = tpu.vector_load %arg6[%get3A_730, %get3A_731] {strides = array<i32>} : memref<1280x16xf32, #tpu.memory_space<vmem>>, vector<16xf32>,
      %bitcast3A_733 = vector.bitcast %get3A_732 : vector<16xf32> to vector<32xbf16>
      %unpack3A_734 = tpu.unpack_subelements %bitcast3A_733, 0 {pack_format = #tpu.pack_format<interleaved>} : vector<32xbf16> -> vector<16xf32>
      %unpack3A_735 = tpu.unpack_subelements %bitcast3A_733, 1 {pack_format = #tpu.pack_format<interleaved>} : vector<32xbf16> -> vector<16xf32>
      %add3A_736 = arith.addf %add3A_724, %unpack3A_734 : vector<16xf32>
      %add3A_737 = arith.addf %add3A_725, %unpack3A_735 : vector<16xf32>
      %mul3A_738 = arith.constant 2.000000e-01 : f32
      %mul3A_739 = vector.broadcast %mul3A_738 : f32 to vector<16xf32>
      %mul3A_740 = arith.mulf %add3A_736, %mul3A_739 : vector<16xf32>
      %swap3A = arith.index_cast %scan3A_680 : i32 to index
      %swap3A_741 = arith.constant 0 : index
      %swap3A_742 = tpu.vector_load %arg7[%swap3A, %swap3A_741] {strides = array<i32>} : memref<128x64xf32, #tpu.memory_space<vmem>>, vector<16xf32>,
      tpu.vector_store %arg7[%swap3A, %swap3A_741], %mul3A_740 {strides = array<i32>} : memref<128x64xf32, #tpu.memory_space<vmem>>, vector<16xf32>,
      %mul3A_743 = arith.constant 2.000000e-01 : f32
      %mul3A_744 = vector.broadcast %mul3A_743 : f32 to vector<16xf32>
      %mul3A_745 = arith.mulf %add3A_737, %mul3A_744 : vector<16xf32>
      %swap3A_746 = arith.index_cast %scan3A_680 : i32 to index
      %swap3A_747 = arith.constant 16 : index
      %swap3A_748 = tpu.vector_load %arg7[%swap3A_746, %swap3A_747] {strides = array<i32>} : memref<128x64xf32, #tpu.memory_space<vmem>>, vector<16xf32>,
      tpu.vector_store %arg7[%swap3A_746, %swap3A_747], %mul3A_745 {strides = array<i32>} : memref<128x64xf32, #tpu.memory_space<vmem>>, vector<16xf32>,
      %add3A_749 = arith.constant 5 : i32
      %add3A_750 = arith.addi %mul3A_682, %add3A_749 : i32
      %add3A_751 = arith.constant 0 : i32
      %add3A_752 = arith.addi %add3A_750, %add3A_751 : i32
      %get3A_753 = arith.index_cast %add3A_752 : i32 to index
      %get3A_754 = arith.constant 0 : index
      %get3A_755 = tpu.vector_load %arg6[%get3A_753, %get3A_754] {strides = array<i32>} : memref<1280x16xf32, #tpu.memory_space<vmem>>, vector<16xf32>,
      %bitcast3A_756 = vector.bitcast %get3A_755 : vector<16xf32> to vector<32xbf16>
      %unpack3A_757 = tpu.unpack_subelements %bitcast3A_756, 0 {pack_format = #tpu.pack_format<interleaved>} : vector<32xbf16> -> vector<16xf32>
      %unpack3A_758 = tpu.unpack_subelements %bitcast3A_756, 1 {pack_format = #tpu.pack_format<interleaved>} : vector<32xbf16> -> vector<16xf32>
      %add3A_759 = arith.constant 5 : i32
      %add3A_760 = arith.addi %mul3A_682, %add3A_759 : i32
      %add3A_761 = arith.constant 1 : i32
      %add3A_762 = arith.addi %add3A_760, %add3A_761 : i32
      %get3A_763 = arith.index_cast %add3A_762 : i32 to index
      %get3A_764 = arith.constant 0 : index
      %get3A_765 = tpu.vector_load %arg6[%get3A_763, %get3A_764] {strides = array<i32>} : memref<1280x16xf32, #tpu.memory_space<vmem>>, vector<16xf32>,
      %bitcast3A_766 = vector.bitcast %get3A_765 : vector<16xf32> to vector<32xbf16>
      %unpack3A_767 = tpu.unpack_subelements %bitcast3A_766, 0 {pack_format = #tpu.pack_format<interleaved>} : vector<32xbf16> -> vector<16xf32>
      %unpack3A_768 = tpu.unpack_subelements %bitcast3A_766, 1 {pack_format = #tpu.pack_format<interleaved>} : vector<32xbf16> -> vector<16xf32>
      %add3A_769 = arith.addf %unpack3A_757, %unpack3A_767 : vector<16xf32>
      %add3A_770 = arith.addf %unpack3A_758, %unpack3A_768 : vector<16xf32>
      %add3A_771 = arith.constant 5 : i32
      %add3A_772 = arith.addi %mul3A_682, %add3A_771 : i32
      %add3A_773 = arith.constant 2 : i32
      %add3A_774 = arith.addi %add3A_772, %add3A_773 : i32
      %get3A_775 = arith.index_cast %add3A_774 : i32 to index
      %get3A_776 = arith.constant 0 : index
      %get3A_777 = tpu.vector_load %arg6[%get3A_775, %get3A_776] {strides = array<i32>} : memref<1280x16xf32, #tpu.memory_space<vmem>>, vector<16xf32>,
      %bitcast3A_778 = vector.bitcast %get3A_777 : vector<16xf32> to vector<32xbf16>
      %unpack3A_779 = tpu.unpack_subelements %bitcast3A_778, 0 {pack_format = #tpu.pack_format<interleaved>} : vector<32xbf16> -> vector<16xf32>
      %unpack3A_780 = tpu.unpack_subelements %bitcast3A_778, 1 {pack_format = #tpu.pack_format<interleaved>} : vector<32xbf16> -> vector<16xf32>
      %add3A_781 = arith.addf %add3A_769, %unpack3A_779 : vector<16xf32>
      %add3A_782 = arith.addf %add3A_770, %unpack3A_780 : vector<16xf32>
      %add3A_783 = arith.constant 5 : i32
      %add3A_784 = arith.addi %mul3A_682, %add3A_783 : i32
      %add3A_785 = arith.constant 3 : i32
      %add3A_786 = arith.addi %add3A_784, %add3A_785 : i32
      %get3A_787 = arith.index_cast %add3A_786 : i32 to index
      %get3A_788 = arith.constant 0 : index
      %get3A_789 = tpu.vector_load %arg6[%get3A_787, %get3A_788] {strides = array<i32>} : memref<1280x16xf32, #tpu.memory_space<vmem>>, vector<16xf32>,
      %bitcast3A_790 = vector.bitcast %get3A_789 : vector<16xf32> to vector<32xbf16>
      %unpack3A_791 = tpu.unpack_subelements %bitcast3A_790, 0 {pack_format = #tpu.pack_format<interleaved>} : vector<32xbf16> -> vector<16xf32>
      %unpack3A_792 = tpu.unpack_subelements %bitcast3A_790, 1 {pack_format = #tpu.pack_format<interleaved>} : vector<32xbf16> -> vector<16xf32>
      %add3A_793 = arith.addf %add3A_781, %unpack3A_791 : vector<16xf32>
      %add3A_794 = arith.addf %add3A_782, %unpack3A_792 : vector<16xf32>
      %add3A_795 = arith.constant 5 : i32
      %add3A_796 = arith.addi %mul3A_682, %add3A_795 : i32
      %add3A_797 = arith.constant 4 : i32
      %add3A_798 = arith.addi %add3A_796, %add3A_797 : i32
      %get3A_799 = arith.index_cast %add3A_798 : i32 to index
      %get3A_800 = arith.constant 0 : index
      %get3A_801 = tpu.vector_load %arg6[%get3A_799, %get3A_800] {strides = array<i32>} : memref<1280x16xf32, #tpu.memory_space<vmem>>, vector<16xf32>,
      %bitcast3A_802 = vector.bitcast %get3A_801 : vector<16xf32> to vector<32xbf16>
      %unpack3A_803 = tpu.unpack_subelements %bitcast3A_802, 0 {pack_format = #tpu.pack_format<interleaved>} : vector<32xbf16> -> vector<16xf32>
      %unpack3A_804 = tpu.unpack_subelements %bitcast3A_802, 1 {pack_format = #tpu.pack_format<interleaved>} : vector<32xbf16> -> vector<16xf32>
      %add3A_805 = arith.addf %add3A_793, %unpack3A_803 : vector<16xf32>
      %add3A_806 = arith.addf %add3A_794, %unpack3A_804 : vector<16xf32>
      %mul3A_807 = arith.constant 2.000000e-01 : f32
      %mul3A_808 = vector.broadcast %mul3A_807 : f32 to vector<16xf32>
      %mul3A_809 = arith.mulf %add3A_805, %mul3A_808 : vector<16xf32>
      %swap3A_810 = arith.index_cast %scan3A_680 : i32 to index
      %swap3A_811 = arith.constant 32 : index
      %swap3A_812 = tpu.vector_load %arg7[%swap3A_810, %swap3A_811] {strides = array<i32>} : memref<128x64xf32, #tpu.memory_space<vmem>>, vector<16xf32>,
      tpu.vector_store %arg7[%swap3A_810, %swap3A_811], %mul3A_809 {strides = array<i32>} : memref<128x64xf32, #tpu.memory_space<vmem>>, vector<16xf32>,
      %mul3A_813 = arith.constant 2.000000e-01 : f32
      %mul3A_814 = vector.broadcast %mul3A_813 : f32 to vector<16xf32>
      %mul3A_815 = arith.mulf %add3A_806, %mul3A_814 : vector<16xf32>
      %swap3A_816 = arith.index_cast %scan3A_680 : i32 to index
      %swap3A_817 = arith.constant 48 : index
      %swap3A_818 = tpu.vector_load %arg7[%swap3A_816, %swap3A_817] {strides = array<i32>} : memref<128x64xf32, #tpu.memory_space<vmem>>, vector<16xf32>,
      tpu.vector_store %arg7[%swap3A_816, %swap3A_817], %mul3A_815 {strides = array<i32>} : memref<128x64xf32, #tpu.memory_space<vmem>>, vector<16xf32>,
    }
    %scan3A_505 = arith.constant 128 : i32
    %mul3A_506 = arith.constant 512 : i32
    %mul3A_507 = arith.muli %add3A, %mul3A_506 : i32
    %add3A_508 = arith.constant 256 : i32
    %add3A_509 = arith.addi %mul3A_507, %add3A_508 : i32
    "tpu.region"() ({
      %run_scoped3A = tpu.sem_alloc : memref<!tpu.dma_semaphore, #tpu.memory_space<semaphore_mem>>
      %dma_start3A_680 = arith.constant 0 : i32
      %dma_start3A_681 = tpu.memref_slice %arg4[%add3A_509, %dma_start3A_680] : memref<16384x64xf32, #tpu.memory_space<hbm>> -> memref<128x64xf32, #tpu.memory_space<hbm>>
      %dma_start3A_682 = arith.constant 0 : i32
      %dma_start3A_683 = tpu.memref_slice %arg4[%add3A_509, %dma_start3A_682] : memref<16384x64xf32, #tpu.memory_space<hbm>> -> memref<128x64xf32, #tpu.memory_space<hbm>>
      tpu.enqueue_dma source(%arg7 : memref<128x64xf32, #tpu.memory_space<vmem>>) target(%dma_start3A_683 : memref<128x64xf32, #tpu.memory_space<hbm>>) target_semaphore(%run_scoped3A : memref<!tpu.dma_semaphore, #tpu.memory_space<semaphore_mem>>)
      %dma_wait3A_684 = arith.constant 0 : i32
      %dma_wait3A_685 = tpu.memref_slice %arg4[%add3A_509, %dma_wait3A_684] : memref<16384x64xf32, #tpu.memory_space<hbm>> -> memref<128x64xf32, #tpu.memory_space<hbm>>
      %dma_wait3A_686 = arith.constant 0 : i32
      %dma_wait3A_687 = tpu.memref_slice %arg4[%add3A_509, %dma_wait3A_686] : memref<16384x64xf32, #tpu.memory_space<hbm>> -> memref<128x64xf32, #tpu.memory_space<hbm>>
      tpu.wait_dma2 semaphore(%run_scoped3A : memref<!tpu.dma_semaphore, #tpu.memory_space<semaphore_mem>>) src(%arg7 : memref<128x64xf32, #tpu.memory_space<vmem>>) dst(%dma_wait3A_687 : memref<128x64xf32, #tpu.memory_space<hbm>>)
      tpu.yield
    }) : () -> ()
    %dma_start3A_510 = arith.constant 0 : i32
    %dma_start3A_511 = arith.constant 0 : i32
    %dma_start3A_512 = tpu.memref_slice %arg6[%dma_start3A_510, %dma_start3A_511] : memref<1280x16xf32, #tpu.memory_space<vmem>> -> memref<128x16xf32, #tpu.memory_space<vmem>>
    %dma_start3A_513 = arith.constant 3840 : i32
    %dma_start3A_514 = tpu.memref_slice %arg5[%dma_start3A_513] : memref<5120xi32, #tpu.memory_space<vmem>> -> memref<128xi32, #tpu.memory_space<vmem>>
    %dma_start3A_515 = arith.constant 0 : i32
    %dma_start3A_516 = arith.constant 0 : i32
    %dma_start3A_517 = tpu.memref_slice %arg3[%dma_start3A_515, %dma_start3A_516] : memref<1015808x16xf32, #tpu.memory_space<hbm>> -> memref<1015808x16xf32, #tpu.memory_space<hbm>>
    tpu.enqueue_indirect_dma source(%dma_start3A_517 : memref<1015808x16xf32, #tpu.memory_space<hbm>>) target(%dma_start3A_512 : memref<128x16xf32, #tpu.memory_space<vmem>>) offsets(%dma_start3A_514 : memref<128xi32, #tpu.memory_space<vmem>>) semaphore(%arg8 : memref<!tpu.dma_semaphore, #tpu.memory_space<semaphore_mem>>)
    %dma_start3A_518 = arith.constant 128 : i32
    %dma_start3A_519 = arith.constant 0 : i32
    %dma_start3A_520 = tpu.memref_slice %arg6[%dma_start3A_518, %dma_start3A_519] : memref<1280x16xf32, #tpu.memory_space<vmem>> -> memref<128x16xf32, #tpu.memory_space<vmem>>
    %dma_start3A_521 = arith.constant 3968 : i32
    %dma_start3A_522 = tpu.memref_slice %arg5[%dma_start3A_521] : memref<5120xi32, #tpu.memory_space<vmem>> -> memref<128xi32, #tpu.memory_space<vmem>>
    %dma_start3A_523 = arith.constant 0 : i32
    %dma_start3A_524 = arith.constant 0 : i32
    %dma_start3A_525 = tpu.memref_slice %arg3[%dma_start3A_523, %dma_start3A_524] : memref<1015808x16xf32, #tpu.memory_space<hbm>> -> memref<1015808x16xf32, #tpu.memory_space<hbm>>
    tpu.enqueue_indirect_dma source(%dma_start3A_525 : memref<1015808x16xf32, #tpu.memory_space<hbm>>) target(%dma_start3A_520 : memref<128x16xf32, #tpu.memory_space<vmem>>) offsets(%dma_start3A_522 : memref<128xi32, #tpu.memory_space<vmem>>) semaphore(%arg8 : memref<!tpu.dma_semaphore, #tpu.memory_space<semaphore_mem>>)
    %dma_start3A_526 = arith.constant 256 : i32
    %dma_start3A_527 = arith.constant 0 : i32
    %dma_start3A_528 = tpu.memref_slice %arg6[%dma_start3A_526, %dma_start3A_527] : memref<1280x16xf32, #tpu.memory_space<vmem>> -> memref<128x16xf32, #tpu.memory_space<vmem>>
    %dma_start3A_529 = arith.constant 4096 : i32
    %dma_start3A_530 = tpu.memref_slice %arg5[%dma_start3A_529] : memref<5120xi32, #tpu.memory_space<vmem>> -> memref<128xi32, #tpu.memory_space<vmem>>
    %dma_start3A_531 = arith.constant 0 : i32
    %dma_start3A_532 = arith.constant 0 : i32
    %dma_start3A_533 = tpu.memref_slice %arg3[%dma_start3A_531, %dma_start3A_532] : memref<1015808x16xf32, #tpu.memory_space<hbm>> -> memref<1015808x16xf32, #tpu.memory_space<hbm>>
    tpu.enqueue_indirect_dma source(%dma_start3A_533 : memref<1015808x16xf32, #tpu.memory_space<hbm>>) target(%dma_start3A_528 : memref<128x16xf32, #tpu.memory_space<vmem>>) offsets(%dma_start3A_530 : memref<128xi32, #tpu.memory_space<vmem>>) semaphore(%arg8 : memref<!tpu.dma_semaphore, #tpu.memory_space<semaphore_mem>>)
    %dma_start3A_534 = arith.constant 384 : i32
    %dma_start3A_535 = arith.constant 0 : i32
    %dma_start3A_536 = tpu.memref_slice %arg6[%dma_start3A_534, %dma_start3A_535] : memref<1280x16xf32, #tpu.memory_space<vmem>> -> memref<128x16xf32, #tpu.memory_space<vmem>>
    %dma_start3A_537 = arith.constant 4224 : i32
    %dma_start3A_538 = tpu.memref_slice %arg5[%dma_start3A_537] : memref<5120xi32, #tpu.memory_space<vmem>> -> memref<128xi32, #tpu.memory_space<vmem>>
    %dma_start3A_539 = arith.constant 0 : i32
    %dma_start3A_540 = arith.constant 0 : i32
    %dma_start3A_541 = tpu.memref_slice %arg3[%dma_start3A_539, %dma_start3A_540] : memref<1015808x16xf32, #tpu.memory_space<hbm>> -> memref<1015808x16xf32, #tpu.memory_space<hbm>>
    tpu.enqueue_indirect_dma source(%dma_start3A_541 : memref<1015808x16xf32, #tpu.memory_space<hbm>>) target(%dma_start3A_536 : memref<128x16xf32, #tpu.memory_space<vmem>>) offsets(%dma_start3A_538 : memref<128xi32, #tpu.memory_space<vmem>>) semaphore(%arg8 : memref<!tpu.dma_semaphore, #tpu.memory_space<semaphore_mem>>)
    %dma_start3A_542 = arith.constant 512 : i32
    %dma_start3A_543 = arith.constant 0 : i32
    %dma_start3A_544 = tpu.memref_slice %arg6[%dma_start3A_542, %dma_start3A_543] : memref<1280x16xf32, #tpu.memory_space<vmem>> -> memref<128x16xf32, #tpu.memory_space<vmem>>
    %dma_start3A_545 = arith.constant 4352 : i32
    %dma_start3A_546 = tpu.memref_slice %arg5[%dma_start3A_545] : memref<5120xi32, #tpu.memory_space<vmem>> -> memref<128xi32, #tpu.memory_space<vmem>>
    %dma_start3A_547 = arith.constant 0 : i32
    %dma_start3A_548 = arith.constant 0 : i32
    %dma_start3A_549 = tpu.memref_slice %arg3[%dma_start3A_547, %dma_start3A_548] : memref<1015808x16xf32, #tpu.memory_space<hbm>> -> memref<1015808x16xf32, #tpu.memory_space<hbm>>
    tpu.enqueue_indirect_dma source(%dma_start3A_549 : memref<1015808x16xf32, #tpu.memory_space<hbm>>) target(%dma_start3A_544 : memref<128x16xf32, #tpu.memory_space<vmem>>) offsets(%dma_start3A_546 : memref<128xi32, #tpu.memory_space<vmem>>) semaphore(%arg8 : memref<!tpu.dma_semaphore, #tpu.memory_space<semaphore_mem>>)
    %dma_start3A_550 = arith.constant 640 : i32
    %dma_start3A_551 = arith.constant 0 : i32
    %dma_start3A_552 = tpu.memref_slice %arg6[%dma_start3A_550, %dma_start3A_551] : memref<1280x16xf32, #tpu.memory_space<vmem>> -> memref<128x16xf32, #tpu.memory_space<vmem>>
    %dma_start3A_553 = arith.constant 4480 : i32
    %dma_start3A_554 = tpu.memref_slice %arg5[%dma_start3A_553] : memref<5120xi32, #tpu.memory_space<vmem>> -> memref<128xi32, #tpu.memory_space<vmem>>
    %dma_start3A_555 = arith.constant 0 : i32
    %dma_start3A_556 = arith.constant 0 : i32
    %dma_start3A_557 = tpu.memref_slice %arg3[%dma_start3A_555, %dma_start3A_556] : memref<1015808x16xf32, #tpu.memory_space<hbm>> -> memref<1015808x16xf32, #tpu.memory_space<hbm>>
    tpu.enqueue_indirect_dma source(%dma_start3A_557 : memref<1015808x16xf32, #tpu.memory_space<hbm>>) target(%dma_start3A_552 : memref<128x16xf32, #tpu.memory_space<vmem>>) offsets(%dma_start3A_554 : memref<128xi32, #tpu.memory_space<vmem>>) semaphore(%arg8 : memref<!tpu.dma_semaphore, #tpu.memory_space<semaphore_mem>>)
    %dma_start3A_558 = arith.constant 768 : i32
    %dma_start3A_559 = arith.constant 0 : i32
    %dma_start3A_560 = tpu.memref_slice %arg6[%dma_start3A_558, %dma_start3A_559] : memref<1280x16xf32, #tpu.memory_space<vmem>> -> memref<128x16xf32, #tpu.memory_space<vmem>>
    %dma_start3A_561 = arith.constant 4608 : i32
    %dma_start3A_562 = tpu.memref_slice %arg5[%dma_start3A_561] : memref<5120xi32, #tpu.memory_space<vmem>> -> memref<128xi32, #tpu.memory_space<vmem>>
    %dma_start3A_563 = arith.constant 0 : i32
    %dma_start3A_564 = arith.constant 0 : i32
    %dma_start3A_565 = tpu.memref_slice %arg3[%dma_start3A_563, %dma_start3A_564] : memref<1015808x16xf32, #tpu.memory_space<hbm>> -> memref<1015808x16xf32, #tpu.memory_space<hbm>>
    tpu.enqueue_indirect_dma source(%dma_start3A_565 : memref<1015808x16xf32, #tpu.memory_space<hbm>>) target(%dma_start3A_560 : memref<128x16xf32, #tpu.memory_space<vmem>>) offsets(%dma_start3A_562 : memref<128xi32, #tpu.memory_space<vmem>>) semaphore(%arg8 : memref<!tpu.dma_semaphore, #tpu.memory_space<semaphore_mem>>)
    %dma_start3A_566 = arith.constant 896 : i32
    %dma_start3A_567 = arith.constant 0 : i32
    %dma_start3A_568 = tpu.memref_slice %arg6[%dma_start3A_566, %dma_start3A_567] : memref<1280x16xf32, #tpu.memory_space<vmem>> -> memref<128x16xf32, #tpu.memory_space<vmem>>
    %dma_start3A_569 = arith.constant 4736 : i32
    %dma_start3A_570 = tpu.memref_slice %arg5[%dma_start3A_569] : memref<5120xi32, #tpu.memory_space<vmem>> -> memref<128xi32, #tpu.memory_space<vmem>>
    %dma_start3A_571 = arith.constant 0 : i32
    %dma_start3A_572 = arith.constant 0 : i32
    %dma_start3A_573 = tpu.memref_slice %arg3[%dma_start3A_571, %dma_start3A_572] : memref<1015808x16xf32, #tpu.memory_space<hbm>> -> memref<1015808x16xf32, #tpu.memory_space<hbm>>
    tpu.enqueue_indirect_dma source(%dma_start3A_573 : memref<1015808x16xf32, #tpu.memory_space<hbm>>) target(%dma_start3A_568 : memref<128x16xf32, #tpu.memory_space<vmem>>) offsets(%dma_start3A_570 : memref<128xi32, #tpu.memory_space<vmem>>) semaphore(%arg8 : memref<!tpu.dma_semaphore, #tpu.memory_space<semaphore_mem>>)
    %dma_start3A_574 = arith.constant 1024 : i32
    %dma_start3A_575 = arith.constant 0 : i32
    %dma_start3A_576 = tpu.memref_slice %arg6[%dma_start3A_574, %dma_start3A_575] : memref<1280x16xf32, #tpu.memory_space<vmem>> -> memref<128x16xf32, #tpu.memory_space<vmem>>
    %dma_start3A_577 = arith.constant 4864 : i32
    %dma_start3A_578 = tpu.memref_slice %arg5[%dma_start3A_577] : memref<5120xi32, #tpu.memory_space<vmem>> -> memref<128xi32, #tpu.memory_space<vmem>>
    %dma_start3A_579 = arith.constant 0 : i32
    %dma_start3A_580 = arith.constant 0 : i32
    %dma_start3A_581 = tpu.memref_slice %arg3[%dma_start3A_579, %dma_start3A_580] : memref<1015808x16xf32, #tpu.memory_space<hbm>> -> memref<1015808x16xf32, #tpu.memory_space<hbm>>
    tpu.enqueue_indirect_dma source(%dma_start3A_581 : memref<1015808x16xf32, #tpu.memory_space<hbm>>) target(%dma_start3A_576 : memref<128x16xf32, #tpu.memory_space<vmem>>) offsets(%dma_start3A_578 : memref<128xi32, #tpu.memory_space<vmem>>) semaphore(%arg8 : memref<!tpu.dma_semaphore, #tpu.memory_space<semaphore_mem>>)
    %dma_start3A_582 = arith.constant 1152 : i32
    %dma_start3A_583 = arith.constant 0 : i32
    %dma_start3A_584 = tpu.memref_slice %arg6[%dma_start3A_582, %dma_start3A_583] : memref<1280x16xf32, #tpu.memory_space<vmem>> -> memref<128x16xf32, #tpu.memory_space<vmem>>
    %dma_start3A_585 = arith.constant 4992 : i32
    %dma_start3A_586 = tpu.memref_slice %arg5[%dma_start3A_585] : memref<5120xi32, #tpu.memory_space<vmem>> -> memref<128xi32, #tpu.memory_space<vmem>>
    %dma_start3A_587 = arith.constant 0 : i32
    %dma_start3A_588 = arith.constant 0 : i32
    %dma_start3A_589 = tpu.memref_slice %arg3[%dma_start3A_587, %dma_start3A_588] : memref<1015808x16xf32, #tpu.memory_space<hbm>> -> memref<1015808x16xf32, #tpu.memory_space<hbm>>
    tpu.enqueue_indirect_dma source(%dma_start3A_589 : memref<1015808x16xf32, #tpu.memory_space<hbm>>) target(%dma_start3A_584 : memref<128x16xf32, #tpu.memory_space<vmem>>) offsets(%dma_start3A_586 : memref<128xi32, #tpu.memory_space<vmem>>) semaphore(%arg8 : memref<!tpu.dma_semaphore, #tpu.memory_space<semaphore_mem>>)
    %dma_wait3A_590 = arith.constant 0 : i32
    %dma_wait3A_591 = arith.constant 0 : i32
    %dma_wait3A_592 = tpu.memref_slice %arg6[%dma_wait3A_590, %dma_wait3A_591] : memref<1280x16xf32, #tpu.memory_space<vmem>> -> memref<128x16xf32, #tpu.memory_space<vmem>>
    %dma_wait3A_593 = arith.constant 3840 : i32
    %dma_wait3A_594 = tpu.memref_slice %arg5[%dma_wait3A_593] : memref<5120xi32, #tpu.memory_space<vmem>> -> memref<128xi32, #tpu.memory_space<vmem>>
    %dma_wait3A_595 = arith.constant 0 : i32
    %dma_wait3A_596 = arith.constant 0 : i32
    %dma_wait3A_597 = tpu.memref_slice %arg3[%dma_wait3A_595, %dma_wait3A_596] : memref<1015808x16xf32, #tpu.memory_space<hbm>> -> memref<1015808x16xf32, #tpu.memory_space<hbm>>
    tpu.wait_indirect_dma semaphore(%arg8 : memref<!tpu.dma_semaphore, #tpu.memory_space<semaphore_mem>>) src(%dma_wait3A_597 : memref<1015808x16xf32, #tpu.memory_space<hbm>>) dst(%dma_wait3A_592 : memref<128x16xf32, #tpu.memory_space<vmem>>)
    %dma_wait3A_598 = arith.constant 128 : i32
    %dma_wait3A_599 = arith.constant 0 : i32
    %dma_wait3A_600 = tpu.memref_slice %arg6[%dma_wait3A_598, %dma_wait3A_599] : memref<1280x16xf32, #tpu.memory_space<vmem>> -> memref<128x16xf32, #tpu.memory_space<vmem>>
    %dma_wait3A_601 = arith.constant 3968 : i32
    %dma_wait3A_602 = tpu.memref_slice %arg5[%dma_wait3A_601] : memref<5120xi32, #tpu.memory_space<vmem>> -> memref<128xi32, #tpu.memory_space<vmem>>
    %dma_wait3A_603 = arith.constant 0 : i32
    %dma_wait3A_604 = arith.constant 0 : i32
    %dma_wait3A_605 = tpu.memref_slice %arg3[%dma_wait3A_603, %dma_wait3A_604] : memref<1015808x16xf32, #tpu.memory_space<hbm>> -> memref<1015808x16xf32, #tpu.memory_space<hbm>>
    tpu.wait_indirect_dma semaphore(%arg8 : memref<!tpu.dma_semaphore, #tpu.memory_space<semaphore_mem>>) src(%dma_wait3A_605 : memref<1015808x16xf32, #tpu.memory_space<hbm>>) dst(%dma_wait3A_600 : memref<128x16xf32, #tpu.memory_space<vmem>>)
    %dma_wait3A_606 = arith.constant 256 : i32
    %dma_wait3A_607 = arith.constant 0 : i32
    %dma_wait3A_608 = tpu.memref_slice %arg6[%dma_wait3A_606, %dma_wait3A_607] : memref<1280x16xf32, #tpu.memory_space<vmem>> -> memref<128x16xf32, #tpu.memory_space<vmem>>
    %dma_wait3A_609 = arith.constant 4096 : i32
    %dma_wait3A_610 = tpu.memref_slice %arg5[%dma_wait3A_609] : memref<5120xi32, #tpu.memory_space<vmem>> -> memref<128xi32, #tpu.memory_space<vmem>>
    %dma_wait3A_611 = arith.constant 0 : i32
    %dma_wait3A_612 = arith.constant 0 : i32
    %dma_wait3A_613 = tpu.memref_slice %arg3[%dma_wait3A_611, %dma_wait3A_612] : memref<1015808x16xf32, #tpu.memory_space<hbm>> -> memref<1015808x16xf32, #tpu.memory_space<hbm>>
    tpu.wait_indirect_dma semaphore(%arg8 : memref<!tpu.dma_semaphore, #tpu.memory_space<semaphore_mem>>) src(%dma_wait3A_613 : memref<1015808x16xf32, #tpu.memory_space<hbm>>) dst(%dma_wait3A_608 : memref<128x16xf32, #tpu.memory_space<vmem>>)
    %dma_wait3A_614 = arith.constant 384 : i32
    %dma_wait3A_615 = arith.constant 0 : i32
    %dma_wait3A_616 = tpu.memref_slice %arg6[%dma_wait3A_614, %dma_wait3A_615] : memref<1280x16xf32, #tpu.memory_space<vmem>> -> memref<128x16xf32, #tpu.memory_space<vmem>>
    %dma_wait3A_617 = arith.constant 4224 : i32
    %dma_wait3A_618 = tpu.memref_slice %arg5[%dma_wait3A_617] : memref<5120xi32, #tpu.memory_space<vmem>> -> memref<128xi32, #tpu.memory_space<vmem>>
    %dma_wait3A_619 = arith.constant 0 : i32
    %dma_wait3A_620 = arith.constant 0 : i32
    %dma_wait3A_621 = tpu.memref_slice %arg3[%dma_wait3A_619, %dma_wait3A_620] : memref<1015808x16xf32, #tpu.memory_space<hbm>> -> memref<1015808x16xf32, #tpu.memory_space<hbm>>
    tpu.wait_indirect_dma semaphore(%arg8 : memref<!tpu.dma_semaphore, #tpu.memory_space<semaphore_mem>>) src(%dma_wait3A_621 : memref<1015808x16xf32, #tpu.memory_space<hbm>>) dst(%dma_wait3A_616 : memref<128x16xf32, #tpu.memory_space<vmem>>)
    %dma_wait3A_622 = arith.constant 512 : i32
    %dma_wait3A_623 = arith.constant 0 : i32
    %dma_wait3A_624 = tpu.memref_slice %arg6[%dma_wait3A_622, %dma_wait3A_623] : memref<1280x16xf32, #tpu.memory_space<vmem>> -> memref<128x16xf32, #tpu.memory_space<vmem>>
    %dma_wait3A_625 = arith.constant 4352 : i32
    %dma_wait3A_626 = tpu.memref_slice %arg5[%dma_wait3A_625] : memref<5120xi32, #tpu.memory_space<vmem>> -> memref<128xi32, #tpu.memory_space<vmem>>
    %dma_wait3A_627 = arith.constant 0 : i32
    %dma_wait3A_628 = arith.constant 0 : i32
    %dma_wait3A_629 = tpu.memref_slice %arg3[%dma_wait3A_627, %dma_wait3A_628] : memref<1015808x16xf32, #tpu.memory_space<hbm>> -> memref<1015808x16xf32, #tpu.memory_space<hbm>>
    tpu.wait_indirect_dma semaphore(%arg8 : memref<!tpu.dma_semaphore, #tpu.memory_space<semaphore_mem>>) src(%dma_wait3A_629 : memref<1015808x16xf32, #tpu.memory_space<hbm>>) dst(%dma_wait3A_624 : memref<128x16xf32, #tpu.memory_space<vmem>>)
    %dma_wait3A_630 = arith.constant 640 : i32
    %dma_wait3A_631 = arith.constant 0 : i32
    %dma_wait3A_632 = tpu.memref_slice %arg6[%dma_wait3A_630, %dma_wait3A_631] : memref<1280x16xf32, #tpu.memory_space<vmem>> -> memref<128x16xf32, #tpu.memory_space<vmem>>
    %dma_wait3A_633 = arith.constant 4480 : i32
    %dma_wait3A_634 = tpu.memref_slice %arg5[%dma_wait3A_633] : memref<5120xi32, #tpu.memory_space<vmem>> -> memref<128xi32, #tpu.memory_space<vmem>>
    %dma_wait3A_635 = arith.constant 0 : i32
    %dma_wait3A_636 = arith.constant 0 : i32
    %dma_wait3A_637 = tpu.memref_slice %arg3[%dma_wait3A_635, %dma_wait3A_636] : memref<1015808x16xf32, #tpu.memory_space<hbm>> -> memref<1015808x16xf32, #tpu.memory_space<hbm>>
    tpu.wait_indirect_dma semaphore(%arg8 : memref<!tpu.dma_semaphore, #tpu.memory_space<semaphore_mem>>) src(%dma_wait3A_637 : memref<1015808x16xf32, #tpu.memory_space<hbm>>) dst(%dma_wait3A_632 : memref<128x16xf32, #tpu.memory_space<vmem>>)
    %dma_wait3A_638 = arith.constant 768 : i32
    %dma_wait3A_639 = arith.constant 0 : i32
    %dma_wait3A_640 = tpu.memref_slice %arg6[%dma_wait3A_638, %dma_wait3A_639] : memref<1280x16xf32, #tpu.memory_space<vmem>> -> memref<128x16xf32, #tpu.memory_space<vmem>>
    %dma_wait3A_641 = arith.constant 4608 : i32
    %dma_wait3A_642 = tpu.memref_slice %arg5[%dma_wait3A_641] : memref<5120xi32, #tpu.memory_space<vmem>> -> memref<128xi32, #tpu.memory_space<vmem>>
    %dma_wait3A_643 = arith.constant 0 : i32
    %dma_wait3A_644 = arith.constant 0 : i32
    %dma_wait3A_645 = tpu.memref_slice %arg3[%dma_wait3A_643, %dma_wait3A_644] : memref<1015808x16xf32, #tpu.memory_space<hbm>> -> memref<1015808x16xf32, #tpu.memory_space<hbm>>
    tpu.wait_indirect_dma semaphore(%arg8 : memref<!tpu.dma_semaphore, #tpu.memory_space<semaphore_mem>>) src(%dma_wait3A_645 : memref<1015808x16xf32, #tpu.memory_space<hbm>>) dst(%dma_wait3A_640 : memref<128x16xf32, #tpu.memory_space<vmem>>)
    %dma_wait3A_646 = arith.constant 896 : i32
    %dma_wait3A_647 = arith.constant 0 : i32
    %dma_wait3A_648 = tpu.memref_slice %arg6[%dma_wait3A_646, %dma_wait3A_647] : memref<1280x16xf32, #tpu.memory_space<vmem>> -> memref<128x16xf32, #tpu.memory_space<vmem>>
    %dma_wait3A_649 = arith.constant 4736 : i32
    %dma_wait3A_650 = tpu.memref_slice %arg5[%dma_wait3A_649] : memref<5120xi32, #tpu.memory_space<vmem>> -> memref<128xi32, #tpu.memory_space<vmem>>
    %dma_wait3A_651 = arith.constant 0 : i32
    %dma_wait3A_652 = arith.constant 0 : i32
    %dma_wait3A_653 = tpu.memref_slice %arg3[%dma_wait3A_651, %dma_wait3A_652] : memref<1015808x16xf32, #tpu.memory_space<hbm>> -> memref<1015808x16xf32, #tpu.memory_space<hbm>>
    tpu.wait_indirect_dma semaphore(%arg8 : memref<!tpu.dma_semaphore, #tpu.memory_space<semaphore_mem>>) src(%dma_wait3A_653 : memref<1015808x16xf32, #tpu.memory_space<hbm>>) dst(%dma_wait3A_648 : memref<128x16xf32, #tpu.memory_space<vmem>>)
    %dma_wait3A_654 = arith.constant 1024 : i32
    %dma_wait3A_655 = arith.constant 0 : i32
    %dma_wait3A_656 = tpu.memref_slice %arg6[%dma_wait3A_654, %dma_wait3A_655] : memref<1280x16xf32, #tpu.memory_space<vmem>> -> memref<128x16xf32, #tpu.memory_space<vmem>>
    %dma_wait3A_657 = arith.constant 4864 : i32
    %dma_wait3A_658 = tpu.memref_slice %arg5[%dma_wait3A_657] : memref<5120xi32, #tpu.memory_space<vmem>> -> memref<128xi32, #tpu.memory_space<vmem>>
    %dma_wait3A_659 = arith.constant 0 : i32
    %dma_wait3A_660 = arith.constant 0 : i32
    %dma_wait3A_661 = tpu.memref_slice %arg3[%dma_wait3A_659, %dma_wait3A_660] : memref<1015808x16xf32, #tpu.memory_space<hbm>> -> memref<1015808x16xf32, #tpu.memory_space<hbm>>
    tpu.wait_indirect_dma semaphore(%arg8 : memref<!tpu.dma_semaphore, #tpu.memory_space<semaphore_mem>>) src(%dma_wait3A_661 : memref<1015808x16xf32, #tpu.memory_space<hbm>>) dst(%dma_wait3A_656 : memref<128x16xf32, #tpu.memory_space<vmem>>)
    %dma_wait3A_662 = arith.constant 1152 : i32
    %dma_wait3A_663 = arith.constant 0 : i32
    %dma_wait3A_664 = tpu.memref_slice %arg6[%dma_wait3A_662, %dma_wait3A_663] : memref<1280x16xf32, #tpu.memory_space<vmem>> -> memref<128x16xf32, #tpu.memory_space<vmem>>
    %dma_wait3A_665 = arith.constant 4992 : i32
    %dma_wait3A_666 = tpu.memref_slice %arg5[%dma_wait3A_665] : memref<5120xi32, #tpu.memory_space<vmem>> -> memref<128xi32, #tpu.memory_space<vmem>>
    %dma_wait3A_667 = arith.constant 0 : i32
    %dma_wait3A_668 = arith.constant 0 : i32
    %dma_wait3A_669 = tpu.memref_slice %arg3[%dma_wait3A_667, %dma_wait3A_668] : memref<1015808x16xf32, #tpu.memory_space<hbm>> -> memref<1015808x16xf32, #tpu.memory_space<hbm>>
    tpu.wait_indirect_dma semaphore(%arg8 : memref<!tpu.dma_semaphore, #tpu.memory_space<semaphore_mem>>) src(%dma_wait3A_669 : memref<1015808x16xf32, #tpu.memory_space<hbm>>) dst(%dma_wait3A_664 : memref<128x16xf32, #tpu.memory_space<vmem>>)
    %scan3A_670 = arith.constant 0 : i32
    %scan3A_671 = arith.constant 0 : i32
    %scan3A_672 = arith.constant 128 : i32
    %scan3A_673 = arith.addi %scan3A_671, %scan3A_672 : i32
    %scan3A_674 = arith.constant 1 : i32
    scf.for %scan3A_680 = %scan3A_671 to %scan3A_673 step %scan3A_674  : i32 {
      %mul3A_681 = arith.constant 10 : i32
      %mul3A_682 = arith.muli %scan3A_680, %mul3A_681 : i32
      %add3A_683 = arith.constant 0 : i32
      %add3A_684 = arith.addi %mul3A_682, %add3A_683 : i32
      %add3A_685 = arith.constant 0 : i32
      %add3A_686 = arith.addi %add3A_684, %add3A_685 : i32
      %get3A = arith.index_cast %add3A_686 : i32 to index
      %get3A_687 = arith.constant 0 : index
      %get3A_688 = tpu.vector_load %arg6[%get3A, %get3A_687] {strides = array<i32>} : memref<1280x16xf32, #tpu.memory_space<vmem>>, vector<16xf32>,
      %bitcast3A = vector.bitcast %get3A_688 : vector<16xf32> to vector<32xbf16>
      %unpack3A = tpu.unpack_subelements %bitcast3A, 0 {pack_format = #tpu.pack_format<interleaved>} : vector<32xbf16> -> vector<16xf32>
      %unpack3A_689 = tpu.unpack_subelements %bitcast3A, 1 {pack_format = #tpu.pack_format<interleaved>} : vector<32xbf16> -> vector<16xf32>
      %add3A_690 = arith.constant 0 : i32
      %add3A_691 = arith.addi %mul3A_682, %add3A_690 : i32
      %add3A_692 = arith.constant 1 : i32
      %add3A_693 = arith.addi %add3A_691, %add3A_692 : i32
      %get3A_694 = arith.index_cast %add3A_693 : i32 to index
      %get3A_695 = arith.constant 0 : index
      %get3A_696 = tpu.vector_load %arg6[%get3A_694, %get3A_695] {strides = array<i32>} : memref<1280x16xf32, #tpu.memory_space<vmem>>, vector<16xf32>,
      %bitcast3A_697 = vector.bitcast %get3A_696 : vector<16xf32> to vector<32xbf16>
      %unpack3A_698 = tpu.unpack_subelements %bitcast3A_697, 0 {pack_format = #tpu.pack_format<interleaved>} : vector<32xbf16> -> vector<16xf32>
      %unpack3A_699 = tpu.unpack_subelements %bitcast3A_697, 1 {pack_format = #tpu.pack_format<interleaved>} : vector<32xbf16> -> vector<16xf32>
      %add3A_700 = arith.addf %unpack3A, %unpack3A_698 : vector<16xf32>
      %add3A_701 = arith.addf %unpack3A_689, %unpack3A_699 : vector<16xf32>
      %add3A_702 = arith.constant 0 : i32
      %add3A_703 = arith.addi %mul3A_682, %add3A_702 : i32
      %add3A_704 = arith.constant 2 : i32
      %add3A_705 = arith.addi %add3A_703, %add3A_704 : i32
      %get3A_706 = arith.index_cast %add3A_705 : i32 to index
      %get3A_707 = arith.constant 0 : index
      %get3A_708 = tpu.vector_load %arg6[%get3A_706, %get3A_707] {strides = array<i32>} : memref<1280x16xf32, #tpu.memory_space<vmem>>, vector<16xf32>,
      %bitcast3A_709 = vector.bitcast %get3A_708 : vector<16xf32> to vector<32xbf16>
      %unpack3A_710 = tpu.unpack_subelements %bitcast3A_709, 0 {pack_format = #tpu.pack_format<interleaved>} : vector<32xbf16> -> vector<16xf32>
      %unpack3A_711 = tpu.unpack_subelements %bitcast3A_709, 1 {pack_format = #tpu.pack_format<interleaved>} : vector<32xbf16> -> vector<16xf32>
      %add3A_712 = arith.addf %add3A_700, %unpack3A_710 : vector<16xf32>
      %add3A_713 = arith.addf %add3A_701, %unpack3A_711 : vector<16xf32>
      %add3A_714 = arith.constant 0 : i32
      %add3A_715 = arith.addi %mul3A_682, %add3A_714 : i32
      %add3A_716 = arith.constant 3 : i32
      %add3A_717 = arith.addi %add3A_715, %add3A_716 : i32
      %get3A_718 = arith.index_cast %add3A_717 : i32 to index
      %get3A_719 = arith.constant 0 : index
      %get3A_720 = tpu.vector_load %arg6[%get3A_718, %get3A_719] {strides = array<i32>} : memref<1280x16xf32, #tpu.memory_space<vmem>>, vector<16xf32>,
      %bitcast3A_721 = vector.bitcast %get3A_720 : vector<16xf32> to vector<32xbf16>
      %unpack3A_722 = tpu.unpack_subelements %bitcast3A_721, 0 {pack_format = #tpu.pack_format<interleaved>} : vector<32xbf16> -> vector<16xf32>
      %unpack3A_723 = tpu.unpack_subelements %bitcast3A_721, 1 {pack_format = #tpu.pack_format<interleaved>} : vector<32xbf16> -> vector<16xf32>
      %add3A_724 = arith.addf %add3A_712, %unpack3A_722 : vector<16xf32>
      %add3A_725 = arith.addf %add3A_713, %unpack3A_723 : vector<16xf32>
      %add3A_726 = arith.constant 0 : i32
      %add3A_727 = arith.addi %mul3A_682, %add3A_726 : i32
      %add3A_728 = arith.constant 4 : i32
      %add3A_729 = arith.addi %add3A_727, %add3A_728 : i32
      %get3A_730 = arith.index_cast %add3A_729 : i32 to index
      %get3A_731 = arith.constant 0 : index
      %get3A_732 = tpu.vector_load %arg6[%get3A_730, %get3A_731] {strides = array<i32>} : memref<1280x16xf32, #tpu.memory_space<vmem>>, vector<16xf32>,
      %bitcast3A_733 = vector.bitcast %get3A_732 : vector<16xf32> to vector<32xbf16>
      %unpack3A_734 = tpu.unpack_subelements %bitcast3A_733, 0 {pack_format = #tpu.pack_format<interleaved>} : vector<32xbf16> -> vector<16xf32>
      %unpack3A_735 = tpu.unpack_subelements %bitcast3A_733, 1 {pack_format = #tpu.pack_format<interleaved>} : vector<32xbf16> -> vector<16xf32>
      %add3A_736 = arith.addf %add3A_724, %unpack3A_734 : vector<16xf32>
      %add3A_737 = arith.addf %add3A_725, %unpack3A_735 : vector<16xf32>
      %mul3A_738 = arith.constant 2.000000e-01 : f32
      %mul3A_739 = vector.broadcast %mul3A_738 : f32 to vector<16xf32>
      %mul3A_740 = arith.mulf %add3A_736, %mul3A_739 : vector<16xf32>
      %swap3A = arith.index_cast %scan3A_680 : i32 to index
      %swap3A_741 = arith.constant 0 : index
      %swap3A_742 = tpu.vector_load %arg7[%swap3A, %swap3A_741] {strides = array<i32>} : memref<128x64xf32, #tpu.memory_space<vmem>>, vector<16xf32>,
      tpu.vector_store %arg7[%swap3A, %swap3A_741], %mul3A_740 {strides = array<i32>} : memref<128x64xf32, #tpu.memory_space<vmem>>, vector<16xf32>,
      %mul3A_743 = arith.constant 2.000000e-01 : f32
      %mul3A_744 = vector.broadcast %mul3A_743 : f32 to vector<16xf32>
      %mul3A_745 = arith.mulf %add3A_737, %mul3A_744 : vector<16xf32>
      %swap3A_746 = arith.index_cast %scan3A_680 : i32 to index
      %swap3A_747 = arith.constant 16 : index
      %swap3A_748 = tpu.vector_load %arg7[%swap3A_746, %swap3A_747] {strides = array<i32>} : memref<128x64xf32, #tpu.memory_space<vmem>>, vector<16xf32>,
      tpu.vector_store %arg7[%swap3A_746, %swap3A_747], %mul3A_745 {strides = array<i32>} : memref<128x64xf32, #tpu.memory_space<vmem>>, vector<16xf32>,
      %add3A_749 = arith.constant 5 : i32
      %add3A_750 = arith.addi %mul3A_682, %add3A_749 : i32
      %add3A_751 = arith.constant 0 : i32
      %add3A_752 = arith.addi %add3A_750, %add3A_751 : i32
      %get3A_753 = arith.index_cast %add3A_752 : i32 to index
      %get3A_754 = arith.constant 0 : index
      %get3A_755 = tpu.vector_load %arg6[%get3A_753, %get3A_754] {strides = array<i32>} : memref<1280x16xf32, #tpu.memory_space<vmem>>, vector<16xf32>,
      %bitcast3A_756 = vector.bitcast %get3A_755 : vector<16xf32> to vector<32xbf16>
      %unpack3A_757 = tpu.unpack_subelements %bitcast3A_756, 0 {pack_format = #tpu.pack_format<interleaved>} : vector<32xbf16> -> vector<16xf32>
      %unpack3A_758 = tpu.unpack_subelements %bitcast3A_756, 1 {pack_format = #tpu.pack_format<interleaved>} : vector<32xbf16> -> vector<16xf32>
      %add3A_759 = arith.constant 5 : i32
      %add3A_760 = arith.addi %mul3A_682, %add3A_759 : i32
      %add3A_761 = arith.constant 1 : i32
      %add3A_762 = arith.addi %add3A_760, %add3A_761 : i32
      %get3A_763 = arith.index_cast %add3A_762 : i32 to index
      %get3A_764 = arith.constant 0 : index
      %get3A_765 = tpu.vector_load %arg6[%get3A_763, %get3A_764] {strides = array<i32>} : memref<1280x16xf32, #tpu.memory_space<vmem>>, vector<16xf32>,
      %bitcast3A_766 = vector.bitcast %get3A_765 : vector<16xf32> to vector<32xbf16>
      %unpack3A_767 = tpu.unpack_subelements %bitcast3A_766, 0 {pack_format = #tpu.pack_format<interleaved>} : vector<32xbf16> -> vector<16xf32>
      %unpack3A_768 = tpu.unpack_subelements %bitcast3A_766, 1 {pack_format = #tpu.pack_format<interleaved>} : vector<32xbf16> -> vector<16xf32>
      %add3A_769 = arith.addf %unpack3A_757, %unpack3A_767 : vector<16xf32>
      %add3A_770 = arith.addf %unpack3A_758, %unpack3A_768 : vector<16xf32>
      %add3A_771 = arith.constant 5 : i32
      %add3A_772 = arith.addi %mul3A_682, %add3A_771 : i32
      %add3A_773 = arith.constant 2 : i32
      %add3A_774 = arith.addi %add3A_772, %add3A_773 : i32
      %get3A_775 = arith.index_cast %add3A_774 : i32 to index
      %get3A_776 = arith.constant 0 : index
      %get3A_777 = tpu.vector_load %arg6[%get3A_775, %get3A_776] {strides = array<i32>} : memref<1280x16xf32, #tpu.memory_space<vmem>>, vector<16xf32>,
      %bitcast3A_778 = vector.bitcast %get3A_777 : vector<16xf32> to vector<32xbf16>
      %unpack3A_779 = tpu.unpack_subelements %bitcast3A_778, 0 {pack_format = #tpu.pack_format<interleaved>} : vector<32xbf16> -> vector<16xf32>
      %unpack3A_780 = tpu.unpack_subelements %bitcast3A_778, 1 {pack_format = #tpu.pack_format<interleaved>} : vector<32xbf16> -> vector<16xf32>
      %add3A_781 = arith.addf %add3A_769, %unpack3A_779 : vector<16xf32>
      %add3A_782 = arith.addf %add3A_770, %unpack3A_780 : vector<16xf32>
      %add3A_783 = arith.constant 5 : i32
      %add3A_784 = arith.addi %mul3A_682, %add3A_783 : i32
      %add3A_785 = arith.constant 3 : i32
      %add3A_786 = arith.addi %add3A_784, %add3A_785 : i32
      %get3A_787 = arith.index_cast %add3A_786 : i32 to index
      %get3A_788 = arith.constant 0 : index
      %get3A_789 = tpu.vector_load %arg6[%get3A_787, %get3A_788] {strides = array<i32>} : memref<1280x16xf32, #tpu.memory_space<vmem>>, vector<16xf32>,
      %bitcast3A_790 = vector.bitcast %get3A_789 : vector<16xf32> to vector<32xbf16>
      %unpack3A_791 = tpu.unpack_subelements %bitcast3A_790, 0 {pack_format = #tpu.pack_format<interleaved>} : vector<32xbf16> -> vector<16xf32>
      %unpack3A_792 = tpu.unpack_subelements %bitcast3A_790, 1 {pack_format = #tpu.pack_format<interleaved>} : vector<32xbf16> -> vector<16xf32>
      %add3A_793 = arith.addf %add3A_781, %unpack3A_791 : vector<16xf32>
      %add3A_794 = arith.addf %add3A_782, %unpack3A_792 : vector<16xf32>
      %add3A_795 = arith.constant 5 : i32
      %add3A_796 = arith.addi %mul3A_682, %add3A_795 : i32
      %add3A_797 = arith.constant 4 : i32
      %add3A_798 = arith.addi %add3A_796, %add3A_797 : i32
      %get3A_799 = arith.index_cast %add3A_798 : i32 to index
      %get3A_800 = arith.constant 0 : index
      %get3A_801 = tpu.vector_load %arg6[%get3A_799, %get3A_800] {strides = array<i32>} : memref<1280x16xf32, #tpu.memory_space<vmem>>, vector<16xf32>,
      %bitcast3A_802 = vector.bitcast %get3A_801 : vector<16xf32> to vector<32xbf16>
      %unpack3A_803 = tpu.unpack_subelements %bitcast3A_802, 0 {pack_format = #tpu.pack_format<interleaved>} : vector<32xbf16> -> vector<16xf32>
      %unpack3A_804 = tpu.unpack_subelements %bitcast3A_802, 1 {pack_format = #tpu.pack_format<interleaved>} : vector<32xbf16> -> vector<16xf32>
      %add3A_805 = arith.addf %add3A_793, %unpack3A_803 : vector<16xf32>
      %add3A_806 = arith.addf %add3A_794, %unpack3A_804 : vector<16xf32>
      %mul3A_807 = arith.constant 2.000000e-01 : f32
      %mul3A_808 = vector.broadcast %mul3A_807 : f32 to vector<16xf32>
      %mul3A_809 = arith.mulf %add3A_805, %mul3A_808 : vector<16xf32>
      %swap3A_810 = arith.index_cast %scan3A_680 : i32 to index
      %swap3A_811 = arith.constant 32 : index
      %swap3A_812 = tpu.vector_load %arg7[%swap3A_810, %swap3A_811] {strides = array<i32>} : memref<128x64xf32, #tpu.memory_space<vmem>>, vector<16xf32>,
      tpu.vector_store %arg7[%swap3A_810, %swap3A_811], %mul3A_809 {strides = array<i32>} : memref<128x64xf32, #tpu.memory_space<vmem>>, vector<16xf32>,
      %mul3A_813 = arith.constant 2.000000e-01 : f32
      %mul3A_814 = vector.broadcast %mul3A_813 : f32 to vector<16xf32>
      %mul3A_815 = arith.mulf %add3A_806, %mul3A_814 : vector<16xf32>
      %swap3A_816 = arith.index_cast %scan3A_680 : i32 to index
      %swap3A_817 = arith.constant 48 : index
      %swap3A_818 = tpu.vector_load %arg7[%swap3A_816, %swap3A_817] {strides = array<i32>} : memref<128x64xf32, #tpu.memory_space<vmem>>, vector<16xf32>,
      tpu.vector_store %arg7[%swap3A_816, %swap3A_817], %mul3A_815 {strides = array<i32>} : memref<128x64xf32, #tpu.memory_space<vmem>>, vector<16xf32>,
    }
    %scan3A_675 = arith.constant 128 : i32
    %mul3A_676 = arith.constant 512 : i32
    %mul3A_677 = arith.muli %add3A, %mul3A_676 : i32
    %add3A_678 = arith.constant 384 : i32
    %add3A_679 = arith.addi %mul3A_677, %add3A_678 : i32
    "tpu.region"() ({
      %run_scoped3A = tpu.sem_alloc : memref<!tpu.dma_semaphore, #tpu.memory_space<semaphore_mem>>
      %dma_start3A_680 = arith.constant 0 : i32
      %dma_start3A_681 = tpu.memref_slice %arg4[%add3A_679, %dma_start3A_680] : memref<16384x64xf32, #tpu.memory_space<hbm>> -> memref<128x64xf32, #tpu.memory_space<hbm>>
      %dma_start3A_682 = arith.constant 0 : i32
      %dma_start3A_683 = tpu.memref_slice %arg4[%add3A_679, %dma_start3A_682] : memref<16384x64xf32, #tpu.memory_space<hbm>> -> memref<128x64xf32, #tpu.memory_space<hbm>>
      tpu.enqueue_dma source(%arg7 : memref<128x64xf32, #tpu.memory_space<vmem>>) target(%dma_start3A_683 : memref<128x64xf32, #tpu.memory_space<hbm>>) target_semaphore(%run_scoped3A : memref<!tpu.dma_semaphore, #tpu.memory_space<semaphore_mem>>)
      %dma_wait3A_684 = arith.constant 0 : i32
      %dma_wait3A_685 = tpu.memref_slice %arg4[%add3A_679, %dma_wait3A_684] : memref<16384x64xf32, #tpu.memory_space<hbm>> -> memref<128x64xf32, #tpu.memory_space<hbm>>
      %dma_wait3A_686 = arith.constant 0 : i32
      %dma_wait3A_687 = tpu.memref_slice %arg4[%add3A_679, %dma_wait3A_686] : memref<16384x64xf32, #tpu.memory_space<hbm>> -> memref<128x64xf32, #tpu.memory_space<hbm>>
      tpu.wait_dma2 semaphore(%run_scoped3A : memref<!tpu.dma_semaphore, #tpu.memory_space<semaphore_mem>>) src(%arg7 : memref<128x64xf32, #tpu.memory_space<vmem>>) dst(%dma_wait3A_687 : memref<128x64xf32, #tpu.memory_space<hbm>>)
      tpu.yield
    }) : () -> ()
    return
  }
}

module attributes {stable_mosaic.version = 14 : i64} {
  func.func @_repack_body(%arg0: i32, %arg1: memref<32x1000000xf32, #tpu.memory_space<any>>, %arg2: memref<8x128xf32, #tpu.memory_space<vmem>>, %arg3: memref<2048x128xf32, #tpu.memory_space<vmem>>, %arg4: memref<2x256x2048xf32, #tpu.memory_space<vmem>>, %arg5: memref<2x8x!tpu.dma_semaphore, #tpu.memory_space<semaphore_mem>>) attributes {dimension_semantics = [#tpu.dimension_semantics<arbitrary>], iteration_bounds = array<i64: 62>, scalar_prefetch = 0 : i64, scratch_operands = 2 : i64, tpu.core_type = #tpu.core_type<tc>, window_params = [{}, {pipeline_mode = #tpu.pipeline_mode<synchronous>, transform_indices = @transform_1, window_bounds = array<i64: 8, 128>}, {transform_indices = @transform_2, window_bounds = array<i64: 2048, 128>}]} {
    %eq3A = arith.constant 0 : i32
    %eq3A_0 = arith.cmpi eq, %arg0, %eq3A : i32
    %convert_element_type3A = arith.extui %eq3A_0 : i1 to i32
    %cond3A = arith.constant 0 : i32
    %cond3A_1 = arith.cmpi ne, %convert_element_type3A, %cond3A : i32
    scf.if %cond3A_1 {
      %dma_start3A = arith.constant 0 : i32
      %dma_start3A_37 = arith.constant 0 : i32
      %dma_start3A_38 = arith.constant 0 : i32
      %dma_start3A_39 = tpu.memref_slice %arg5[%dma_start3A_37, %dma_start3A_38] : memref<2x8x!tpu.dma_semaphore, #tpu.memory_space<semaphore_mem>> -> memref<1x1x!tpu.dma_semaphore, #tpu.memory_space<semaphore_mem>>
      %dma_start3A_40 = tpu.memref_squeeze %dma_start3A_39 : memref<1x1x!tpu.dma_semaphore, #tpu.memory_space<semaphore_mem>> -> memref<!tpu.dma_semaphore, #tpu.memory_space<semaphore_mem>>
      %dma_start3A_41 = arith.constant 0 : i32
      %dma_start3A_42 = arith.constant 0 : i32
      %dma_start3A_43 = tpu.memref_slice %arg4[%dma_start3A, %dma_start3A_41, %dma_start3A_42] : memref<2x256x2048xf32, #tpu.memory_space<vmem>> -> memref<1x32x2048xf32, #tpu.memory_space<vmem>>
      %dma_start3A_44 = tpu.memref_squeeze %dma_start3A_43 : memref<1x32x2048xf32, #tpu.memory_space<vmem>> -> memref<32x2048xf32, #tpu.memory_space<vmem>>
      %dma_start3A_45 = arith.constant 0 : i32
      %dma_start3A_46 = arith.constant 0 : i32
      %dma_start3A_47 = tpu.memref_slice %arg1[%dma_start3A_45, %dma_start3A_46] : memref<32x1000000xf32, #tpu.memory_space<any>> -> memref<32x2048xf32, #tpu.memory_space<any>>
      tpu.enqueue_dma source(%dma_start3A_47 : memref<32x2048xf32, #tpu.memory_space<any>>) target(%dma_start3A_44 : memref<32x2048xf32, #tpu.memory_space<vmem>>) target_semaphore(%dma_start3A_40 : memref<!tpu.dma_semaphore, #tpu.memory_space<semaphore_mem>>)
      %dma_start3A_48 = arith.constant 0 : i32
      %dma_start3A_49 = arith.constant 0 : i32
      %dma_start3A_50 = arith.constant 1 : i32
      %dma_start3A_51 = tpu.memref_slice %arg5[%dma_start3A_49, %dma_start3A_50] : memref<2x8x!tpu.dma_semaphore, #tpu.memory_space<semaphore_mem>> -> memref<1x1x!tpu.dma_semaphore, #tpu.memory_space<semaphore_mem>>
      %dma_start3A_52 = tpu.memref_squeeze %dma_start3A_51 : memref<1x1x!tpu.dma_semaphore, #tpu.memory_space<semaphore_mem>> -> memref<!tpu.dma_semaphore, #tpu.memory_space<semaphore_mem>>
      %dma_start3A_53 = arith.constant 32 : i32
      %dma_start3A_54 = arith.constant 0 : i32
      %dma_start3A_55 = tpu.memref_slice %arg4[%dma_start3A_48, %dma_start3A_53, %dma_start3A_54] : memref<2x256x2048xf32, #tpu.memory_space<vmem>> -> memref<1x32x2048xf32, #tpu.memory_space<vmem>>
      %dma_start3A_56 = tpu.memref_squeeze %dma_start3A_55 : memref<1x32x2048xf32, #tpu.memory_space<vmem>> -> memref<32x2048xf32, #tpu.memory_space<vmem>>
      %dma_start3A_57 = arith.constant 0 : i32
      %dma_start3A_58 = arith.constant 2048 : i32
      %dma_start3A_59 = tpu.memref_slice %arg1[%dma_start3A_57, %dma_start3A_58] : memref<32x1000000xf32, #tpu.memory_space<any>> -> memref<32x2048xf32, #tpu.memory_space<any>>
      tpu.enqueue_dma source(%dma_start3A_59 : memref<32x2048xf32, #tpu.memory_space<any>>) target(%dma_start3A_56 : memref<32x2048xf32, #tpu.memory_space<vmem>>) target_semaphore(%dma_start3A_52 : memref<!tpu.dma_semaphore, #tpu.memory_space<semaphore_mem>>)
      %dma_start3A_60 = arith.constant 0 : i32
      %dma_start3A_61 = arith.constant 0 : i32
      %dma_start3A_62 = arith.constant 2 : i32
      %dma_start3A_63 = tpu.memref_slice %arg5[%dma_start3A_61, %dma_start3A_62] : memref<2x8x!tpu.dma_semaphore, #tpu.memory_space<semaphore_mem>> -> memref<1x1x!tpu.dma_semaphore, #tpu.memory_space<semaphore_mem>>
      %dma_start3A_64 = tpu.memref_squeeze %dma_start3A_63 : memref<1x1x!tpu.dma_semaphore, #tpu.memory_space<semaphore_mem>> -> memref<!tpu.dma_semaphore, #tpu.memory_space<semaphore_mem>>
      %dma_start3A_65 = arith.constant 64 : i32
      %dma_start3A_66 = arith.constant 0 : i32
      %dma_start3A_67 = tpu.memref_slice %arg4[%dma_start3A_60, %dma_start3A_65, %dma_start3A_66] : memref<2x256x2048xf32, #tpu.memory_space<vmem>> -> memref<1x32x2048xf32, #tpu.memory_space<vmem>>
      %dma_start3A_68 = tpu.memref_squeeze %dma_start3A_67 : memref<1x32x2048xf32, #tpu.memory_space<vmem>> -> memref<32x2048xf32, #tpu.memory_space<vmem>>
      %dma_start3A_69 = arith.constant 0 : i32
      %dma_start3A_70 = arith.constant 4096 : i32
      %dma_start3A_71 = tpu.memref_slice %arg1[%dma_start3A_69, %dma_start3A_70] : memref<32x1000000xf32, #tpu.memory_space<any>> -> memref<32x2048xf32, #tpu.memory_space<any>>
      tpu.enqueue_dma source(%dma_start3A_71 : memref<32x2048xf32, #tpu.memory_space<any>>) target(%dma_start3A_68 : memref<32x2048xf32, #tpu.memory_space<vmem>>) target_semaphore(%dma_start3A_64 : memref<!tpu.dma_semaphore, #tpu.memory_space<semaphore_mem>>)
      %dma_start3A_72 = arith.constant 0 : i32
      %dma_start3A_73 = arith.constant 0 : i32
      %dma_start3A_74 = arith.constant 3 : i32
      %dma_start3A_75 = tpu.memref_slice %arg5[%dma_start3A_73, %dma_start3A_74] : memref<2x8x!tpu.dma_semaphore, #tpu.memory_space<semaphore_mem>> -> memref<1x1x!tpu.dma_semaphore, #tpu.memory_space<semaphore_mem>>
      %dma_start3A_76 = tpu.memref_squeeze %dma_start3A_75 : memref<1x1x!tpu.dma_semaphore, #tpu.memory_space<semaphore_mem>> -> memref<!tpu.dma_semaphore, #tpu.memory_space<semaphore_mem>>
      %dma_start3A_77 = arith.constant 96 : i32
      %dma_start3A_78 = arith.constant 0 : i32
      %dma_start3A_79 = tpu.memref_slice %arg4[%dma_start3A_72, %dma_start3A_77, %dma_start3A_78] : memref<2x256x2048xf32, #tpu.memory_space<vmem>> -> memref<1x32x2048xf32, #tpu.memory_space<vmem>>
      %dma_start3A_80 = tpu.memref_squeeze %dma_start3A_79 : memref<1x32x2048xf32, #tpu.memory_space<vmem>> -> memref<32x2048xf32, #tpu.memory_space<vmem>>
      %dma_start3A_81 = arith.constant 0 : i32
      %dma_start3A_82 = arith.constant 6144 : i32
      %dma_start3A_83 = tpu.memref_slice %arg1[%dma_start3A_81, %dma_start3A_82] : memref<32x1000000xf32, #tpu.memory_space<any>> -> memref<32x2048xf32, #tpu.memory_space<any>>
      tpu.enqueue_dma source(%dma_start3A_83 : memref<32x2048xf32, #tpu.memory_space<any>>) target(%dma_start3A_80 : memref<32x2048xf32, #tpu.memory_space<vmem>>) target_semaphore(%dma_start3A_76 : memref<!tpu.dma_semaphore, #tpu.memory_space<semaphore_mem>>)
      %dma_start3A_84 = arith.constant 0 : i32
      %dma_start3A_85 = arith.constant 0 : i32
      %dma_start3A_86 = arith.constant 4 : i32
      %dma_start3A_87 = tpu.memref_slice %arg5[%dma_start3A_85, %dma_start3A_86] : memref<2x8x!tpu.dma_semaphore, #tpu.memory_space<semaphore_mem>> -> memref<1x1x!tpu.dma_semaphore, #tpu.memory_space<semaphore_mem>>
      %dma_start3A_88 = tpu.memref_squeeze %dma_start3A_87 : memref<1x1x!tpu.dma_semaphore, #tpu.memory_space<semaphore_mem>> -> memref<!tpu.dma_semaphore, #tpu.memory_space<semaphore_mem>>
      %dma_start3A_89 = arith.constant 128 : i32
      %dma_start3A_90 = arith.constant 0 : i32
      %dma_start3A_91 = tpu.memref_slice %arg4[%dma_start3A_84, %dma_start3A_89, %dma_start3A_90] : memref<2x256x2048xf32, #tpu.memory_space<vmem>> -> memref<1x32x2048xf32, #tpu.memory_space<vmem>>
      %dma_start3A_92 = tpu.memref_squeeze %dma_start3A_91 : memref<1x32x2048xf32, #tpu.memory_space<vmem>> -> memref<32x2048xf32, #tpu.memory_space<vmem>>
      %dma_start3A_93 = arith.constant 0 : i32
      %dma_start3A_94 = arith.constant 8192 : i32
      %dma_start3A_95 = tpu.memref_slice %arg1[%dma_start3A_93, %dma_start3A_94] : memref<32x1000000xf32, #tpu.memory_space<any>> -> memref<32x2048xf32, #tpu.memory_space<any>>
      tpu.enqueue_dma source(%dma_start3A_95 : memref<32x2048xf32, #tpu.memory_space<any>>) target(%dma_start3A_92 : memref<32x2048xf32, #tpu.memory_space<vmem>>) target_semaphore(%dma_start3A_88 : memref<!tpu.dma_semaphore, #tpu.memory_space<semaphore_mem>>)
      %dma_start3A_96 = arith.constant 0 : i32
      %dma_start3A_97 = arith.constant 0 : i32
      %dma_start3A_98 = arith.constant 5 : i32
      %dma_start3A_99 = tpu.memref_slice %arg5[%dma_start3A_97, %dma_start3A_98] : memref<2x8x!tpu.dma_semaphore, #tpu.memory_space<semaphore_mem>> -> memref<1x1x!tpu.dma_semaphore, #tpu.memory_space<semaphore_mem>>
      %dma_start3A_100 = tpu.memref_squeeze %dma_start3A_99 : memref<1x1x!tpu.dma_semaphore, #tpu.memory_space<semaphore_mem>> -> memref<!tpu.dma_semaphore, #tpu.memory_space<semaphore_mem>>
      %dma_start3A_101 = arith.constant 160 : i32
      %dma_start3A_102 = arith.constant 0 : i32
      %dma_start3A_103 = tpu.memref_slice %arg4[%dma_start3A_96, %dma_start3A_101, %dma_start3A_102] : memref<2x256x2048xf32, #tpu.memory_space<vmem>> -> memref<1x32x2048xf32, #tpu.memory_space<vmem>>
      %dma_start3A_104 = tpu.memref_squeeze %dma_start3A_103 : memref<1x32x2048xf32, #tpu.memory_space<vmem>> -> memref<32x2048xf32, #tpu.memory_space<vmem>>
      %dma_start3A_105 = arith.constant 0 : i32
      %dma_start3A_106 = arith.constant 10240 : i32
      %dma_start3A_107 = tpu.memref_slice %arg1[%dma_start3A_105, %dma_start3A_106] : memref<32x1000000xf32, #tpu.memory_space<any>> -> memref<32x2048xf32, #tpu.memory_space<any>>
      tpu.enqueue_dma source(%dma_start3A_107 : memref<32x2048xf32, #tpu.memory_space<any>>) target(%dma_start3A_104 : memref<32x2048xf32, #tpu.memory_space<vmem>>) target_semaphore(%dma_start3A_100 : memref<!tpu.dma_semaphore, #tpu.memory_space<semaphore_mem>>)
      %dma_start3A_108 = arith.constant 0 : i32
      %dma_start3A_109 = arith.constant 0 : i32
      %dma_start3A_110 = arith.constant 6 : i32
      %dma_start3A_111 = tpu.memref_slice %arg5[%dma_start3A_109, %dma_start3A_110] : memref<2x8x!tpu.dma_semaphore, #tpu.memory_space<semaphore_mem>> -> memref<1x1x!tpu.dma_semaphore, #tpu.memory_space<semaphore_mem>>
      %dma_start3A_112 = tpu.memref_squeeze %dma_start3A_111 : memref<1x1x!tpu.dma_semaphore, #tpu.memory_space<semaphore_mem>> -> memref<!tpu.dma_semaphore, #tpu.memory_space<semaphore_mem>>
      %dma_start3A_113 = arith.constant 192 : i32
      %dma_start3A_114 = arith.constant 0 : i32
      %dma_start3A_115 = tpu.memref_slice %arg4[%dma_start3A_108, %dma_start3A_113, %dma_start3A_114] : memref<2x256x2048xf32, #tpu.memory_space<vmem>> -> memref<1x32x2048xf32, #tpu.memory_space<vmem>>
      %dma_start3A_116 = tpu.memref_squeeze %dma_start3A_115 : memref<1x32x2048xf32, #tpu.memory_space<vmem>> -> memref<32x2048xf32, #tpu.memory_space<vmem>>
      %dma_start3A_117 = arith.constant 0 : i32
      %dma_start3A_118 = arith.constant 12288 : i32
      %dma_start3A_119 = tpu.memref_slice %arg1[%dma_start3A_117, %dma_start3A_118] : memref<32x1000000xf32, #tpu.memory_space<any>> -> memref<32x2048xf32, #tpu.memory_space<any>>
      tpu.enqueue_dma source(%dma_start3A_119 : memref<32x2048xf32, #tpu.memory_space<any>>) target(%dma_start3A_116 : memref<32x2048xf32, #tpu.memory_space<vmem>>) target_semaphore(%dma_start3A_112 : memref<!tpu.dma_semaphore, #tpu.memory_space<semaphore_mem>>)
      %dma_start3A_120 = arith.constant 0 : i32
      %dma_start3A_121 = arith.constant 0 : i32
      %dma_start3A_122 = arith.constant 7 : i32
      %dma_start3A_123 = tpu.memref_slice %arg5[%dma_start3A_121, %dma_start3A_122] : memref<2x8x!tpu.dma_semaphore, #tpu.memory_space<semaphore_mem>> -> memref<1x1x!tpu.dma_semaphore, #tpu.memory_space<semaphore_mem>>
      %dma_start3A_124 = tpu.memref_squeeze %dma_start3A_123 : memref<1x1x!tpu.dma_semaphore, #tpu.memory_space<semaphore_mem>> -> memref<!tpu.dma_semaphore, #tpu.memory_space<semaphore_mem>>
      %dma_start3A_125 = arith.constant 224 : i32
      %dma_start3A_126 = arith.constant 0 : i32
      %dma_start3A_127 = tpu.memref_slice %arg4[%dma_start3A_120, %dma_start3A_125, %dma_start3A_126] : memref<2x256x2048xf32, #tpu.memory_space<vmem>> -> memref<1x32x2048xf32, #tpu.memory_space<vmem>>
      %dma_start3A_128 = tpu.memref_squeeze %dma_start3A_127 : memref<1x32x2048xf32, #tpu.memory_space<vmem>> -> memref<32x2048xf32, #tpu.memory_space<vmem>>
      %dma_start3A_129 = arith.constant 0 : i32
      %dma_start3A_130 = arith.constant 14336 : i32
      %dma_start3A_131 = tpu.memref_slice %arg1[%dma_start3A_129, %dma_start3A_130] : memref<32x1000000xf32, #tpu.memory_space<any>> -> memref<32x2048xf32, #tpu.memory_space<any>>
      tpu.enqueue_dma source(%dma_start3A_131 : memref<32x2048xf32, #tpu.memory_space<any>>) target(%dma_start3A_128 : memref<32x2048xf32, #tpu.memory_space<vmem>>) target_semaphore(%dma_start3A_124 : memref<!tpu.dma_semaphore, #tpu.memory_space<semaphore_mem>>)
    } else {
    }
    %rem3A = arith.constant 2 : i32
    %rem3A_2 = arith.remsi %arg0, %rem3A : i32
    %add3A = arith.constant 1 : i32
    %add3A_3 = arith.addi %arg0, %add3A : i32
    %lt3A = arith.constant 61 : i32
    %lt3A_4 = arith.cmpi slt, %add3A_3, %lt3A : i32
    %convert_element_type3A_5 = arith.extui %lt3A_4 : i1 to i32
    %cond3A_6 = arith.constant 0 : i32
    %cond3A_7 = arith.cmpi ne, %convert_element_type3A_5, %cond3A_6 : i32
    scf.if %cond3A_7 {
      %add3A_37 = arith.constant 1 : i32
      %add3A_38 = arith.addi %arg0, %add3A_37 : i32
      %sub3A = arith.constant 1 : i32
      %sub3A_39 = arith.subi %sub3A, %rem3A_2 : i32
      %mul3A = arith.constant 16384 : i32
      %mul3A_40 = arith.muli %add3A_38, %mul3A : i32
      %add3A_41 = arith.constant 0 : i32
      %add3A_42 = arith.addi %mul3A_40, %add3A_41 : i32
      %dma_start3A = arith.constant 0 : i32
      %dma_start3A_43 = tpu.memref_slice %arg5[%sub3A_39, %dma_start3A] : memref<2x8x!tpu.dma_semaphore, #tpu.memory_space<semaphore_mem>> -> memref<1x1x!tpu.dma_semaphore, #tpu.memory_space<semaphore_mem>>
      %dma_start3A_44 = tpu.memref_squeeze %dma_start3A_43 : memref<1x1x!tpu.dma_semaphore, #tpu.memory_space<semaphore_mem>> -> memref<!tpu.dma_semaphore, #tpu.memory_space<semaphore_mem>>
      %dma_start3A_45 = arith.constant 0 : i32
      %dma_start3A_46 = arith.constant 0 : i32
      %dma_start3A_47 = tpu.memref_slice %arg4[%sub3A_39, %dma_start3A_45, %dma_start3A_46] : memref<2x256x2048xf32, #tpu.memory_space<vmem>> -> memref<1x32x2048xf32, #tpu.memory_space<vmem>>
      %dma_start3A_48 = tpu.memref_squeeze %dma_start3A_47 : memref<1x32x2048xf32, #tpu.memory_space<vmem>> -> memref<32x2048xf32, #tpu.memory_space<vmem>>
      %dma_start3A_49 = arith.constant 0 : i32
      %dma_start3A_50 = tpu.memref_slice %arg1[%dma_start3A_49, %add3A_42] : memref<32x1000000xf32, #tpu.memory_space<any>> -> memref<32x2048xf32, #tpu.memory_space<any>>
      tpu.enqueue_dma source(%dma_start3A_50 : memref<32x2048xf32, #tpu.memory_space<any>>) target(%dma_start3A_48 : memref<32x2048xf32, #tpu.memory_space<vmem>>) target_semaphore(%dma_start3A_44 : memref<!tpu.dma_semaphore, #tpu.memory_space<semaphore_mem>>)
      %add3A_51 = arith.constant 2048 : i32
      %add3A_52 = arith.addi %mul3A_40, %add3A_51 : i32
      %dma_start3A_53 = arith.constant 1 : i32
      %dma_start3A_54 = tpu.memref_slice %arg5[%sub3A_39, %dma_start3A_53] : memref<2x8x!tpu.dma_semaphore, #tpu.memory_space<semaphore_mem>> -> memref<1x1x!tpu.dma_semaphore, #tpu.memory_space<semaphore_mem>>
      %dma_start3A_55 = tpu.memref_squeeze %dma_start3A_54 : memref<1x1x!tpu.dma_semaphore, #tpu.memory_space<semaphore_mem>> -> memref<!tpu.dma_semaphore, #tpu.memory_space<semaphore_mem>>
      %dma_start3A_56 = arith.constant 32 : i32
      %dma_start3A_57 = arith.constant 0 : i32
      %dma_start3A_58 = tpu.memref_slice %arg4[%sub3A_39, %dma_start3A_56, %dma_start3A_57] : memref<2x256x2048xf32, #tpu.memory_space<vmem>> -> memref<1x32x2048xf32, #tpu.memory_space<vmem>>
      %dma_start3A_59 = tpu.memref_squeeze %dma_start3A_58 : memref<1x32x2048xf32, #tpu.memory_space<vmem>> -> memref<32x2048xf32, #tpu.memory_space<vmem>>
      %dma_start3A_60 = arith.constant 0 : i32
      %dma_start3A_61 = tpu.memref_slice %arg1[%dma_start3A_60, %add3A_52] : memref<32x1000000xf32, #tpu.memory_space<any>> -> memref<32x2048xf32, #tpu.memory_space<any>>
      tpu.enqueue_dma source(%dma_start3A_61 : memref<32x2048xf32, #tpu.memory_space<any>>) target(%dma_start3A_59 : memref<32x2048xf32, #tpu.memory_space<vmem>>) target_semaphore(%dma_start3A_55 : memref<!tpu.dma_semaphore, #tpu.memory_space<semaphore_mem>>)
      %add3A_62 = arith.constant 4096 : i32
      %add3A_63 = arith.addi %mul3A_40, %add3A_62 : i32
      %dma_start3A_64 = arith.constant 2 : i32
      %dma_start3A_65 = tpu.memref_slice %arg5[%sub3A_39, %dma_start3A_64] : memref<2x8x!tpu.dma_semaphore, #tpu.memory_space<semaphore_mem>> -> memref<1x1x!tpu.dma_semaphore, #tpu.memory_space<semaphore_mem>>
      %dma_start3A_66 = tpu.memref_squeeze %dma_start3A_65 : memref<1x1x!tpu.dma_semaphore, #tpu.memory_space<semaphore_mem>> -> memref<!tpu.dma_semaphore, #tpu.memory_space<semaphore_mem>>
      %dma_start3A_67 = arith.constant 64 : i32
      %dma_start3A_68 = arith.constant 0 : i32
      %dma_start3A_69 = tpu.memref_slice %arg4[%sub3A_39, %dma_start3A_67, %dma_start3A_68] : memref<2x256x2048xf32, #tpu.memory_space<vmem>> -> memref<1x32x2048xf32, #tpu.memory_space<vmem>>
      %dma_start3A_70 = tpu.memref_squeeze %dma_start3A_69 : memref<1x32x2048xf32, #tpu.memory_space<vmem>> -> memref<32x2048xf32, #tpu.memory_space<vmem>>
      %dma_start3A_71 = arith.constant 0 : i32
      %dma_start3A_72 = tpu.memref_slice %arg1[%dma_start3A_71, %add3A_63] : memref<32x1000000xf32, #tpu.memory_space<any>> -> memref<32x2048xf32, #tpu.memory_space<any>>
      tpu.enqueue_dma source(%dma_start3A_72 : memref<32x2048xf32, #tpu.memory_space<any>>) target(%dma_start3A_70 : memref<32x2048xf32, #tpu.memory_space<vmem>>) target_semaphore(%dma_start3A_66 : memref<!tpu.dma_semaphore, #tpu.memory_space<semaphore_mem>>)
      %add3A_73 = arith.constant 6144 : i32
      %add3A_74 = arith.addi %mul3A_40, %add3A_73 : i32
      %dma_start3A_75 = arith.constant 3 : i32
      %dma_start3A_76 = tpu.memref_slice %arg5[%sub3A_39, %dma_start3A_75] : memref<2x8x!tpu.dma_semaphore, #tpu.memory_space<semaphore_mem>> -> memref<1x1x!tpu.dma_semaphore, #tpu.memory_space<semaphore_mem>>
      %dma_start3A_77 = tpu.memref_squeeze %dma_start3A_76 : memref<1x1x!tpu.dma_semaphore, #tpu.memory_space<semaphore_mem>> -> memref<!tpu.dma_semaphore, #tpu.memory_space<semaphore_mem>>
      %dma_start3A_78 = arith.constant 96 : i32
      %dma_start3A_79 = arith.constant 0 : i32
      %dma_start3A_80 = tpu.memref_slice %arg4[%sub3A_39, %dma_start3A_78, %dma_start3A_79] : memref<2x256x2048xf32, #tpu.memory_space<vmem>> -> memref<1x32x2048xf32, #tpu.memory_space<vmem>>
      %dma_start3A_81 = tpu.memref_squeeze %dma_start3A_80 : memref<1x32x2048xf32, #tpu.memory_space<vmem>> -> memref<32x2048xf32, #tpu.memory_space<vmem>>
      %dma_start3A_82 = arith.constant 0 : i32
      %dma_start3A_83 = tpu.memref_slice %arg1[%dma_start3A_82, %add3A_74] : memref<32x1000000xf32, #tpu.memory_space<any>> -> memref<32x2048xf32, #tpu.memory_space<any>>
      tpu.enqueue_dma source(%dma_start3A_83 : memref<32x2048xf32, #tpu.memory_space<any>>) target(%dma_start3A_81 : memref<32x2048xf32, #tpu.memory_space<vmem>>) target_semaphore(%dma_start3A_77 : memref<!tpu.dma_semaphore, #tpu.memory_space<semaphore_mem>>)
      %add3A_84 = arith.constant 8192 : i32
      %add3A_85 = arith.addi %mul3A_40, %add3A_84 : i32
      %dma_start3A_86 = arith.constant 4 : i32
      %dma_start3A_87 = tpu.memref_slice %arg5[%sub3A_39, %dma_start3A_86] : memref<2x8x!tpu.dma_semaphore, #tpu.memory_space<semaphore_mem>> -> memref<1x1x!tpu.dma_semaphore, #tpu.memory_space<semaphore_mem>>
      %dma_start3A_88 = tpu.memref_squeeze %dma_start3A_87 : memref<1x1x!tpu.dma_semaphore, #tpu.memory_space<semaphore_mem>> -> memref<!tpu.dma_semaphore, #tpu.memory_space<semaphore_mem>>
      %dma_start3A_89 = arith.constant 128 : i32
      %dma_start3A_90 = arith.constant 0 : i32
      %dma_start3A_91 = tpu.memref_slice %arg4[%sub3A_39, %dma_start3A_89, %dma_start3A_90] : memref<2x256x2048xf32, #tpu.memory_space<vmem>> -> memref<1x32x2048xf32, #tpu.memory_space<vmem>>
      %dma_start3A_92 = tpu.memref_squeeze %dma_start3A_91 : memref<1x32x2048xf32, #tpu.memory_space<vmem>> -> memref<32x2048xf32, #tpu.memory_space<vmem>>
      %dma_start3A_93 = arith.constant 0 : i32
      %dma_start3A_94 = tpu.memref_slice %arg1[%dma_start3A_93, %add3A_85] : memref<32x1000000xf32, #tpu.memory_space<any>> -> memref<32x2048xf32, #tpu.memory_space<any>>
      tpu.enqueue_dma source(%dma_start3A_94 : memref<32x2048xf32, #tpu.memory_space<any>>) target(%dma_start3A_92 : memref<32x2048xf32, #tpu.memory_space<vmem>>) target_semaphore(%dma_start3A_88 : memref<!tpu.dma_semaphore, #tpu.memory_space<semaphore_mem>>)
      %add3A_95 = arith.constant 10240 : i32
      %add3A_96 = arith.addi %mul3A_40, %add3A_95 : i32
      %dma_start3A_97 = arith.constant 5 : i32
      %dma_start3A_98 = tpu.memref_slice %arg5[%sub3A_39, %dma_start3A_97] : memref<2x8x!tpu.dma_semaphore, #tpu.memory_space<semaphore_mem>> -> memref<1x1x!tpu.dma_semaphore, #tpu.memory_space<semaphore_mem>>
      %dma_start3A_99 = tpu.memref_squeeze %dma_start3A_98 : memref<1x1x!tpu.dma_semaphore, #tpu.memory_space<semaphore_mem>> -> memref<!tpu.dma_semaphore, #tpu.memory_space<semaphore_mem>>
      %dma_start3A_100 = arith.constant 160 : i32
      %dma_start3A_101 = arith.constant 0 : i32
      %dma_start3A_102 = tpu.memref_slice %arg4[%sub3A_39, %dma_start3A_100, %dma_start3A_101] : memref<2x256x2048xf32, #tpu.memory_space<vmem>> -> memref<1x32x2048xf32, #tpu.memory_space<vmem>>
      %dma_start3A_103 = tpu.memref_squeeze %dma_start3A_102 : memref<1x32x2048xf32, #tpu.memory_space<vmem>> -> memref<32x2048xf32, #tpu.memory_space<vmem>>
      %dma_start3A_104 = arith.constant 0 : i32
      %dma_start3A_105 = tpu.memref_slice %arg1[%dma_start3A_104, %add3A_96] : memref<32x1000000xf32, #tpu.memory_space<any>> -> memref<32x2048xf32, #tpu.memory_space<any>>
      tpu.enqueue_dma source(%dma_start3A_105 : memref<32x2048xf32, #tpu.memory_space<any>>) target(%dma_start3A_103 : memref<32x2048xf32, #tpu.memory_space<vmem>>) target_semaphore(%dma_start3A_99 : memref<!tpu.dma_semaphore, #tpu.memory_space<semaphore_mem>>)
      %add3A_106 = arith.constant 12288 : i32
      %add3A_107 = arith.addi %mul3A_40, %add3A_106 : i32
      %dma_start3A_108 = arith.constant 6 : i32
      %dma_start3A_109 = tpu.memref_slice %arg5[%sub3A_39, %dma_start3A_108] : memref<2x8x!tpu.dma_semaphore, #tpu.memory_space<semaphore_mem>> -> memref<1x1x!tpu.dma_semaphore, #tpu.memory_space<semaphore_mem>>
      %dma_start3A_110 = tpu.memref_squeeze %dma_start3A_109 : memref<1x1x!tpu.dma_semaphore, #tpu.memory_space<semaphore_mem>> -> memref<!tpu.dma_semaphore, #tpu.memory_space<semaphore_mem>>
      %dma_start3A_111 = arith.constant 192 : i32
      %dma_start3A_112 = arith.constant 0 : i32
      %dma_start3A_113 = tpu.memref_slice %arg4[%sub3A_39, %dma_start3A_111, %dma_start3A_112] : memref<2x256x2048xf32, #tpu.memory_space<vmem>> -> memref<1x32x2048xf32, #tpu.memory_space<vmem>>
      %dma_start3A_114 = tpu.memref_squeeze %dma_start3A_113 : memref<1x32x2048xf32, #tpu.memory_space<vmem>> -> memref<32x2048xf32, #tpu.memory_space<vmem>>
      %dma_start3A_115 = arith.constant 0 : i32
      %dma_start3A_116 = tpu.memref_slice %arg1[%dma_start3A_115, %add3A_107] : memref<32x1000000xf32, #tpu.memory_space<any>> -> memref<32x2048xf32, #tpu.memory_space<any>>
      tpu.enqueue_dma source(%dma_start3A_116 : memref<32x2048xf32, #tpu.memory_space<any>>) target(%dma_start3A_114 : memref<32x2048xf32, #tpu.memory_space<vmem>>) target_semaphore(%dma_start3A_110 : memref<!tpu.dma_semaphore, #tpu.memory_space<semaphore_mem>>)
      %add3A_117 = arith.constant 14336 : i32
      %add3A_118 = arith.addi %mul3A_40, %add3A_117 : i32
      %dma_start3A_119 = arith.constant 7 : i32
      %dma_start3A_120 = tpu.memref_slice %arg5[%sub3A_39, %dma_start3A_119] : memref<2x8x!tpu.dma_semaphore, #tpu.memory_space<semaphore_mem>> -> memref<1x1x!tpu.dma_semaphore, #tpu.memory_space<semaphore_mem>>
      %dma_start3A_121 = tpu.memref_squeeze %dma_start3A_120 : memref<1x1x!tpu.dma_semaphore, #tpu.memory_space<semaphore_mem>> -> memref<!tpu.dma_semaphore, #tpu.memory_space<semaphore_mem>>
      %dma_start3A_122 = arith.constant 224 : i32
      %dma_start3A_123 = arith.constant 0 : i32
      %dma_start3A_124 = tpu.memref_slice %arg4[%sub3A_39, %dma_start3A_122, %dma_start3A_123] : memref<2x256x2048xf32, #tpu.memory_space<vmem>> -> memref<1x32x2048xf32, #tpu.memory_space<vmem>>
      %dma_start3A_125 = tpu.memref_squeeze %dma_start3A_124 : memref<1x32x2048xf32, #tpu.memory_space<vmem>> -> memref<32x2048xf32, #tpu.memory_space<vmem>>
      %dma_start3A_126 = arith.constant 0 : i32
      %dma_start3A_127 = tpu.memref_slice %arg1[%dma_start3A_126, %add3A_118] : memref<32x1000000xf32, #tpu.memory_space<any>> -> memref<32x2048xf32, #tpu.memory_space<any>>
      tpu.enqueue_dma source(%dma_start3A_127 : memref<32x2048xf32, #tpu.memory_space<any>>) target(%dma_start3A_125 : memref<32x2048xf32, #tpu.memory_space<vmem>>) target_semaphore(%dma_start3A_121 : memref<!tpu.dma_semaphore, #tpu.memory_space<semaphore_mem>>)
    } else {
    }
    %add3A_8 = arith.constant 1 : i32
    %add3A_9 = arith.addi %arg0, %add3A_8 : i32
    %eq3A_10 = arith.constant 61 : i32
    %eq3A_11 = arith.cmpi eq, %add3A_9, %eq3A_10 : i32
    %convert_element_type3A_12 = arith.extui %eq3A_11 : i1 to i32
    %cond3A_13 = arith.constant 0 : i32
    %cond3A_14 = arith.cmpi ne, %convert_element_type3A_12, %cond3A_13 : i32
    scf.if %cond3A_14 {
      %sub3A = arith.constant 1 : i32
      %sub3A_37 = arith.subi %sub3A, %rem3A_2 : i32
      %dma_start3A = arith.constant 0 : i32
      %dma_start3A_38 = tpu.memref_slice %arg5[%sub3A_37, %dma_start3A] : memref<2x8x!tpu.dma_semaphore, #tpu.memory_space<semaphore_mem>> -> memref<1x1x!tpu.dma_semaphore, #tpu.memory_space<semaphore_mem>>
      %dma_start3A_39 = tpu.memref_squeeze %dma_start3A_38 : memref<1x1x!tpu.dma_semaphore, #tpu.memory_space<semaphore_mem>> -> memref<!tpu.dma_semaphore, #tpu.memory_space<semaphore_mem>>
      %dma_start3A_40 = arith.constant 0 : i32
      %dma_start3A_41 = arith.constant 0 : i32
      %dma_start3A_42 = tpu.memref_slice %arg4[%sub3A_37, %dma_start3A_40, %dma_start3A_41] : memref<2x256x2048xf32, #tpu.memory_space<vmem>> -> memref<1x32x512xf32, #tpu.memory_space<vmem>>
      %dma_start3A_43 = tpu.memref_squeeze %dma_start3A_42 : memref<1x32x512xf32, #tpu.memory_space<vmem>> -> memref<32x512xf32, #tpu.memory_space<vmem>>
      %dma_start3A_44 = arith.constant 0 : i32
      %dma_start3A_45 = arith.constant 999424 : i32
      %dma_start3A_46 = tpu.memref_slice %arg1[%dma_start3A_44, %dma_start3A_45] : memref<32x1000000xf32, #tpu.memory_space<any>> -> memref<32x512xf32, #tpu.memory_space<any>>
      tpu.enqueue_dma source(%dma_start3A_46 : memref<32x512xf32, #tpu.memory_space<any>>) target(%dma_start3A_43 : memref<32x512xf32, #tpu.memory_space<vmem>>) target_semaphore(%dma_start3A_39 : memref<!tpu.dma_semaphore, #tpu.memory_space<semaphore_mem>>)
    } else {
    }
    %lt3A_15 = arith.constant 61 : i32
    %lt3A_16 = arith.cmpi slt, %arg0, %lt3A_15 : i32
    %convert_element_type3A_17 = arith.extui %lt3A_16 : i1 to i32
    %cond3A_18 = arith.constant 0 : i32
    %cond3A_19 = arith.cmpi ne, %convert_element_type3A_17, %cond3A_18 : i32
    scf.if %cond3A_19 {
      %dma_wait3A = arith.constant 0 : i32
      %dma_wait3A_37 = tpu.memref_slice %arg5[%rem3A_2, %dma_wait3A] : memref<2x8x!tpu.dma_semaphore, #tpu.memory_space<semaphore_mem>> -> memref<1x1x!tpu.dma_semaphore, #tpu.memory_space<semaphore_mem>>
      %dma_wait3A_38 = tpu.memref_squeeze %dma_wait3A_37 : memref<1x1x!tpu.dma_semaphore, #tpu.memory_space<semaphore_mem>> -> memref<!tpu.dma_semaphore, #tpu.memory_space<semaphore_mem>>
      %dma_wait3A_39 = arith.constant 0 : i32
      %dma_wait3A_40 = arith.constant 0 : i32
      %dma_wait3A_41 = tpu.memref_slice %arg4[%rem3A_2, %dma_wait3A_39, %dma_wait3A_40] : memref<2x256x2048xf32, #tpu.memory_space<vmem>> -> memref<1x32x2048xf32, #tpu.memory_space<vmem>>
      %dma_wait3A_42 = tpu.memref_squeeze %dma_wait3A_41 : memref<1x32x2048xf32, #tpu.memory_space<vmem>> -> memref<32x2048xf32, #tpu.memory_space<vmem>>
      %dma_wait3A_43 = arith.constant 0 : i32
      %dma_wait3A_44 = arith.constant 0 : i32
      %dma_wait3A_45 = tpu.memref_slice %arg1[%dma_wait3A_43, %dma_wait3A_44] : memref<32x1000000xf32, #tpu.memory_space<any>> -> memref<32x2048xf32, #tpu.memory_space<any>>
      tpu.wait_dma2 semaphore(%dma_wait3A_38 : memref<!tpu.dma_semaphore, #tpu.memory_space<semaphore_mem>>) src(%dma_wait3A_45 : memref<32x2048xf32, #tpu.memory_space<any>>) dst(%dma_wait3A_42 : memref<32x2048xf32, #tpu.memory_space<vmem>>)
      %dma_wait3A_46 = arith.constant 1 : i32
      %dma_wait3A_47 = tpu.memref_slice %arg5[%rem3A_2, %dma_wait3A_46] : memref<2x8x!tpu.dma_semaphore, #tpu.memory_space<semaphore_mem>> -> memref<1x1x!tpu.dma_semaphore, #tpu.memory_space<semaphore_mem>>
      %dma_wait3A_48 = tpu.memref_squeeze %dma_wait3A_47 : memref<1x1x!tpu.dma_semaphore, #tpu.memory_space<semaphore_mem>> -> memref<!tpu.dma_semaphore, #tpu.memory_space<semaphore_mem>>
      %dma_wait3A_49 = arith.constant 32 : i32
      %dma_wait3A_50 = arith.constant 0 : i32
      %dma_wait3A_51 = tpu.memref_slice %arg4[%rem3A_2, %dma_wait3A_49, %dma_wait3A_50] : memref<2x256x2048xf32, #tpu.memory_space<vmem>> -> memref<1x32x2048xf32, #tpu.memory_space<vmem>>
      %dma_wait3A_52 = tpu.memref_squeeze %dma_wait3A_51 : memref<1x32x2048xf32, #tpu.memory_space<vmem>> -> memref<32x2048xf32, #tpu.memory_space<vmem>>
      %dma_wait3A_53 = arith.constant 0 : i32
      %dma_wait3A_54 = arith.constant 0 : i32
      %dma_wait3A_55 = tpu.memref_slice %arg1[%dma_wait3A_53, %dma_wait3A_54] : memref<32x1000000xf32, #tpu.memory_space<any>> -> memref<32x2048xf32, #tpu.memory_space<any>>
      tpu.wait_dma2 semaphore(%dma_wait3A_48 : memref<!tpu.dma_semaphore, #tpu.memory_space<semaphore_mem>>) src(%dma_wait3A_55 : memref<32x2048xf32, #tpu.memory_space<any>>) dst(%dma_wait3A_52 : memref<32x2048xf32, #tpu.memory_space<vmem>>)
      %dma_wait3A_56 = arith.constant 2 : i32
      %dma_wait3A_57 = tpu.memref_slice %arg5[%rem3A_2, %dma_wait3A_56] : memref<2x8x!tpu.dma_semaphore, #tpu.memory_space<semaphore_mem>> -> memref<1x1x!tpu.dma_semaphore, #tpu.memory_space<semaphore_mem>>
      %dma_wait3A_58 = tpu.memref_squeeze %dma_wait3A_57 : memref<1x1x!tpu.dma_semaphore, #tpu.memory_space<semaphore_mem>> -> memref<!tpu.dma_semaphore, #tpu.memory_space<semaphore_mem>>
      %dma_wait3A_59 = arith.constant 64 : i32
      %dma_wait3A_60 = arith.constant 0 : i32
      %dma_wait3A_61 = tpu.memref_slice %arg4[%rem3A_2, %dma_wait3A_59, %dma_wait3A_60] : memref<2x256x2048xf32, #tpu.memory_space<vmem>> -> memref<1x32x2048xf32, #tpu.memory_space<vmem>>
      %dma_wait3A_62 = tpu.memref_squeeze %dma_wait3A_61 : memref<1x32x2048xf32, #tpu.memory_space<vmem>> -> memref<32x2048xf32, #tpu.memory_space<vmem>>
      %dma_wait3A_63 = arith.constant 0 : i32
      %dma_wait3A_64 = arith.constant 0 : i32
      %dma_wait3A_65 = tpu.memref_slice %arg1[%dma_wait3A_63, %dma_wait3A_64] : memref<32x1000000xf32, #tpu.memory_space<any>> -> memref<32x2048xf32, #tpu.memory_space<any>>
      tpu.wait_dma2 semaphore(%dma_wait3A_58 : memref<!tpu.dma_semaphore, #tpu.memory_space<semaphore_mem>>) src(%dma_wait3A_65 : memref<32x2048xf32, #tpu.memory_space<any>>) dst(%dma_wait3A_62 : memref<32x2048xf32, #tpu.memory_space<vmem>>)
      %dma_wait3A_66 = arith.constant 3 : i32
      %dma_wait3A_67 = tpu.memref_slice %arg5[%rem3A_2, %dma_wait3A_66] : memref<2x8x!tpu.dma_semaphore, #tpu.memory_space<semaphore_mem>> -> memref<1x1x!tpu.dma_semaphore, #tpu.memory_space<semaphore_mem>>
      %dma_wait3A_68 = tpu.memref_squeeze %dma_wait3A_67 : memref<1x1x!tpu.dma_semaphore, #tpu.memory_space<semaphore_mem>> -> memref<!tpu.dma_semaphore, #tpu.memory_space<semaphore_mem>>
      %dma_wait3A_69 = arith.constant 96 : i32
      %dma_wait3A_70 = arith.constant 0 : i32
      %dma_wait3A_71 = tpu.memref_slice %arg4[%rem3A_2, %dma_wait3A_69, %dma_wait3A_70] : memref<2x256x2048xf32, #tpu.memory_space<vmem>> -> memref<1x32x2048xf32, #tpu.memory_space<vmem>>
      %dma_wait3A_72 = tpu.memref_squeeze %dma_wait3A_71 : memref<1x32x2048xf32, #tpu.memory_space<vmem>> -> memref<32x2048xf32, #tpu.memory_space<vmem>>
      %dma_wait3A_73 = arith.constant 0 : i32
      %dma_wait3A_74 = arith.constant 0 : i32
      %dma_wait3A_75 = tpu.memref_slice %arg1[%dma_wait3A_73, %dma_wait3A_74] : memref<32x1000000xf32, #tpu.memory_space<any>> -> memref<32x2048xf32, #tpu.memory_space<any>>
      tpu.wait_dma2 semaphore(%dma_wait3A_68 : memref<!tpu.dma_semaphore, #tpu.memory_space<semaphore_mem>>) src(%dma_wait3A_75 : memref<32x2048xf32, #tpu.memory_space<any>>) dst(%dma_wait3A_72 : memref<32x2048xf32, #tpu.memory_space<vmem>>)
      %dma_wait3A_76 = arith.constant 4 : i32
      %dma_wait3A_77 = tpu.memref_slice %arg5[%rem3A_2, %dma_wait3A_76] : memref<2x8x!tpu.dma_semaphore, #tpu.memory_space<semaphore_mem>> -> memref<1x1x!tpu.dma_semaphore, #tpu.memory_space<semaphore_mem>>
      %dma_wait3A_78 = tpu.memref_squeeze %dma_wait3A_77 : memref<1x1x!tpu.dma_semaphore, #tpu.memory_space<semaphore_mem>> -> memref<!tpu.dma_semaphore, #tpu.memory_space<semaphore_mem>>
      %dma_wait3A_79 = arith.constant 128 : i32
      %dma_wait3A_80 = arith.constant 0 : i32
      %dma_wait3A_81 = tpu.memref_slice %arg4[%rem3A_2, %dma_wait3A_79, %dma_wait3A_80] : memref<2x256x2048xf32, #tpu.memory_space<vmem>> -> memref<1x32x2048xf32, #tpu.memory_space<vmem>>
      %dma_wait3A_82 = tpu.memref_squeeze %dma_wait3A_81 : memref<1x32x2048xf32, #tpu.memory_space<vmem>> -> memref<32x2048xf32, #tpu.memory_space<vmem>>
      %dma_wait3A_83 = arith.constant 0 : i32
      %dma_wait3A_84 = arith.constant 0 : i32
      %dma_wait3A_85 = tpu.memref_slice %arg1[%dma_wait3A_83, %dma_wait3A_84] : memref<32x1000000xf32, #tpu.memory_space<any>> -> memref<32x2048xf32, #tpu.memory_space<any>>
      tpu.wait_dma2 semaphore(%dma_wait3A_78 : memref<!tpu.dma_semaphore, #tpu.memory_space<semaphore_mem>>) src(%dma_wait3A_85 : memref<32x2048xf32, #tpu.memory_space<any>>) dst(%dma_wait3A_82 : memref<32x2048xf32, #tpu.memory_space<vmem>>)
      %dma_wait3A_86 = arith.constant 5 : i32
      %dma_wait3A_87 = tpu.memref_slice %arg5[%rem3A_2, %dma_wait3A_86] : memref<2x8x!tpu.dma_semaphore, #tpu.memory_space<semaphore_mem>> -> memref<1x1x!tpu.dma_semaphore, #tpu.memory_space<semaphore_mem>>
      %dma_wait3A_88 = tpu.memref_squeeze %dma_wait3A_87 : memref<1x1x!tpu.dma_semaphore, #tpu.memory_space<semaphore_mem>> -> memref<!tpu.dma_semaphore, #tpu.memory_space<semaphore_mem>>
      %dma_wait3A_89 = arith.constant 160 : i32
      %dma_wait3A_90 = arith.constant 0 : i32
      %dma_wait3A_91 = tpu.memref_slice %arg4[%rem3A_2, %dma_wait3A_89, %dma_wait3A_90] : memref<2x256x2048xf32, #tpu.memory_space<vmem>> -> memref<1x32x2048xf32, #tpu.memory_space<vmem>>
      %dma_wait3A_92 = tpu.memref_squeeze %dma_wait3A_91 : memref<1x32x2048xf32, #tpu.memory_space<vmem>> -> memref<32x2048xf32, #tpu.memory_space<vmem>>
      %dma_wait3A_93 = arith.constant 0 : i32
      %dma_wait3A_94 = arith.constant 0 : i32
      %dma_wait3A_95 = tpu.memref_slice %arg1[%dma_wait3A_93, %dma_wait3A_94] : memref<32x1000000xf32, #tpu.memory_space<any>> -> memref<32x2048xf32, #tpu.memory_space<any>>
      tpu.wait_dma2 semaphore(%dma_wait3A_88 : memref<!tpu.dma_semaphore, #tpu.memory_space<semaphore_mem>>) src(%dma_wait3A_95 : memref<32x2048xf32, #tpu.memory_space<any>>) dst(%dma_wait3A_92 : memref<32x2048xf32, #tpu.memory_space<vmem>>)
      %dma_wait3A_96 = arith.constant 6 : i32
      %dma_wait3A_97 = tpu.memref_slice %arg5[%rem3A_2, %dma_wait3A_96] : memref<2x8x!tpu.dma_semaphore, #tpu.memory_space<semaphore_mem>> -> memref<1x1x!tpu.dma_semaphore, #tpu.memory_space<semaphore_mem>>
      %dma_wait3A_98 = tpu.memref_squeeze %dma_wait3A_97 : memref<1x1x!tpu.dma_semaphore, #tpu.memory_space<semaphore_mem>> -> memref<!tpu.dma_semaphore, #tpu.memory_space<semaphore_mem>>
      %dma_wait3A_99 = arith.constant 192 : i32
      %dma_wait3A_100 = arith.constant 0 : i32
      %dma_wait3A_101 = tpu.memref_slice %arg4[%rem3A_2, %dma_wait3A_99, %dma_wait3A_100] : memref<2x256x2048xf32, #tpu.memory_space<vmem>> -> memref<1x32x2048xf32, #tpu.memory_space<vmem>>
      %dma_wait3A_102 = tpu.memref_squeeze %dma_wait3A_101 : memref<1x32x2048xf32, #tpu.memory_space<vmem>> -> memref<32x2048xf32, #tpu.memory_space<vmem>>
      %dma_wait3A_103 = arith.constant 0 : i32
      %dma_wait3A_104 = arith.constant 0 : i32
      %dma_wait3A_105 = tpu.memref_slice %arg1[%dma_wait3A_103, %dma_wait3A_104] : memref<32x1000000xf32, #tpu.memory_space<any>> -> memref<32x2048xf32, #tpu.memory_space<any>>
      tpu.wait_dma2 semaphore(%dma_wait3A_98 : memref<!tpu.dma_semaphore, #tpu.memory_space<semaphore_mem>>) src(%dma_wait3A_105 : memref<32x2048xf32, #tpu.memory_space<any>>) dst(%dma_wait3A_102 : memref<32x2048xf32, #tpu.memory_space<vmem>>)
      %dma_wait3A_106 = arith.constant 7 : i32
      %dma_wait3A_107 = tpu.memref_slice %arg5[%rem3A_2, %dma_wait3A_106] : memref<2x8x!tpu.dma_semaphore, #tpu.memory_space<semaphore_mem>> -> memref<1x1x!tpu.dma_semaphore, #tpu.memory_space<semaphore_mem>>
      %dma_wait3A_108 = tpu.memref_squeeze %dma_wait3A_107 : memref<1x1x!tpu.dma_semaphore, #tpu.memory_space<semaphore_mem>> -> memref<!tpu.dma_semaphore, #tpu.memory_space<semaphore_mem>>
      %dma_wait3A_109 = arith.constant 224 : i32
      %dma_wait3A_110 = arith.constant 0 : i32
      %dma_wait3A_111 = tpu.memref_slice %arg4[%rem3A_2, %dma_wait3A_109, %dma_wait3A_110] : memref<2x256x2048xf32, #tpu.memory_space<vmem>> -> memref<1x32x2048xf32, #tpu.memory_space<vmem>>
      %dma_wait3A_112 = tpu.memref_squeeze %dma_wait3A_111 : memref<1x32x2048xf32, #tpu.memory_space<vmem>> -> memref<32x2048xf32, #tpu.memory_space<vmem>>
      %dma_wait3A_113 = arith.constant 0 : i32
      %dma_wait3A_114 = arith.constant 0 : i32
      %dma_wait3A_115 = tpu.memref_slice %arg1[%dma_wait3A_113, %dma_wait3A_114] : memref<32x1000000xf32, #tpu.memory_space<any>> -> memref<32x2048xf32, #tpu.memory_space<any>>
      tpu.wait_dma2 semaphore(%dma_wait3A_108 : memref<!tpu.dma_semaphore, #tpu.memory_space<semaphore_mem>>) src(%dma_wait3A_115 : memref<32x2048xf32, #tpu.memory_space<any>>) dst(%dma_wait3A_112 : memref<32x2048xf32, #tpu.memory_space<vmem>>)
    } else {
    }
    %eq3A_20 = arith.constant 61 : i32
    %eq3A_21 = arith.cmpi eq, %arg0, %eq3A_20 : i32
    %convert_element_type3A_22 = arith.extui %eq3A_21 : i1 to i32
    %cond3A_23 = arith.constant 0 : i32
    %cond3A_24 = arith.cmpi ne, %convert_element_type3A_22, %cond3A_23 : i32
    scf.if %cond3A_24 {
      %dma_wait3A = arith.constant 0 : i32
      %dma_wait3A_37 = tpu.memref_slice %arg5[%rem3A_2, %dma_wait3A] : memref<2x8x!tpu.dma_semaphore, #tpu.memory_space<semaphore_mem>> -> memref<1x1x!tpu.dma_semaphore, #tpu.memory_space<semaphore_mem>>
      %dma_wait3A_38 = tpu.memref_squeeze %dma_wait3A_37 : memref<1x1x!tpu.dma_semaphore, #tpu.memory_space<semaphore_mem>> -> memref<!tpu.dma_semaphore, #tpu.memory_space<semaphore_mem>>
      %dma_wait3A_39 = arith.constant 0 : i32
      %dma_wait3A_40 = arith.constant 0 : i32
      %dma_wait3A_41 = tpu.memref_slice %arg4[%rem3A_2, %dma_wait3A_39, %dma_wait3A_40] : memref<2x256x2048xf32, #tpu.memory_space<vmem>> -> memref<1x32x512xf32, #tpu.memory_space<vmem>>
      %dma_wait3A_42 = tpu.memref_squeeze %dma_wait3A_41 : memref<1x32x512xf32, #tpu.memory_space<vmem>> -> memref<32x512xf32, #tpu.memory_space<vmem>>
      %dma_wait3A_43 = arith.constant 0 : i32
      %dma_wait3A_44 = arith.constant 0 : i32
      %dma_wait3A_45 = tpu.memref_slice %arg1[%dma_wait3A_43, %dma_wait3A_44] : memref<32x1000000xf32, #tpu.memory_space<any>> -> memref<32x512xf32, #tpu.memory_space<any>>
      tpu.wait_dma2 semaphore(%dma_wait3A_38 : memref<!tpu.dma_semaphore, #tpu.memory_space<semaphore_mem>>) src(%dma_wait3A_45 : memref<32x512xf32, #tpu.memory_space<any>>) dst(%dma_wait3A_42 : memref<32x512xf32, #tpu.memory_space<vmem>>)
    } else {
    }
    %get3A = arith.index_cast %rem3A_2 : i32 to index
    %get3A_25 = arith.constant 0 : index
    %get3A_26 = arith.constant 0 : index
    %get3A_27 = vector.load %arg4[%get3A, %get3A_25, %get3A_26] : memref<2x256x2048xf32, #tpu.memory_space<vmem>>, vector<1x256x2048xf32>
    %get3A_28 = vector.shape_cast %get3A_27 : vector<1x256x2048xf32> to vector<256x2048xf32>
    %convert_element_type3A_29 = arith.truncf %get3A_28 : vector<256x2048xf32> to vector<256x2048xbf16>
    %bitcast3A = tpu.bitcast %convert_element_type3A_29 : vector<256x2048xbf16> -> vector<128x2048xf32>
    %transpose3A = tpu.transpose %bitcast3A, [1, 0] : vector<128x2048xf32> -> vector<2048x128xf32>
    %swap3A = arith.constant 0 : index
    %swap3A_30 = arith.constant 0 : index
    %swap3A_31 = vector.load %arg3[%swap3A, %swap3A_30] : memref<2048x128xf32, #tpu.memory_space<vmem>>, vector<2048x128xf32>
    tpu.vector_store %arg3[%swap3A, %swap3A_30], %transpose3A {strides = array<i32>} : memref<2048x128xf32, #tpu.memory_space<vmem>>, vector<2048x128xf32>,
    %eq3A_32 = arith.constant 61 : i32
    %eq3A_33 = arith.cmpi eq, %arg0, %eq3A_32 : i32
    %convert_element_type3A_34 = arith.extui %eq3A_33 : i1 to i32
    %cond3A_35 = arith.constant 0 : i32
    %cond3A_36 = arith.cmpi ne, %convert_element_type3A_34, %cond3A_35 : i32
    scf.if %cond3A_36 {
      %get3A_37 = arith.constant 0 : index
      %get3A_38 = arith.constant 0 : index
      %get3A_39 = vector.load %arg2[%get3A_37, %get3A_38] : memref<8x128xf32, #tpu.memory_space<vmem>>, vector<8x128xf32>
      %swap3A_40 = arith.constant 2040 : index
      %swap3A_41 = arith.constant 0 : index
      %swap3A_42 = vector.load %arg3[%swap3A_40, %swap3A_41] : memref<2048x128xf32, #tpu.memory_space<vmem>>, vector<8x128xf32>
      tpu.vector_store %arg3[%swap3A_40, %swap3A_41], %get3A_39 {strides = array<i32>} : memref<2048x128xf32, #tpu.memory_space<vmem>>, vector<8x128xf32>,
    } else {
    }
    return
  }
  func.func @transform_1(%arg0: i32) -> (i32, i32) {
    %c0_i32 = arith.constant 0 : i32
    %c0_i32_0 = arith.constant 0 : i32
    %c0_i32_1 = arith.constant 0 : i32
    return %c0_i32, %c0_i32_0 : i32, i32
  }
  func.func @transform_2(%arg0: i32) -> (i32, i32) {
    %c0_i32 = arith.constant 0 : i32
    %c0_i32_0 = arith.constant 0 : i32
    return %arg0, %c0_i32 : i32, i32
  }
}

module attributes {stable_mosaic.version = 14 : i64} {
  func.func @_mlp_body(%arg0: i32, %arg1: memref<1024x64xf32, #tpu.memory_space<vmem>>, %arg2: memref<1024x3xf32, #tpu.memory_space<vmem>>, %arg3: memref<64x1024xf32, #tpu.memory_space<vmem>>, %arg4: memref<3x1024xf32, #tpu.memory_space<vmem>>, %arg5: memref<1x1024xf32, #tpu.memory_space<vmem>>, %arg6: memref<1x1024xf32, #tpu.memory_space<vmem>>, %arg7: memref<1xf32, #tpu.memory_space<smem>>, %arg8: memref<1024x1xf32, #tpu.memory_space<vmem>>) attributes {dimension_semantics = [#tpu.dimension_semantics<arbitrary>], iteration_bounds = array<i64: 16>, scalar_prefetch = 0 : i64, scratch_operands = 0 : i64, tpu.core_type = #tpu.core_type<tc>, window_params = [{transform_indices = @transform_0, window_bounds = array<i64: 1024, 64>}, {transform_indices = @transform_1, window_bounds = array<i64: 1024, 3>}, {pipeline_mode = #tpu.pipeline_mode<synchronous>, transform_indices = @transform_2, window_bounds = array<i64: 64, 1024>}, {pipeline_mode = #tpu.pipeline_mode<synchronous>, transform_indices = @transform_3, window_bounds = array<i64: 3, 1024>}, {pipeline_mode = #tpu.pipeline_mode<synchronous>, transform_indices = @transform_4, window_bounds = array<i64: 1, 1024>}, {pipeline_mode = #tpu.pipeline_mode<synchronous>, transform_indices = @transform_5, window_bounds = array<i64: 1, 1024>}, {transform_indices = @transform_6, window_bounds = array<i64: 1>}, {transform_indices = @transform_7, window_bounds = array<i64: 1024, 1>}]} {
    %get3A = arith.constant 0 : index
    %get3A_0 = arith.constant 0 : index
    %get3A_1 = vector.load %arg1[%get3A, %get3A_0] : memref<1024x64xf32, #tpu.memory_space<vmem>>, vector<1024x64xf32>
    %get3A_2 = arith.constant 0 : index
    %get3A_3 = arith.constant 0 : index
    %get3A_4 = vector.load %arg3[%get3A_2, %get3A_3] : memref<64x1024xf32, #tpu.memory_space<vmem>>, vector<64x1024xf32>
    %dot_general3A = arith.constant dense<0.000000e+00> : vector<1024x1024xf32>
    %dot_general3A_5 = tpu.matmul %get3A_1, %get3A_4, %dot_general3A {dimension_numbers = #tpu.dot_dimension_numbers<[1], [0], [0], [1], [0, 0, 1, 1], [], []>, transpose_lhs_hint = false} : vector<1024x64xf32>, vector<64x1024xf32>, vector<1024x1024xf32> -> vector<1024x1024xf32>
    %get3A_6 = arith.constant 0 : index
    %get3A_7 = arith.constant 0 : index
    %get3A_8 = vector.load %arg2[%get3A_6, %get3A_7] : memref<1024x3xf32, #tpu.memory_space<vmem>>, vector<1024x3xf32>
    %get3A_9 = arith.constant 0 : index
    %get3A_10 = arith.constant 0 : index
    %get3A_11 = vector.load %arg4[%get3A_9, %get3A_10] : memref<3x1024xf32, #tpu.memory_space<vmem>>, vector<3x1024xf32>
    %dot_general3A_12 = arith.constant dense<0.000000e+00> : vector<1024x1024xf32>
    %dot_general3A_13 = tpu.matmul %get3A_8, %get3A_11, %dot_general3A_12 {dimension_numbers = #tpu.dot_dimension_numbers<[1], [0], [0], [1], [0, 0, 1, 1], [], []>, transpose_lhs_hint = false} : vector<1024x3xf32>, vector<3x1024xf32>, vector<1024x1024xf32> -> vector<1024x1024xf32>
    %add3A = arith.addf %dot_general3A_5, %dot_general3A_13 : vector<1024x1024xf32>
    %get3A_14 = arith.constant 0 : index
    %get3A_15 = arith.constant 0 : index
    %get3A_16 = vector.load %arg5[%get3A_14, %get3A_15] : memref<1x1024xf32, #tpu.memory_space<vmem>>, vector<1x1024xf32>
    %add3A_17 = vector.broadcast %get3A_16 : vector<1x1024xf32> to vector<1024x1024xf32>
    %add3A_18 = arith.addf %add3A, %add3A_17 : vector<1024x1024xf32>
    %max3A = arith.constant 0.000000e+00 : f32
    %max3A_19 = vector.broadcast %max3A : f32 to vector<1024x1024xf32>
    %max3A_20 = arith.maximumf %add3A_18, %max3A_19 : vector<1024x1024xf32>
    %get3A_21 = arith.constant 0 : index
    %get3A_22 = arith.constant 0 : index
    %get3A_23 = vector.load %arg6[%get3A_21, %get3A_22] : memref<1x1024xf32, #tpu.memory_space<vmem>>, vector<1x1024xf32>
    %mul3A = vector.broadcast %get3A_23 : vector<1x1024xf32> to vector<1024x1024xf32>
    %mul3A_24 = arith.mulf %max3A_20, %mul3A : vector<1024x1024xf32>
    %reduce_sum3A = arith.constant dense<0.000000e+00> : vector<1024xf32>
    %reduce_sum3A_25 = vector.multi_reduction <add>, %mul3A_24, %reduce_sum3A [1] : vector<1024x1024xf32> to vector<1024xf32>
    %broadcast_in_dim3A = vector.shape_cast %reduce_sum3A_25 : vector<1024xf32> to vector<1024x1xf32>
    %get3A_26 = arith.constant 0 : index
    %get3A_27 = memref.load %arg7[%get3A_26] : memref<1xf32, #tpu.memory_space<smem>>
    %add3A_28 = vector.broadcast %get3A_27 : f32 to vector<1024x1xf32>
    %add3A_29 = arith.addf %broadcast_in_dim3A, %add3A_28 : vector<1024x1xf32>
    %swap3A = arith.constant 0 : index
    %swap3A_30 = arith.constant 0 : index
    %swap3A_31 = vector.load %arg8[%swap3A, %swap3A_30] : memref<1024x1xf32, #tpu.memory_space<vmem>>, vector<1024x1xf32>
    tpu.vector_store %arg8[%swap3A, %swap3A_30], %add3A_29 {strides = array<i32>} : memref<1024x1xf32, #tpu.memory_space<vmem>>, vector<1024x1xf32>,
    return
  }
  func.func @transform_0(%arg0: i32) -> (i32, i32) {
    %c0_i32 = arith.constant 0 : i32
    %c0_i32_0 = arith.constant 0 : i32
    return %arg0, %c0_i32 : i32, i32
  }
  func.func @transform_1(%arg0: i32) -> (i32, i32) {
    %c0_i32 = arith.constant 0 : i32
    %c0_i32_0 = arith.constant 0 : i32
    return %arg0, %c0_i32 : i32, i32
  }
  func.func @transform_2(%arg0: i32) -> (i32, i32) {
    %c0_i32 = arith.constant 0 : i32
    %c0_i32_0 = arith.constant 0 : i32
    %c0_i32_1 = arith.constant 0 : i32
    return %c0_i32, %c0_i32_0 : i32, i32
  }
  func.func @transform_3(%arg0: i32) -> (i32, i32) {
    %c0_i32 = arith.constant 0 : i32
    %c0_i32_0 = arith.constant 0 : i32
    %c0_i32_1 = arith.constant 0 : i32
    return %c0_i32, %c0_i32_0 : i32, i32
  }
  func.func @transform_4(%arg0: i32) -> (i32, i32) {
    %c0_i32 = arith.constant 0 : i32
    %c0_i32_0 = arith.constant 0 : i32
    %c0_i32_1 = arith.constant 0 : i32
    return %c0_i32, %c0_i32_0 : i32, i32
  }
  func.func @transform_5(%arg0: i32) -> (i32, i32) {
    %c0_i32 = arith.constant 0 : i32
    %c0_i32_0 = arith.constant 0 : i32
    %c0_i32_1 = arith.constant 0 : i32
    return %c0_i32, %c0_i32_0 : i32, i32
  }
  func.func @transform_6(%arg0: i32) -> i32 {
    %c0_i32 = arith.constant 0 : i32
    %c0_i32_0 = arith.constant 0 : i32
    return %c0_i32 : i32
  }
  func.func @transform_7(%arg0: i32) -> (i32, i32) {
    %c0_i32 = arith.constant 0 : i32
    %c0_i32_0 = arith.constant 0 : i32
    return %arg0, %c0_i32 : i32, i32
  }
}

</mosaic_0001>

<sc_bundles>
// kernel: kernel.5.cloned.1.call-start
scs
__scs_entry_jumppad:
0x0: {  	(pc) =	sbr.rel $0x88, $3  }
0x1: {  	(tag) =	ssettag $0x0;
	lr =	simm.s32 $0x1  }
0x2: {  	[smem:$0x3F97] =	sst lr;
	_ =	strace $0xD0000000  }
0x3: {  	_ = 	snop  }
0x4: {  	_ = 	snop  }
0x5: {  	_ = 	snop  }
0x6: {  	_ = 	snop  }
0x7: {  	_ = 	snop  }
__scs_overlays_trampoline_lowered:
0x8: {  	[smem:$0x3FA6] =	sst s0  }
0x9: {  	[smem:$0x3FA7] =	sst s1  }
0xa: {  	[smem:$0x3FA8] =	sst s2  }
0xb: {  	[smem:$0x3FA9] =	sst s3  }
0xc: {  	[smem:$0x3FAA] =	sst s4  }
0xd: {  	[smem:$0x3FAB] =	sst s5  }
0xe: {  	[smem:$0x3FAC] =	sst s6  }
0xf: {  	[smem:$0x3FAD] =	sst s7  }
0x10: {  	[smem:$0x3FAE] =	sst s8  }
0x11: {  	[smem:$0x3FAF] =	sst s9;
	s0 =	simm.s32 @!p0 $0x0  }
0x12: {  	s1 =	sld [smem:$0x3F95];
	s0 =	simm.s32 @p0 $0x1  }
0x13: {  	[smem:$0x3FB0] =	sst s0;
	s0 =	simm.s32 @!p1 $0x0  }
0x14: {  	s2 =	sld [smem:$0x3F94];
	s0 =	simm.s32 @p1 $0x1  }
0x15: {  	[smem:$0x3FB1] =	sst s0;
	s0 =	simm.s32 @!p2 $0x0  }
0x16: {  	s3 =	sld [smem:$0x3FDB];
	s0 =	simm.s32 @p2 $0x1  }
0x17: {  	s4 =	simm.s32 $0x1BF5;
	[smem:$0x3FB3] =	sst s0  }
0x18: {  	s0 =	sld [smem:$0x3F96];
	_ =	swait.ge [sflag:s4], $0x0  }
0x19: {  	s7 =	sld [smem:$0x3F97]  }
0x1a: {  	s8 =	sadd.s32 $0xFFFFE003, lr  }
0x1b: {  	s9 =	sadd.s32 $0xFFFFFEF7, lr;
	s5 =	simm.s32 $0xFFFFFFFF;
	p2 =	slt.u32 s8, $0xFFFFF086  }
0x1c: {  	p1 =	slt.u32 s9, $0xF7A;
	s5 =	simm.s32 @!p2 $0x0  }
0x1d: {  	s5 =	simm.s32 @p1 $0x1;
	p0 =	seq.s32 s7, s2  }
0x1e: {  	s7 =	smul.u32 @!p0 $0xF7A, s2;
	p2 =	seq.s32 @!p0 s5, $0x0  }
0x1f: {  	s9 =	smul.u32 $0xF7A, s1;
	s8 =	simm.s32 @!p0 $0x1BF5;
	p2 =	por !p2, p0  }
0x20: {  	[sflag:s8] =	ssyncset.s32 @!p0 $0xFFFFF086;
	s6 =	sadd.s32 @!p0 s3, s7;
	s7 =	simm.s32 @!p0 $0x108  }
0x21: {  	s3 =	sadd.s32 s3, s9;
	s6 =	sadd.s32 @!p0 $0x88, s6;
	s7 =	simm.s32 @p2 $0x1082  }
0x22: {  	[simem:s7], [sflag:s8] =	dma.local @!p0 [hbm:s6], $0xF7A  }
0x23: {  	s9 =	sor.u32 $0xD0000000, s2;
	s6 =	simm.s32 $0x108;
	_ =	swait.ge @!p0 [sflag:s8], $0x0  }
0x24: {  	s3 =	sadd.s32 $0x88, s3;
	s6 =	simm.s32 @!p1 $0x1082;
	[sflag:s4] =	ssyncset.s32 $0xFFFFF086  }
0x25: {  	[simem:s6], [sflag:s4] =	dma.local [hbm:s3], $0xF7A  }
0x26: {  	[smem:$0x3F97] =	sst s1;
	(tag) =	ssettag s2;
	_ =	strace s9  }
0x27: {  	s1 =	sld [smem:$0x3FA7]  }
0x28: {  	s2 =	sld [smem:$0x3FA8]  }
0x29: {  	s4 =	sld [smem:$0x3FAA]  }
0x2a: {  	p0 =	seq.s32 s5, $0x0;
	s5 =	sld [smem:$0x3FAB]  }
0x2b: {  	s6 =	sld [smem:$0x3FAC]  }
0x2c: {  	s7 =	sld [smem:$0x3FAD]  }
0x2d: {  	s3 =	simm.s32 $0x108;
	s8 =	sld [smem:$0x3FAE]  }
0x2e: {  	s3 =	simm.s32 @!p0 $0x1082;
	s9 =	sld [smem:$0x3FAF]  }
0x2f: {  	lr =	sadd.s32 s0, s3;
	s0 =	sld [smem:$0x3FA6]  }
0x30: {  	s3 =	sld [smem:$0x3FA9]  }
0x31: {  	[smem:$0x3FB2] =	sst s10  }
0x32: {  	s10 =	sld [smem:$0x3FB0];
	_ =	sdelay $0x3  }
0x33: {  	p0 =	seq.s32 s10, $0x1;
	s10 =	sld [smem:$0x3FB2];
	_ =	sdelay $0x3  }
0x34: {  	[smem:$0x3FB2] =	sst s10  }
0x35: {  	s10 =	sld [smem:$0x3FB1];
	_ =	sdelay $0x3  }
0x36: {  	p1 =	seq.s32 s10, $0x1;
	s10 =	sld [smem:$0x3FB2];
	_ =	sdelay $0x3  }
0x37: {  	[smem:$0x3FB2] =	sst s10  }
0x38: {  	s10 =	sld [smem:$0x3FB3]  }
0x39: {  	_ = 	snop;
	(pc) =	sbr.ind lr, $3  }
0x3a: {  	_ = 	snop  }
0x3b: {  	_ = 	snop  }
0x3c: {  	p2 =	seq.s32 s10, $0x1;
	s10 =	sld [smem:$0x3FB2]  }
0x3d: {  	_ =	shalt  }
0x3e: {  	_ =	shalt  }
0x3f: {  	_ =	shalt  }
0x40: {  	_ =	shalt  }
0x41: {  	_ =	shalt  }
0x42: {  	_ =	shalt  }
0x43: {  	_ =	shalt  }
0x44: {  	_ =	shalt  }
0x45: {  	_ =	shalt  }
0x46: {  	_ =	shalt  }
0x47: {  	_ =	shalt  }
0x48: {  	_ =	shalt  }
0x49: {  	_ =	shalt  }
0x4a: {  	_ =	shalt  }
0x4b: {  	_ =	shalt  }
0x4c: {  	_ =	shalt  }
0x4d: {  	_ =	shalt  }
0x4e: {  	_ =	shalt  }
0x4f: {  	_ =	shalt  }
0x50: {  	_ =	shalt  }
0x51: {  	_ =	shalt  }
0x52: {  	_ =	shalt  }
0x53: {  	_ =	shalt  }
0x54: {  	_ =	shalt  }
0x55: {  	_ =	shalt  }
0x56: {  	_ =	shalt  }
0x57: {  	_ =	shalt  }
0x58: {  	_ =	shalt  }
0x59: {  	_ =	shalt  }
0x5a: {  	_ =	shalt  }
0x5b: {  	_ =	shalt  }
0x5c: {  	_ =	shalt  }
0x5d: {  	_ =	shalt  }
0x5e: {  	_ =	shalt  }
0x5f: {  	_ =	shalt  }
0x60: {  	_ =	shalt  }
0x61: {  	_ =	shalt  }
0x62: {  	_ =	shalt  }
0x63: {  	_ =	shalt  }
0x64: {  	_ =	shalt  }
0x65: {  	_ =	shalt  }
0x66: {  	_ =	shalt  }
0x67: {  	_ =	shalt  }
0x68: {  	_ =	shalt  }
0x69: {  	_ =	shalt  }
0x6a: {  	_ =	shalt  }
0x6b: {  	_ =	shalt  }
0x6c: {  	_ =	shalt  }
0x6d: {  	_ =	shalt  }
0x6e: {  	_ =	shalt  }
0x6f: {  	_ =	shalt  }
0x70: {  	_ =	shalt  }
0x71: {  	_ =	shalt  }
0x72: {  	_ =	shalt  }
0x73: {  	_ =	shalt  }
0x74: {  	_ =	shalt  }
0x75: {  	_ =	shalt  }
0x76: {  	_ =	shalt  }
0x77: {  	_ =	shalt  }
0x78: {  	_ =	shalt  }
0x79: {  	_ =	shalt  }
0x7a: {  	_ =	shalt  }
0x7b: {  	_ =	shalt  }
0x7c: {  	_ =	shalt  }
0x7d: {  	_ =	shalt  }
0x7e: {  	_ =	shalt  }
0x7f: {  	_ =	shalt  }
0x80: {  	_ =	shalt  }
0x81: {  	_ =	shalt  }
0x82: {  	_ =	shalt  }
0x83: {  	_ =	shalt  }
0x84: {  	_ =	shalt  }
0x85: {  	_ =	shalt  }
0x86: {  	_ =	shalt  }
0x87: {  	_ =	shalt  }
.Lfunc_end0:
.L_simem_size_0:
called_computation_lowered:
.L_overlay_start_0:
0x88: {  	s2 =	sld [smem:$0x3FD9]  }
0x89: {  	s3 =	sld [smem:$0x3FFE];
	_ =	sdelay $0x1  }
0x8a: {  	s1 =	srdreg.scid  }
0x8b: {  	s0 =	sand.u32 $0x1, s1  }
0x8c: {  	s16 =	sshll.u32 s0, $0xA;
	s2 =	sadd.s32 s3, s2  }
0x8d: {  	s2 =	sadd.s32 s2, s16  }
0x8e: {  	[smem:$0x3FBE] =	sst s2  }
0x8f: {  	_ = 	snop  }
0x90: {  	(tm) =	ssettm $0x1  }
0x91: {  	s17 =	sld [smem:$0x3FFB];
	_ =	sdelay $0x3  }
0x92: {  	_ =	strace s17  }
0x93: {  	s2 =	sld [smem:$0x3FFC];
	_ =	sdelay $0x3  }
0x94: {  	_ =	strace s2  }
0x95: {  	s2 =	sld [smem:$0x3FFD];
	_ =	sdelay $0x3  }
0x96: {  	_ =	strace s2  }
0x97: {  	_ =	strace $0x8FFFFFFF  }
0x98: {  	s18 =	sld [smem:$0x3FDB];
	_ =	sdelay $0x1  }
0x99: {  	s19 =	simm.s32 $_scs_section_size  }
0x9a: {  	s4 =	simm.s32 $_size__tile_overlayer_lowered;
	s5 =	simm.s32 $_tile_overlayer_lowered  }
0x9b: {  	s22 =	simm.s32 $0x1BFF;
	s21 =	sshll.u32 s5, $0x1;
	s2 =	sadd.s32 s19, s18  }
0x9c: {  	s6 =	simm.s32 $0x0;
	s20 =	sshll.u32 s4, $0x1;
	s4 =	sadd.s32 s21, s2  }
0x9d: {  	[timem:s6], [sflag:s22] =	dma.local [hbm:s4], s20  }
0x9e: {  	_ =	swait.ge [sflag:s22], s20  }
0x9f: {  	s3 =	ssub.s32 $0x0, s20;
	[sflag:s22] =	ssyncset.done $0x0  }
0xa0: {  	[sflag:s22] =	ssyncadd.s32 s3;
	_ =	sdelay $0x1  }
0xa1: {  	s23 =	simm.s32 $0x1B8B  }
0xa2: {  	_ =	swait.ge [sflag:s23], $0x1  }
0xa3: {  	[sflag:s23] =	ssyncset.done $0x0  }
0xa4: {  	s25 =	simm.s32 $0x1B8E;
	s24 =	sld [smem:$0x3FFE];
	[sflag:s23] =	ssyncadd.s32 $0xFFFFFFFF  }
0xa5: {  	s26 =	simm.s32 $execute0_lowered;
	[smem:$0x3FD2] =	sst s25  }
0xa6: {  	s4 =	sshll.u32 s26, $0x1;
	_ =	strace $0x80000046;
	[dreg:$0x1] =	wrdreg $0xFFFFFFFF  }
0xa7: {  	s28 =	simm.s32 $_size_execute0_lowered;
	s2 =	sadd.s32 s2, s4;
	[dreg:$0x0] =	wrdreg $0x0  }
0xa8: {  	s4 =	sshll.u32 s28, $0x1;
	[dreg:$0x2] =	wrdreg s2  }
0xa9: {  	[dreg:$0x3] =	wrdreg s4  }
0xaa: {  	[dreg:$0x4] =	wrdreg $0xC0  }
0xab: {  	_ =	task [dreg:s6], $0x5FFFF  }
0xac: {  	[dreg:$0x1] =	wrdreg $0xFFFFFFFF  }
0xad: {  	[dreg:$0x0] =	wrdreg $0x60  }
0xae: {  	[dreg:$0x2] =	wrdreg s24  }
0xaf: {  	[dreg:$0x3] =	wrdreg $0x9  }
0xb0: {  	_ =	task.clear_ibuf [dreg:s6], $0x4FFFF;
	_ =	strace $0x90000046  }
0xb1: {  	s29 =	simm.s32 $0x9;
	_ =	strace $0x80000048  }
0xb2: {  	_ =	swait.ge [sflag:s29], $0x1  }
0xb3: {  	[sflag:s29] =	ssyncadd.s32 $0xFFFFFFFF  }
0xb4: {  	_ =	strace $0x90000048  }
0xb5: {  	_ =	sfence  }
0xb6: {  	s30 =	sld [smem:$0x0];
	_ =	sdelay $0x2  }
0xb7: {  	s31 =	sshll.u32 s1, $0xD;
	s1 =	sshrl.u32 s1, $0x2  }
0xb8: {  	s3 =	sand.u32 $0x4000, s31;
	s1 =	sadd.s32 s1, s30  }
0xb9: {  	s0 =	sor.u32 s3, s0;
	s1 =	sshll.u32 s1, $0x11  }
0xba: {  	s0 =	sor.u32 s1, s0  }
0xbb: {  	s0 =	sadd.s32 $0x8F2B, s0  }
0xbc: {  	[sflag:s0] =	ssyncadd.remote.s32 $0x1  }
0xbd: {  	_ =	sfence.sel $0xFFFF  }
0xbe: {  	[dreg:$0x0] =	wrdreg $0xFFFFFFFF;
	(pc) =	sbr.abs _section_cstart, $3  }
0xbf: {  	[dreg:$0x1] =	wrdreg $0xFFFFFFFF  }
0xc0: {  	_ =	task.clear_ibuf [dreg:s6], $0x2FFFF;
	_ =	strace $0x9FFFFFFF  }
0xc1: {  	(tm) =	ssettm $0x7FFFFFFF  }
tec
execute0_lowered:
.L_overlay_start_1:
0x0: {  	(tag) =	ssettag $0x1  }
0x1: {  	s0 =	srdreg.scid  }
0x2: {  	s2 =	stileid.u32;
	s1 =	rddreg [dreg:$0x0]  }
0x3: {  	s10 =	simm.s32 $0x2;
	s11 =	simm.s32 $0x80;
	s12 =	simm.s32 $0x1400  }
0x4: {  	s13 =	simm.s32 $0x1C00;
	s15 =	simm.s32 $0x2400;
	s17 =	simm.s32 $0x2C00  }
0x5: {  	s19 =	simm.s32 $0x3400;
	s21 =	simm.s32 $0x3C00;
	s23 =	simm.s32 $0x4400  }
0x6: {  	s25 =	simm.s32 $0x4C00;
	s28 =	simm.s32 $0x5400;
	s30 =	simm.s32 $0x5C00  }
0x7: {  	s31 =	simm.s32 $0x1;
	s29 =	simm.s32 $0x1200;
	s14 =	simm.s32 $0x1300  }
0x8: {  	s16 =	simm.s32 $0x1380;
	s0 =	sand.u32 $0x1, s0;
	s3 =	sshll.u32 s2, $0x1  }
0x9: {  	s18 =	simm.s32 $0x0;
	s2 =	simm.s32 $0x0;
	s3 =	sor.u32 s0, s3  }
0xa: {  	[smem:$0x7FF] =	sst s2;
	s0 =	ssub.s32 $0x2, s0;
	s4 =	smul.u32 $0x280, s3  }
0xb: {  	_ =	strace $0x80000047;
	s5 =	sshll.u32 s3, $0xC;
	s7 =	sshrl.u32 s0, $0x1  }
0xc: {  	s3 =	sadd.s32 $0x5C00, s1;
	s0 =	ssub.s32 s0, s7;
	s4 =	sadd.s32 s4, s1  }
0xd: {  	s1 =	sadd.s32 s5, s1;
	s9 =	smax.u32 s0, $0x1;
	s0 =	simm.s32 $0x1280  }
0xe: {  	s4 =	sadd.s32 $0xC00, s4;
	s5 =	sadd.s32 $0x1F5C00, s1;
	s6 =	sadd.s32 $0x1F6000, s1  }
0xf: {  	s7 =	sadd.s32 $0x1F6400, s1;
	s8 =	sadd.s32 $0x1F6800, s1;
	s1 =	simm.s32 $0x6400  }
.LBB2_1:
0x10: {  	[tilespmem:s2], [sflag:$0x2] =	stream.linear.gather [hbm4b:s4+s2], $0x1400, $0x38;
	[tilespmem:$0x8400] =	vst v63  }
0x11: {  	_ =	swait.ge [sflag:s10], $0x1400  }
0x12: {  	[sflag:s10] =	ssyncset.done $0x0  }
0x13: {  	[sflag:s10] =	ssyncadd.s32 $0xFFFFEC00  }
0x14: {  	[tilespmem:s12], [sflag:$0x1] =	stream.indirect.gather [hbm4b:s3+s11], $0x10, s2, s11, $0xb8;
	[tilespmem:$0x8400] =	vst v63  }
0x15: {  	_ = 	snop  }
0x16: {  	[tilespmem:s13], [sflag:$0x1] =	stream.indirect.gather [hbm4b:s3+s11], $0x10, s11, s11, $0xb8;
	[tilespmem:$0x8400] =	vst v63  }
0x17: {  	s20 =	simm.s32 $0x100  }
0x18: {  	[tilespmem:s15], [sflag:$0x1] =	stream.indirect.gather [hbm4b:s3+s11], $0x10, s20, s11, $0xb8;
	[tilespmem:$0x8400] =	vst v63  }
0x19: {  	s26 =	simm.s32 $0x180  }
0x1a: {  	[tilespmem:s17], [sflag:$0x1] =	stream.indirect.gather [hbm4b:s3+s11], $0x10, s26, s11, $0xb8;
	[tilespmem:$0x8400] =	vst v63  }
0x1b: {  	s22 =	simm.s32 $0x200  }
0x1c: {  	[tilespmem:s19], [sflag:$0x1] =	stream.indirect.gather [hbm4b:s3+s11], $0x10, s22, s11, $0xb8;
	[tilespmem:$0x8400] =	vst v63  }
0x1d: {  	s24 =	simm.s32 $0x280  }
0x1e: {  	[tilespmem:s21], [sflag:$0x1] =	stream.indirect.gather [hbm4b:s3+s11], $0x10, s24, s11, $0xb8;
	[tilespmem:$0x8400] =	vst v63  }
0x1f: {  	s26 =	simm.s32 $0x300  }
0x20: {  	[tilespmem:s23], [sflag:$0x1] =	stream.indirect.gather [hbm4b:s3+s11], $0x10, s26, s11, $0xb8;
	[tilespmem:$0x8400] =	vst v63  }
0x21: {  	s22 =	simm.s32 $0x380  }
0x22: {  	[tilespmem:s25], [sflag:$0x1] =	stream.indirect.gather [hbm4b:s3+s11], $0x10, s22, s11, $0xb8;
	[tilespmem:$0x8400] =	vst v63  }
0x23: {  	s24 =	simm.s32 $0x400  }
0x24: {  	[tilespmem:s28], [sflag:$0x1] =	stream.indirect.gather [hbm4b:s3+s11], $0x10, s24, s11, $0xb8;
	[tilespmem:$0x8400] =	vst v63  }
0x25: {  	s26 =	simm.s32 $0x480  }
0x26: {  	[tilespmem:s30], [sflag:$0x1] =	stream.indirect.gather [hbm4b:s3+s11], $0x10, s26, s11, $0xb8;
	[tilespmem:$0x8400] =	vst v63  }
0x27: {  	_ =	swait.ge [sflag:s31], $0x800  }
0x28: {  	[sflag:s31] =	ssyncset.done $0x0  }
0x29: {  	[sflag:s31] =	ssyncadd.s32 $0xFFFFF800  }
0x2a: {  	_ =	swait.ge [sflag:s31], $0x800  }
0x2b: {  	[sflag:s31] =	ssyncset.done $0x0  }
0x2c: {  	[sflag:s31] =	ssyncadd.s32 $0xFFFFF800  }
0x2d: {  	_ =	swait.ge [sflag:s31], $0x800  }
0x2e: {  	[sflag:s31] =	ssyncset.done $0x0  }
0x2f: {  	[sflag:s31] =	ssyncadd.s32 $0xFFFFF800  }
0x30: {  	_ =	swait.ge [sflag:s31], $0x800  }
0x31: {  	[sflag:s31] =	ssyncset.done $0x0  }
0x32: {  	[sflag:s31] =	ssyncadd.s32 $0xFFFFF800  }
0x33: {  	_ =	swait.ge [sflag:s31], $0x800  }
0x34: {  	[sflag:s31] =	ssyncset.done $0x0  }
0x35: {  	[sflag:s31] =	ssyncadd.s32 $0xFFFFF800  }
0x36: {  	_ =	swait.ge [sflag:s31], $0x800  }
0x37: {  	[sflag:s31] =	ssyncset.done $0x0  }
0x38: {  	[sflag:s31] =	ssyncadd.s32 $0xFFFFF800  }
0x39: {  	_ =	swait.ge [sflag:s31], $0x800  }
0x3a: {  	[sflag:s31] =	ssyncset.done $0x0  }
0x3b: {  	[sflag:s31] =	ssyncadd.s32 $0xFFFFF800  }
0x3c: {  	_ =	swait.ge [sflag:s31], $0x800  }
0x3d: {  	[sflag:s31] =	ssyncset.done $0x0  }
0x3e: {  	[sflag:s31] =	ssyncadd.s32 $0xFFFFF800  }
0x3f: {  	_ =	swait.ge [sflag:s31], $0x800  }
0x40: {  	[sflag:s31] =	ssyncset.done $0x0  }
0x41: {  	[sflag:s31] =	ssyncadd.s32 $0xFFFFF800  }
0x42: {  	_ =	swait.ge [sflag:s31], $0x800  }
0x43: {  	[sflag:s31] =	ssyncset.done $0x0  }
0x44: {  	s20 =	simm.s32 $0x1450;
	[sflag:s31] =	ssyncadd.s32 $0xFFFFF800  }
0x45: {  	v0 =	vld [tilespmem:s20+$0xFFFFFFC0]  }
0x46: {  	v1 =	vld [tilespmem:s20+$0xFFFFFFB0];
	_ =	sdelay $0x1  }
0x47: {  	v2 =	vld [tilespmem:s20+$0xFFFFFFD0];
	_ =	sdelay $0x1  }
0x48: {  	v3 =	vld [tilespmem:s20+$0xFFFFFFE0]  }
0x49: {  	v4 =	vunpack.i.l.bf16.f32 v0;
	v5 =	vunpack.i.l.bf16.f32 v1  }
0x4a: {  	v59 =	vld [tilespmem:s20+$0xFFFFFFF0];
	v1 =	vunpack.i.u.bf16.f32 v1;
	v0 =	vunpack.i.u.bf16.f32 v0;
	v4 =	vadd.f32 v4, v5  }
0x4b: {  	v0 =	vadd.f32 v0, v1;
	v1 =	vunpack.i.l.bf16.f32 v2  }
0x4c: {  	v2 =	vunpack.i.u.bf16.f32 v2;
	v1 =	vadd.f32 v1, v4  }
0x4d: {  	v0 =	vadd.f32 v2, v0;
	v2 =	vunpack.i.l.bf16.f32 v3  }
0x4e: {  	v3 =	vunpack.i.u.bf16.f32 v3;
	v1 =	vadd.f32 v2, v1  }
0x4f: {  	v0 =	vadd.f32 v3, v0;
	v2 =	vunpack.i.l.bf16.f32 v59  }
0x50: {  	v3 =	vunpack.i.u.bf16.f32 v59;
	v1 =	vadd.f32 v2, v1  }
0x51: {  	v0 =	vadd.f32 v3, v0  }
0x52: {  	v1 =	vmul.f32 $2.000000030e-01, v1  }
0x53: {  	s24 =	simm.s32 $0x0;
	v0 =	vmul.f32 $2.000000030e-01, v0  }
0x54: {  	[tilespmem:s24+$0x6400] =	vst v1  }
0x55: {  	[tilespmem:s24+$0x6410] =	vst v0  }
0x56: {  	v0 =	vld [tilespmem:s20+$0x0]  }
0x57: {  	v1 =	vld [tilespmem:s20+$0x10];
	_ =	sdelay $0x1  }
0x58: {  	v2 =	vld [tilespmem:s20+$0x20];
	_ =	sdelay $0x1  }
0x59: {  	v3 =	vld [tilespmem:s20+$0x30]  }
0x5a: {  	v60 =	vunpack.i.u.bf16.f32 v0;
	v61 =	vunpack.i.u.bf16.f32 v1  }
0x5b: {  	v62 =	vld [tilespmem:s20+$0x40];
	v4 =	vadd.f32 v61, v60  }
0x5c: {  	v0 =	vunpack.i.l.bf16.f32 v0;
	v1 =	vunpack.i.l.bf16.f32 v1;
	v6 =	vunpack.i.u.bf16.f32 v2  }
0x5d: {  	v0 =	vadd.f32 v1, v0;
	v1 =	vadd.f32 v6, v4  }
0x5e: {  	v2 =	vunpack.i.l.bf16.f32 v2;
	v63 =	vunpack.i.u.bf16.f32 v3  }
0x5f: {  	v0 =	vadd.f32 v2, v0;
	v1 =	vadd.f32 v63, v1  }
0x60: {  	v2 =	vunpack.i.l.bf16.f32 v3;
	v3 =	vunpack.i.u.bf16.f32 v62  }
0x61: {  	s22 =	simm.s32 $0x100;
	v0 =	vadd.f32 v2, v0;
	v2 =	vunpack.i.l.bf16.f32 v62;
	v1 =	vadd.f32 v3, v1  }
.LBB2_2:
0x62: {  	p0 =	sne.s32 s22, $0x7F00  }
0x63: {  	v0 =	vadd.f32 v2, v0;
	s20 =	sadd.s32 $0xA0, s20;
	s26 =	smov.u32 s22;
	s22 =	sadd.s32 $0x100, s22  }
0x64: {  	v1 =	vmul.f32 $2.000000030e-01, v1  }
0x65: {  	v0 =	vmul.f32 $2.000000030e-01, v0  }
0x66: {  	[tilespmem:s24+$0x6430] =	vst v1  }
0x67: {  	[tilespmem:s24+$0x6420] =	vst v0  }
0x68: {  	v0 =	vld [tilespmem:s20+$0xFFFFFFC0]  }
0x69: {  	v1 =	vld [tilespmem:s20+$0xFFFFFFB0]  }
0x6a: {  	v2 =	vld [tilespmem:s20+$0xFFFFFFD0];
	_ =	sdelay $0x2  }
0x6b: {  	v3 =	vunpack.i.l.bf16.f32 v0;
	v4 =	vld [tilespmem:s20+$0xFFFFFFE0]  }
0x6c: {  	v0 =	vunpack.i.u.bf16.f32 v0;
	v5 =	vunpack.i.u.bf16.f32 v1;
	v1 =	vunpack.i.l.bf16.f32 v1  }
0x6d: {  	v1 =	vadd.f32 v3, v1;
	v0 =	vadd.f32 v0, v5;
	v3 =	vld [tilespmem:s20+$0xFFFFFFF0]  }
0x6e: {  	v5 =	vunpack.i.u.bf16.f32 v2;
	v2 =	vunpack.i.l.bf16.f32 v2  }
0x6f: {  	v1 =	vadd.f32 v2, v1;
	v0 =	vadd.f32 v5, v0  }
0x70: {  	v2 =	vunpack.i.u.bf16.f32 v4;
	v4 =	vunpack.i.l.bf16.f32 v4  }
0x71: {  	v1 =	vadd.f32 v4, v1;
	v0 =	vadd.f32 v2, v0  }
0x72: {  	v2 =	vunpack.i.u.bf16.f32 v3;
	v3 =	vunpack.i.l.bf16.f32 v3  }
0x73: {  	v1 =	vadd.f32 v3, v1;
	v0 =	vadd.f32 v2, v0;
	_ =	sdelay $0x1  }
0x74: {  	v1 =	vmul.f32 $2.000000030e-01, v1;
	v0 =	vmul.f32 $2.000000030e-01, v0  }
0x75: {  	s24 =	sshra.s32 s26, $0x2  }
0x76: {  	[tilespmem:s24+$0x6400] =	vst v1  }
0x77: {  	[tilespmem:s24+$0x6410] =	vst v0  }
0x78: {  	v0 =	vld [tilespmem:s20+$0x0]  }
0x79: {  	v1 =	vld [tilespmem:s20+$0x10];
	_ =	sdelay $0x1  }
0x7a: {  	v2 =	vld [tilespmem:s20+$0x20];
	_ =	sdelay $0x1  }
0x7b: {  	v3 =	vld [tilespmem:s20+$0x30]  }
0x7c: {  	v4 =	vunpack.i.u.bf16.f32 v0;
	v0 =	vunpack.i.l.bf16.f32 v0;
	v5 =	vunpack.i.u.bf16.f32 v1  }
0x7d: {  	v1 =	vunpack.i.l.bf16.f32 v1;
	v4 =	vadd.f32 v5, v4;
	v5 =	vld [tilespmem:s20+$0x40]  }
0x7e: {  	v0 =	vadd.f32 v1, v0;
	v1 =	vunpack.i.u.bf16.f32 v2  }
.Ltmp0:
0x7f: {  	v2 =	vunpack.i.l.bf16.f32 v2;
	v1 =	vadd.f32 v1, v4;
	(pc) =	sbr.rel @p0 .LBB2_2-.Ltmp0, $4  }
0x80: {  	v0 =	vadd.f32 v2, v0;
	v2 =	vunpack.i.u.bf16.f32 v3  }
0x81: {  	v3 =	vunpack.i.l.bf16.f32 v3;
	v1 =	vadd.f32 v2, v1  }
0x82: {  	v0 =	vadd.f32 v3, v0;
	v3 =	vunpack.i.u.bf16.f32 v5  }
0x83: {  	v2 =	vunpack.i.l.bf16.f32 v5;
	v1 =	vadd.f32 v3, v1  }
0x84: {  	v0 =	vadd.f32 v2, v0  }
0x85: {  	v1 =	vmul.f32 $2.000000030e-01, v1  }
0x86: {  	v0 =	vmul.f32 $2.000000030e-01, v0  }
0x87: {  	[tilespmem:s24+$0x6430] =	vst v1  }
0x88: {  	s20 =	simm.s32 $0x0;
	[tilespmem:s24+$0x6420] =	vst v0  }
0x89: {  	[hbm4b:s5+s20] =	stream.linear.scatter [tilespmem:s1], [sflag:$0x2], $0x2000, $0x38;
	[tilespmem:$0x8400] =	vst v63  }
0x8a: {  	_ =	swait.ge [sflag:s10], $0x2000  }
0x8b: {  	[sflag:s10] =	ssyncset.done $0x0  }
0x8c: {  	s26 =	simm.s32 $0x500;
	[sflag:s10] =	ssyncadd.s32 $0xFFFFE000  }
0x8d: {  	[tilespmem:s12], [sflag:$0x1] =	stream.indirect.gather [hbm4b:s3+s11], $0x10, s26, s11, $0xb8;
	[tilespmem:$0x8400] =	vst v63  }
0x8e: {  	s22 =	simm.s32 $0x580  }
0x8f: {  	[tilespmem:s13], [sflag:$0x1] =	stream.indirect.gather [hbm4b:s3+s11], $0x10, s22, s11, $0xb8;
	[tilespmem:$0x8400] =	vst v63  }
0x90: {  	s24 =	simm.s32 $0x600  }
0x91: {  	[tilespmem:s15], [sflag:$0x1] =	stream.indirect.gather [hbm4b:s3+s11], $0x10, s24, s11, $0xb8;
	[tilespmem:$0x8400] =	vst v63  }
0x92: {  	s26 =	simm.s32 $0x680  }
0x93: {  	[tilespmem:s17], [sflag:$0x1] =	stream.indirect.gather [hbm4b:s3+s11], $0x10, s26, s11, $0xb8;
	[tilespmem:$0x8400] =	vst v63  }
0x94: {  	s22 =	simm.s32 $0x700  }
0x95: {  	[tilespmem:s19], [sflag:$0x1] =	stream.indirect.gather [hbm4b:s3+s11], $0x10, s22, s11, $0xb8;
	[tilespmem:$0x8400] =	vst v63  }
0x96: {  	s24 =	simm.s32 $0x780  }
0x97: {  	[tilespmem:s21], [sflag:$0x1] =	stream.indirect.gather [hbm4b:s3+s11], $0x10, s24, s11, $0xb8;
	[tilespmem:$0x8400] =	vst v63  }
0x98: {  	s26 =	simm.s32 $0x800  }
0x99: {  	[tilespmem:s23], [sflag:$0x1] =	stream.indirect.gather [hbm4b:s3+s11], $0x10, s26, s11, $0xb8;
	[tilespmem:$0x8400] =	vst v63  }
0x9a: {  	s22 =	simm.s32 $0x880  }
0x9b: {  	[tilespmem:s25], [sflag:$0x1] =	stream.indirect.gather [hbm4b:s3+s11], $0x10, s22, s11, $0xb8;
	[tilespmem:$0x8400] =	vst v63  }
0x9c: {  	s24 =	simm.s32 $0x900  }
0x9d: {  	[tilespmem:s28], [sflag:$0x1] =	stream.indirect.gather [hbm4b:s3+s11], $0x10, s24, s11, $0xb8;
	[tilespmem:$0x8400] =	vst v63  }
0x9e: {  	s26 =	simm.s32 $0x980  }
0x9f: {  	[tilespmem:s30], [sflag:$0x1] =	stream.indirect.gather [hbm4b:s3+s11], $0x10, s26, s11, $0xb8;
	[tilespmem:$0x8400] =	vst v63  }
0xa0: {  	_ =	swait.ge [sflag:s31], $0x800  }
0xa1: {  	[sflag:s31] =	ssyncset.done $0x0  }
0xa2: {  	[sflag:s31] =	ssyncadd.s32 $0xFFFFF800  }
0xa3: {  	_ =	swait.ge [sflag:s31], $0x800  }
0xa4: {  	[sflag:s31] =	ssyncset.done $0x0  }
0xa5: {  	[sflag:s31] =	ssyncadd.s32 $0xFFFFF800  }
0xa6: {  	_ =	swait.ge [sflag:s31], $0x800  }
0xa7: {  	[sflag:s31] =	ssyncset.done $0x0  }
0xa8: {  	[sflag:s31] =	ssyncadd.s32 $0xFFFFF800  }
0xa9: {  	_ =	swait.ge [sflag:s31], $0x800  }
0xaa: {  	[sflag:s31] =	ssyncset.done $0x0  }
0xab: {  	[sflag:s31] =	ssyncadd.s32 $0xFFFFF800  }
0xac: {  	_ =	swait.ge [sflag:s31], $0x800  }
0xad: {  	[sflag:s31] =	ssyncset.done $0x0  }
0xae: {  	[sflag:s31] =	ssyncadd.s32 $0xFFFFF800  }
0xaf: {  	_ =	swait.ge [sflag:s31], $0x800  }
0xb0: {  	[sflag:s31] =	ssyncset.done $0x0  }
0xb1: {  	[sflag:s31] =	ssyncadd.s32 $0xFFFFF800  }
0xb2: {  	_ =	swait.ge [sflag:s31], $0x800  }
0xb3: {  	[sflag:s31] =	ssyncset.done $0x0  }
0xb4: {  	[sflag:s31] =	ssyncadd.s32 $0xFFFFF800  }
0xb5: {  	_ =	swait.ge [sflag:s31], $0x800  }
0xb6: {  	[sflag:s31] =	ssyncset.done $0x0  }
0xb7: {  	[sflag:s31] =	ssyncadd.s32 $0xFFFFF800  }
0xb8: {  	_ =	swait.ge [sflag:s31], $0x800  }
0xb9: {  	[sflag:s31] =	ssyncset.done $0x0  }
0xba: {  	[sflag:s31] =	ssyncadd.s32 $0xFFFFF800  }
0xbb: {  	_ =	swait.ge [sflag:s31], $0x800  }
0xbc: {  	[sflag:s31] =	ssyncset.done $0x0  }
0xbd: {  	s20 =	simm.s32 $0x1450;
	[sflag:s31] =	ssyncadd.s32 $0xFFFFF800  }
0xbe: {  	v0 =	vld [tilespmem:s20+$0xFFFFFFC0]  }
0xbf: {  	v1 =	vld [tilespmem:s20+$0xFFFFFFB0];
	_ =	sdelay $0x1  }
0xc0: {  	v2 =	vld [tilespmem:s20+$0xFFFFFFD0];
	_ =	sdelay $0x1  }
0xc1: {  	v3 =	vld [tilespmem:s20+$0xFFFFFFE0]  }
0xc2: {  	v4 =	vunpack.i.l.bf16.f32 v0;
	v5 =	vunpack.i.l.bf16.f32 v1  }
0xc3: {  	v59 =	vld [tilespmem:s20+$0xFFFFFFF0];
	v1 =	vunpack.i.u.bf16.f32 v1;
	v0 =	vunpack.i.u.bf16.f32 v0;
	v4 =	vadd.f32 v4, v5  }
0xc4: {  	v0 =	vadd.f32 v0, v1;
	v1 =	vunpack.i.l.bf16.f32 v2  }
0xc5: {  	v2 =	vunpack.i.u.bf16.f32 v2;
	v1 =	vadd.f32 v1, v4  }
0xc6: {  	v0 =	vadd.f32 v2, v0;
	v2 =	vunpack.i.l.bf16.f32 v3  }
0xc7: {  	v3 =	vunpack.i.u.bf16.f32 v3;
	v1 =	vadd.f32 v2, v1  }
0xc8: {  	v0 =	vadd.f32 v3, v0;
	v2 =	vunpack.i.l.bf16.f32 v59  }
0xc9: {  	v3 =	vunpack.i.u.bf16.f32 v59;
	v1 =	vadd.f32 v2, v1  }
0xca: {  	v0 =	vadd.f32 v3, v0  }
0xcb: {  	v1 =	vmul.f32 $2.000000030e-01, v1  }
0xcc: {  	s24 =	simm.s32 $0x0;
	v0 =	vmul.f32 $2.000000030e-01, v0  }
0xcd: {  	[tilespmem:s24+$0x6400] =	vst v1  }
0xce: {  	[tilespmem:s24+$0x6410] =	vst v0  }
0xcf: {  	v0 =	vld [tilespmem:s20+$0x0]  }
0xd0: {  	v1 =	vld [tilespmem:s20+$0x10];
	_ =	sdelay $0x1  }
0xd1: {  	v2 =	vld [tilespmem:s20+$0x20];
	_ =	sdelay $0x1  }
0xd2: {  	v3 =	vld [tilespmem:s20+$0x30]  }
0xd3: {  	v60 =	vunpack.i.u.bf16.f32 v0;
	v61 =	vunpack.i.u.bf16.f32 v1  }
0xd4: {  	v62 =	vld [tilespmem:s20+$0x40];
	v4 =	vadd.f32 v61, v60  }
0xd5: {  	v0 =	vunpack.i.l.bf16.f32 v0;
	v1 =	vunpack.i.l.bf16.f32 v1;
	v6 =	vunpack.i.u.bf16.f32 v2  }
0xd6: {  	v0 =	vadd.f32 v1, v0;
	v1 =	vadd.f32 v6, v4  }
0xd7: {  	v2 =	vunpack.i.l.bf16.f32 v2;
	v63 =	vunpack.i.u.bf16.f32 v3  }
0xd8: {  	v0 =	vadd.f32 v2, v0;
	v1 =	vadd.f32 v63, v1  }
0xd9: {  	v2 =	vunpack.i.l.bf16.f32 v3;
	v3 =	vunpack.i.u.bf16.f32 v62  }
0xda: {  	s22 =	simm.s32 $0x100;
	v0 =	vadd.f32 v2, v0;
	v2 =	vunpack.i.l.bf16.f32 v62;
	v1 =	vadd.f32 v3, v1  }
.LBB2_4:
0xdb: {  	p0 =	sne.s32 s22, $0x7F00  }
0xdc: {  	v0 =	vadd.f32 v2, v0;
	s20 =	sadd.s32 $0xA0, s20;
	s26 =	smov.u32 s22;
	s22 =	sadd.s32 $0x100, s22  }
0xdd: {  	v1 =	vmul.f32 $2.000000030e-01, v1  }
0xde: {  	v0 =	vmul.f32 $2.000000030e-01, v0  }
0xdf: {  	[tilespmem:s24+$0x6430] =	vst v1  }
0xe0: {  	[tilespmem:s24+$0x6420] =	vst v0  }
0xe1: {  	v0 =	vld [tilespmem:s20+$0xFFFFFFC0]  }
0xe2: {  	v1 =	vld [tilespmem:s20+$0xFFFFFFB0]  }
0xe3: {  	v2 =	vld [tilespmem:s20+$0xFFFFFFD0];
	_ =	sdelay $0x2  }
0xe4: {  	v3 =	vunpack.i.l.bf16.f32 v0;
	v4 =	vld [tilespmem:s20+$0xFFFFFFE0]  }
0xe5: {  	v0 =	vunpack.i.u.bf16.f32 v0;
	v5 =	vunpack.i.u.bf16.f32 v1;
	v1 =	vunpack.i.l.bf16.f32 v1  }
0xe6: {  	v1 =	vadd.f32 v3, v1;
	v0 =	vadd.f32 v0, v5;
	v3 =	vld [tilespmem:s20+$0xFFFFFFF0]  }
0xe7: {  	v5 =	vunpack.i.u.bf16.f32 v2;
	v2 =	vunpack.i.l.bf16.f32 v2  }
0xe8: {  	v1 =	vadd.f32 v2, v1;
	v0 =	vadd.f32 v5, v0  }
0xe9: {  	v2 =	vunpack.i.u.bf16.f32 v4;
	v4 =	vunpack.i.l.bf16.f32 v4  }
0xea: {  	v1 =	vadd.f32 v4, v1;
	v0 =	vadd.f32 v2, v0  }
0xeb: {  	v2 =	vunpack.i.u.bf16.f32 v3;
	v3 =	vunpack.i.l.bf16.f32 v3  }
0xec: {  	v1 =	vadd.f32 v3, v1;
	v0 =	vadd.f32 v2, v0;
	_ =	sdelay $0x1  }
0xed: {  	v1 =	vmul.f32 $2.000000030e-01, v1;
	v0 =	vmul.f32 $2.000000030e-01, v0  }
0xee: {  	s24 =	sshra.s32 s26, $0x2  }
0xef: {  	[tilespmem:s24+$0x6400] =	vst v1  }
0xf0: {  	[tilespmem:s24+$0x6410] =	vst v0  }
0xf1: {  	v0 =	vld [tilespmem:s20+$0x0]  }
0xf2: {  	v1 =	vld [tilespmem:s20+$0x10];
	_ =	sdelay $0x1  }
0xf3: {  	v2 =	vld [tilespmem:s20+$0x20];
	_ =	sdelay $0x1  }
0xf4: {  	v3 =	vld [tilespmem:s20+$0x30]  }
0xf5: {  	v4 =	vunpack.i.u.bf16.f32 v0;
	v0 =	vunpack.i.l.bf16.f32 v0;
	v5 =	vunpack.i.u.bf16.f32 v1  }
0xf6: {  	v1 =	vunpack.i.l.bf16.f32 v1;
	v4 =	vadd.f32 v5, v4;
	v5 =	vld [tilespmem:s20+$0x40]  }
0xf7: {  	v0 =	vadd.f32 v1, v0;
	v1 =	vunpack.i.u.bf16.f32 v2  }
.Ltmp1:
0xf8: {  	v2 =	vunpack.i.l.bf16.f32 v2;
	v1 =	vadd.f32 v1, v4;
	(pc) =	sbr.rel @p0 .LBB2_4-.Ltmp1, $4  }
0xf9: {  	v0 =	vadd.f32 v2, v0;
	v2 =	vunpack.i.u.bf16.f32 v3  }
0xfa: {  	v3 =	vunpack.i.l.bf16.f32 v3;
	v1 =	vadd.f32 v2, v1  }
0xfb: {  	v0 =	vadd.f32 v3, v0;
	v3 =	vunpack.i.u.bf16.f32 v5  }
0xfc: {  	v2 =	vunpack.i.l.bf16.f32 v5;
	v1 =	vadd.f32 v3, v1  }
0xfd: {  	v0 =	vadd.f32 v2, v0  }
0xfe: {  	v1 =	vmul.f32 $2.000000030e-01, v1  }
0xff: {  	v0 =	vmul.f32 $2.000000030e-01, v0  }
0x100: {  	[tilespmem:s24+$0x6430] =	vst v1  }
0x101: {  	s20 =	simm.s32 $0x0;
	[tilespmem:s24+$0x6420] =	vst v0  }
0x102: {  	[hbm4b:s6+s20] =	stream.linear.scatter [tilespmem:s1], [sflag:$0x2], $0x2000, $0x38;
	[tilespmem:$0x8400] =	vst v63  }
0x103: {  	_ =	swait.ge [sflag:s10], $0x2000  }
0x104: {  	[sflag:s10] =	ssyncset.done $0x0  }
0x105: {  	s26 =	simm.s32 $0xA00;
	[sflag:s10] =	ssyncadd.s32 $0xFFFFE000  }
0x106: {  	[tilespmem:s12], [sflag:$0x1] =	stream.indirect.gather [hbm4b:s3+s11], $0x10, s26, s11, $0xb8;
	[tilespmem:$0x8400] =	vst v63  }
0x107: {  	s22 =	simm.s32 $0xA80  }
0x108: {  	[tilespmem:s13], [sflag:$0x1] =	stream.indirect.gather [hbm4b:s3+s11], $0x10, s22, s11, $0xb8;
	[tilespmem:$0x8400] =	vst v63  }
0x109: {  	s24 =	simm.s32 $0xB00  }
0x10a: {  	[tilespmem:s15], [sflag:$0x1] =	stream.indirect.gather [hbm4b:s3+s11], $0x10, s24, s11, $0xb8;
	[tilespmem:$0x8400] =	vst v63  }
0x10b: {  	s26 =	simm.s32 $0xB80  }
0x10c: {  	[tilespmem:s17], [sflag:$0x1] =	stream.indirect.gather [hbm4b:s3+s11], $0x10, s26, s11, $0xb8;
	[tilespmem:$0x8400] =	vst v63  }
0x10d: {  	s22 =	simm.s32 $0xC00  }
0x10e: {  	[tilespmem:s19], [sflag:$0x1] =	stream.indirect.gather [hbm4b:s3+s11], $0x10, s22, s11, $0xb8;
	[tilespmem:$0x8400] =	vst v63  }
0x10f: {  	s24 =	simm.s32 $0xC80  }
0x110: {  	[tilespmem:s21], [sflag:$0x1] =	stream.indirect.gather [hbm4b:s3+s11], $0x10, s24, s11, $0xb8;
	[tilespmem:$0x8400] =	vst v63  }
0x111: {  	s26 =	simm.s32 $0xD00  }
0x112: {  	[tilespmem:s23], [sflag:$0x1] =	stream.indirect.gather [hbm4b:s3+s11], $0x10, s26, s11, $0xb8;
	[tilespmem:$0x8400] =	vst v63  }
0x113: {  	s22 =	simm.s32 $0xD80  }
0x114: {  	[tilespmem:s25], [sflag:$0x1] =	stream.indirect.gather [hbm4b:s3+s11], $0x10, s22, s11, $0xb8;
	[tilespmem:$0x8400] =	vst v63  }
0x115: {  	s24 =	simm.s32 $0xE00  }
0x116: {  	[tilespmem:s28], [sflag:$0x1] =	stream.indirect.gather [hbm4b:s3+s11], $0x10, s24, s11, $0xb8;
	[tilespmem:$0x8400] =	vst v63  }
0x117: {  	s26 =	simm.s32 $0xE80  }
0x118: {  	[tilespmem:s30], [sflag:$0x1] =	stream.indirect.gather [hbm4b:s3+s11], $0x10, s26, s11, $0xb8;
	[tilespmem:$0x8400] =	vst v63  }
0x119: {  	_ =	swait.ge [sflag:s31], $0x800  }
0x11a: {  	[sflag:s31] =	ssyncset.done $0x0  }
0x11b: {  	[sflag:s31] =	ssyncadd.s32 $0xFFFFF800  }
0x11c: {  	_ =	swait.ge [sflag:s31], $0x800  }
0x11d: {  	[sflag:s31] =	ssyncset.done $0x0  }
0x11e: {  	[sflag:s31] =	ssyncadd.s32 $0xFFFFF800  }
0x11f: {  	_ =	swait.ge [sflag:s31], $0x800  }
0x120: {  	[sflag:s31] =	ssyncset.done $0x0  }
0x121: {  	[sflag:s31] =	ssyncadd.s32 $0xFFFFF800  }
0x122: {  	_ =	swait.ge [sflag:s31], $0x800  }
0x123: {  	[sflag:s31] =	ssyncset.done $0x0  }
0x124: {  	[sflag:s31] =	ssyncadd.s32 $0xFFFFF800  }
0x125: {  	_ =	swait.ge [sflag:s31], $0x800  }
0x126: {  	[sflag:s31] =	ssyncset.done $0x0  }
0x127: {  	[sflag:s31] =	ssyncadd.s32 $0xFFFFF800  }
0x128: {  	_ =	swait.ge [sflag:s31], $0x800  }
0x129: {  	[sflag:s31] =	ssyncset.done $0x0  }
0x12a: {  	[sflag:s31] =	ssyncadd.s32 $0xFFFFF800  }
0x12b: {  	_ =	swait.ge [sflag:s31], $0x800  }
0x12c: {  	[sflag:s31] =	ssyncset.done $0x0  }
0x12d: {  	[sflag:s31] =	ssyncadd.s32 $0xFFFFF800  }
0x12e: {  	_ =	swait.ge [sflag:s31], $0x800  }
0x12f: {  	[sflag:s31] =	ssyncset.done $0x0  }
0x130: {  	[sflag:s31] =	ssyncadd.s32 $0xFFFFF800  }
0x131: {  	_ =	swait.ge [sflag:s31], $0x800  }
0x132: {  	[sflag:s31] =	ssyncset.done $0x0  }
0x133: {  	[sflag:s31] =	ssyncadd.s32 $0xFFFFF800  }
0x134: {  	_ =	swait.ge [sflag:s31], $0x800  }
0x135: {  	[sflag:s31] =	ssyncset.done $0x0  }
0x136: {  	s20 =	simm.s32 $0x1450;
	[sflag:s31] =	ssyncadd.s32 $0xFFFFF800  }
0x137: {  	v0 =	vld [tilespmem:s20+$0xFFFFFFC0]  }
0x138: {  	v1 =	vld [tilespmem:s20+$0xFFFFFFB0];
	_ =	sdelay $0x1  }
0x139: {  	v2 =	vld [tilespmem:s20+$0xFFFFFFD0];
	_ =	sdelay $0x1  }
0x13a: {  	v3 =	vld [tilespmem:s20+$0xFFFFFFE0]  }
0x13b: {  	v4 =	vunpack.i.l.bf16.f32 v0;
	v5 =	vunpack.i.l.bf16.f32 v1  }
0x13c: {  	v59 =	vld [tilespmem:s20+$0xFFFFFFF0];
	v1 =	vunpack.i.u.bf16.f32 v1;
	v0 =	vunpack.i.u.bf16.f32 v0;
	v4 =	vadd.f32 v4, v5  }
0x13d: {  	v0 =	vadd.f32 v0, v1;
	v1 =	vunpack.i.l.bf16.f32 v2  }
0x13e: {  	v2 =	vunpack.i.u.bf16.f32 v2;
	v1 =	vadd.f32 v1, v4  }
0x13f: {  	v0 =	vadd.f32 v2, v0;
	v2 =	vunpack.i.l.bf16.f32 v3  }
0x140: {  	v3 =	vunpack.i.u.bf16.f32 v3;
	v1 =	vadd.f32 v2, v1  }
0x141: {  	v0 =	vadd.f32 v3, v0;
	v2 =	vunpack.i.l.bf16.f32 v59  }
0x142: {  	v3 =	vunpack.i.u.bf16.f32 v59;
	v1 =	vadd.f32 v2, v1  }
0x143: {  	v0 =	vadd.f32 v3, v0  }
0x144: {  	v1 =	vmul.f32 $2.000000030e-01, v1  }
0x145: {  	s24 =	simm.s32 $0x0;
	v0 =	vmul.f32 $2.000000030e-01, v0  }
0x146: {  	[tilespmem:s24+$0x6400] =	vst v1  }
0x147: {  	[tilespmem:s24+$0x6410] =	vst v0  }
0x148: {  	v0 =	vld [tilespmem:s20+$0x0]  }
0x149: {  	v1 =	vld [tilespmem:s20+$0x10];
	_ =	sdelay $0x1  }
0x14a: {  	v2 =	vld [tilespmem:s20+$0x20];
	_ =	sdelay $0x1  }
0x14b: {  	v3 =	vld [tilespmem:s20+$0x30]  }
0x14c: {  	v60 =	vunpack.i.u.bf16.f32 v0;
	v61 =	vunpack.i.u.bf16.f32 v1  }
0x14d: {  	v62 =	vld [tilespmem:s20+$0x40];
	v4 =	vadd.f32 v61, v60  }
0x14e: {  	v0 =	vunpack.i.l.bf16.f32 v0;
	v1 =	vunpack.i.l.bf16.f32 v1;
	v6 =	vunpack.i.u.bf16.f32 v2  }
0x14f: {  	v0 =	vadd.f32 v1, v0;
	v1 =	vadd.f32 v6, v4  }
0x150: {  	v2 =	vunpack.i.l.bf16.f32 v2;
	v63 =	vunpack.i.u.bf16.f32 v3  }
0x151: {  	v0 =	vadd.f32 v2, v0;
	v1 =	vadd.f32 v63, v1  }
0x152: {  	v2 =	vunpack.i.l.bf16.f32 v3;
	v3 =	vunpack.i.u.bf16.f32 v62  }
0x153: {  	s22 =	simm.s32 $0x100;
	v0 =	vadd.f32 v2, v0;
	v2 =	vunpack.i.l.bf16.f32 v62;
	v1 =	vadd.f32 v3, v1  }
.LBB2_6:
0x154: {  	p0 =	sne.s32 s22, $0x7F00  }
0x155: {  	v0 =	vadd.f32 v2, v0;
	s20 =	sadd.s32 $0xA0, s20;
	s26 =	smov.u32 s22;
	s22 =	sadd.s32 $0x100, s22  }
0x156: {  	v1 =	vmul.f32 $2.000000030e-01, v1  }
0x157: {  	v0 =	vmul.f32 $2.000000030e-01, v0  }
0x158: {  	[tilespmem:s24+$0x6430] =	vst v1  }
0x159: {  	[tilespmem:s24+$0x6420] =	vst v0  }
0x15a: {  	v0 =	vld [tilespmem:s20+$0xFFFFFFC0]  }
0x15b: {  	v1 =	vld [tilespmem:s20+$0xFFFFFFB0]  }
0x15c: {  	v2 =	vld [tilespmem:s20+$0xFFFFFFD0];
	_ =	sdelay $0x2  }
0x15d: {  	v3 =	vunpack.i.l.bf16.f32 v0;
	v4 =	vld [tilespmem:s20+$0xFFFFFFE0]  }
0x15e: {  	v0 =	vunpack.i.u.bf16.f32 v0;
	v5 =	vunpack.i.u.bf16.f32 v1;
	v1 =	vunpack.i.l.bf16.f32 v1  }
0x15f: {  	v1 =	vadd.f32 v3, v1;
	v0 =	vadd.f32 v0, v5;
	v3 =	vld [tilespmem:s20+$0xFFFFFFF0]  }
0x160: {  	v5 =	vunpack.i.u.bf16.f32 v2;
	v2 =	vunpack.i.l.bf16.f32 v2  }
0x161: {  	v1 =	vadd.f32 v2, v1;
	v0 =	vadd.f32 v5, v0  }
0x162: {  	v2 =	vunpack.i.u.bf16.f32 v4;
	v4 =	vunpack.i.l.bf16.f32 v4  }
0x163: {  	v1 =	vadd.f32 v4, v1;
	v0 =	vadd.f32 v2, v0  }
0x164: {  	v2 =	vunpack.i.u.bf16.f32 v3;
	v3 =	vunpack.i.l.bf16.f32 v3  }
0x165: {  	v1 =	vadd.f32 v3, v1;
	v0 =	vadd.f32 v2, v0;
	_ =	sdelay $0x1  }
0x166: {  	v1 =	vmul.f32 $2.000000030e-01, v1;
	v0 =	vmul.f32 $2.000000030e-01, v0  }
0x167: {  	s24 =	sshra.s32 s26, $0x2  }
0x168: {  	[tilespmem:s24+$0x6400] =	vst v1  }
0x169: {  	[tilespmem:s24+$0x6410] =	vst v0  }
0x16a: {  	v0 =	vld [tilespmem:s20+$0x0]  }
0x16b: {  	v1 =	vld [tilespmem:s20+$0x10];
	_ =	sdelay $0x1  }
0x16c: {  	v2 =	vld [tilespmem:s20+$0x20];
	_ =	sdelay $0x1  }
0x16d: {  	v3 =	vld [tilespmem:s20+$0x30]  }
0x16e: {  	v4 =	vunpack.i.u.bf16.f32 v0;
	v0 =	vunpack.i.l.bf16.f32 v0;
	v5 =	vunpack.i.u.bf16.f32 v1  }
0x16f: {  	v1 =	vunpack.i.l.bf16.f32 v1;
	v4 =	vadd.f32 v5, v4;
	v5 =	vld [tilespmem:s20+$0x40]  }
0x170: {  	v0 =	vadd.f32 v1, v0;
	v1 =	vunpack.i.u.bf16.f32 v2  }
.Ltmp2:
0x171: {  	v2 =	vunpack.i.l.bf16.f32 v2;
	v1 =	vadd.f32 v1, v4;
	(pc) =	sbr.rel @p0 .LBB2_6-.Ltmp2, $4  }
0x172: {  	v0 =	vadd.f32 v2, v0;
	v2 =	vunpack.i.u.bf16.f32 v3  }
0x173: {  	v3 =	vunpack.i.l.bf16.f32 v3;
	v1 =	vadd.f32 v2, v1  }
0x174: {  	v0 =	vadd.f32 v3, v0;
	v3 =	vunpack.i.u.bf16.f32 v5  }
0x175: {  	v2 =	vunpack.i.l.bf16.f32 v5;
	v1 =	vadd.f32 v3, v1  }
0x176: {  	v0 =	vadd.f32 v2, v0  }
0x177: {  	v1 =	vmul.f32 $2.000000030e-01, v1  }
0x178: {  	v0 =	vmul.f32 $2.000000030e-01, v0  }
0x179: {  	[tilespmem:s24+$0x6430] =	vst v1  }
0x17a: {  	s20 =	simm.s32 $0x0;
	[tilespmem:s24+$0x6420] =	vst v0  }
0x17b: {  	[hbm4b:s7+s20] =	stream.linear.scatter [tilespmem:s1], [sflag:$0x2], $0x2000, $0x38;
	[tilespmem:$0x8400] =	vst v63  }
0x17c: {  	_ =	swait.ge [sflag:s10], $0x2000  }
0x17d: {  	[sflag:s10] =	ssyncset.done $0x0  }
0x17e: {  	s22 =	simm.s32 $0xF00;
	[sflag:s10] =	ssyncadd.s32 $0xFFFFE000  }
0x17f: {  	[tilespmem:s12], [sflag:$0x1] =	stream.indirect.gather [hbm4b:s3+s11], $0x10, s22, s11, $0xb8;
	[tilespmem:$0x8400] =	vst v63  }
0x180: {  	s24 =	simm.s32 $0xF80  }
0x181: {  	[tilespmem:s13], [sflag:$0x1] =	stream.indirect.gather [hbm4b:s3+s11], $0x10, s24, s11, $0xb8;
	[tilespmem:$0x8400] =	vst v63  }
0x182: {  	s26 =	simm.s32 $0x1000  }
0x183: {  	[tilespmem:s15], [sflag:$0x1] =	stream.indirect.gather [hbm4b:s3+s11], $0x10, s26, s11, $0xb8;
	[tilespmem:$0x8400] =	vst v63  }
0x184: {  	s22 =	simm.s32 $0x1080  }
0x185: {  	[tilespmem:s17], [sflag:$0x1] =	stream.indirect.gather [hbm4b:s3+s11], $0x10, s22, s11, $0xb8;
	[tilespmem:$0x8400] =	vst v63  }
0x186: {  	s24 =	simm.s32 $0x1100  }
0x187: {  	[tilespmem:s19], [sflag:$0x1] =	stream.indirect.gather [hbm4b:s3+s11], $0x10, s24, s11, $0xb8;
	[tilespmem:$0x8400] =	vst v63  }
0x188: {  	s26 =	simm.s32 $0x1180  }
0x189: {  	[tilespmem:s21], [sflag:$0x1] =	stream.indirect.gather [hbm4b:s3+s11], $0x10, s26, s11, $0xb8;
	[tilespmem:$0x8400] =	vst v63  }
0x18a: {  	_ = 	snop  }
0x18b: {  	[tilespmem:s23], [sflag:$0x1] =	stream.indirect.gather [hbm4b:s3+s11], $0x10, s29, s11, $0xb8;
	[tilespmem:$0x8400] =	vst v63  }
0x18c: {  	_ = 	snop  }
0x18d: {  	[tilespmem:s25], [sflag:$0x1] =	stream.indirect.gather [hbm4b:s3+s11], $0x10, s0, s11, $0xb8;
	[tilespmem:$0x8400] =	vst v63  }
0x18e: {  	_ = 	snop  }
0x18f: {  	[tilespmem:s28], [sflag:$0x1] =	stream.indirect.gather [hbm4b:s3+s11], $0x10, s14, s11, $0xb8;
	[tilespmem:$0x8400] =	vst v63  }
0x190: {  	_ = 	snop  }
0x191: {  	[tilespmem:s30], [sflag:$0x1] =	stream.indirect.gather [hbm4b:s3+s11], $0x10, s16, s11, $0xb8;
	[tilespmem:$0x8400] =	vst v63  }
0x192: {  	_ =	swait.ge [sflag:s31], $0x800  }
0x193: {  	[sflag:s31] =	ssyncset.done $0x0  }
0x194: {  	[sflag:s31] =	ssyncadd.s32 $0xFFFFF800  }
0x195: {  	_ =	swait.ge [sflag:s31], $0x800  }
0x196: {  	[sflag:s31] =	ssyncset.done $0x0  }
0x197: {  	[sflag:s31] =	ssyncadd.s32 $0xFFFFF800  }
0x198: {  	_ =	swait.ge [sflag:s31], $0x800  }
0x199: {  	[sflag:s31] =	ssyncset.done $0x0  }
0x19a: {  	[sflag:s31] =	ssyncadd.s32 $0xFFFFF800  }
0x19b: {  	_ =	swait.ge [sflag:s31], $0x800  }
0x19c: {  	[sflag:s31] =	ssyncset.done $0x0  }
0x19d: {  	[sflag:s31] =	ssyncadd.s32 $0xFFFFF800  }
0x19e: {  	_ =	swait.ge [sflag:s31], $0x800  }
0x19f: {  	[sflag:s31] =	ssyncset.done $0x0  }
0x1a0: {  	[sflag:s31] =	ssyncadd.s32 $0xFFFFF800  }
0x1a1: {  	_ =	swait.ge [sflag:s31], $0x800  }
0x1a2: {  	[sflag:s31] =	ssyncset.done $0x0  }
0x1a3: {  	[sflag:s31] =	ssyncadd.s32 $0xFFFFF800  }
0x1a4: {  	_ =	swait.ge [sflag:s31], $0x800  }
0x1a5: {  	[sflag:s31] =	ssyncset.done $0x0  }
0x1a6: {  	[sflag:s31] =	ssyncadd.s32 $0xFFFFF800  }
0x1a7: {  	_ =	swait.ge [sflag:s31], $0x800  }
0x1a8: {  	[sflag:s31] =	ssyncset.done $0x0  }
0x1a9: {  	[sflag:s31] =	ssyncadd.s32 $0xFFFFF800  }
0x1aa: {  	_ =	swait.ge [sflag:s31], $0x800  }
0x1ab: {  	[sflag:s31] =	ssyncset.done $0x0  }
0x1ac: {  	[sflag:s31] =	ssyncadd.s32 $0xFFFFF800  }
0x1ad: {  	_ =	swait.ge [sflag:s31], $0x800  }
0x1ae: {  	[sflag:s31] =	ssyncset.done $0x0  }
0x1af: {  	s20 =	simm.s32 $0x1450;
	[sflag:s31] =	ssyncadd.s32 $0xFFFFF800  }
0x1b0: {  	v0 =	vld [tilespmem:s20+$0xFFFFFFC0]  }
0x1b1: {  	v1 =	vld [tilespmem:s20+$0xFFFFFFB0];
	_ =	sdelay $0x1  }
0x1b2: {  	v2 =	vld [tilespmem:s20+$0xFFFFFFD0];
	_ =	sdelay $0x1  }
0x1b3: {  	v3 =	vld [tilespmem:s20+$0xFFFFFFE0]  }
0x1b4: {  	v4 =	vunpack.i.l.bf16.f32 v0;
	v5 =	vunpack.i.l.bf16.f32 v1  }
0x1b5: {  	v59 =	vld [tilespmem:s20+$0xFFFFFFF0];
	v1 =	vunpack.i.u.bf16.f32 v1;
	v0 =	vunpack.i.u.bf16.f32 v0;
	v4 =	vadd.f32 v4, v5  }
0x1b6: {  	v0 =	vadd.f32 v0, v1;
	v1 =	vunpack.i.l.bf16.f32 v2  }
0x1b7: {  	v2 =	vunpack.i.u.bf16.f32 v2;
	v1 =	vadd.f32 v1, v4  }
0x1b8: {  	v0 =	vadd.f32 v2, v0;
	v2 =	vunpack.i.l.bf16.f32 v3  }
0x1b9: {  	v3 =	vunpack.i.u.bf16.f32 v3;
	v1 =	vadd.f32 v2, v1  }
0x1ba: {  	v0 =	vadd.f32 v3, v0;
	v2 =	vunpack.i.l.bf16.f32 v59  }
0x1bb: {  	v3 =	vunpack.i.u.bf16.f32 v59;
	v1 =	vadd.f32 v2, v1  }
0x1bc: {  	v0 =	vadd.f32 v3, v0  }
0x1bd: {  	v1 =	vmul.f32 $2.000000030e-01, v1  }
0x1be: {  	s24 =	simm.s32 $0x0;
	v0 =	vmul.f32 $2.000000030e-01, v0  }
0x1bf: {  	[tilespmem:s24+$0x6400] =	vst v1  }
0x1c0: {  	[tilespmem:s24+$0x6410] =	vst v0  }
0x1c1: {  	v0 =	vld [tilespmem:s20+$0x0]  }
0x1c2: {  	v1 =	vld [tilespmem:s20+$0x10];
	_ =	sdelay $0x1  }
0x1c3: {  	v2 =	vld [tilespmem:s20+$0x20];
	_ =	sdelay $0x1  }
0x1c4: {  	v3 =	vld [tilespmem:s20+$0x30]  }
0x1c5: {  	v60 =	vunpack.i.u.bf16.f32 v0;
	v61 =	vunpack.i.u.bf16.f32 v1  }
0x1c6: {  	v62 =	vld [tilespmem:s20+$0x40];
	v4 =	vadd.f32 v61, v60  }
0x1c7: {  	v0 =	vunpack.i.l.bf16.f32 v0;
	v1 =	vunpack.i.l.bf16.f32 v1;
	v6 =	vunpack.i.u.bf16.f32 v2  }
0x1c8: {  	v0 =	vadd.f32 v1, v0;
	v1 =	vadd.f32 v6, v4  }
0x1c9: {  	v2 =	vunpack.i.l.bf16.f32 v2;
	v63 =	vunpack.i.u.bf16.f32 v3  }
0x1ca: {  	v0 =	vadd.f32 v2, v0;
	v1 =	vadd.f32 v63, v1  }
0x1cb: {  	v2 =	vunpack.i.l.bf16.f32 v3;
	v3 =	vunpack.i.u.bf16.f32 v62  }
0x1cc: {  	s22 =	simm.s32 $0x100;
	v0 =	vadd.f32 v2, v0;
	v2 =	vunpack.i.l.bf16.f32 v62;
	v1 =	vadd.f32 v3, v1  }
.LBB2_8:
0x1cd: {  	p0 =	sne.s32 s22, $0x7F00  }
0x1ce: {  	v0 =	vadd.f32 v2, v0;
	s20 =	sadd.s32 $0xA0, s20;
	s26 =	smov.u32 s22;
	s22 =	sadd.s32 $0x100, s22  }
0x1cf: {  	v1 =	vmul.f32 $2.000000030e-01, v1  }
0x1d0: {  	v0 =	vmul.f32 $2.000000030e-01, v0  }
0x1d1: {  	[tilespmem:s24+$0x6430] =	vst v1  }
0x1d2: {  	[tilespmem:s24+$0x6420] =	vst v0  }
0x1d3: {  	v0 =	vld [tilespmem:s20+$0xFFFFFFC0]  }
0x1d4: {  	v1 =	vld [tilespmem:s20+$0xFFFFFFB0]  }
0x1d5: {  	v2 =	vld [tilespmem:s20+$0xFFFFFFD0];
	_ =	sdelay $0x2  }
0x1d6: {  	v3 =	vunpack.i.l.bf16.f32 v0;
	v4 =	vld [tilespmem:s20+$0xFFFFFFE0]  }
0x1d7: {  	v0 =	vunpack.i.u.bf16.f32 v0;
	v5 =	vunpack.i.u.bf16.f32 v1;
	v1 =	vunpack.i.l.bf16.f32 v1  }
0x1d8: {  	v1 =	vadd.f32 v3, v1;
	v0 =	vadd.f32 v0, v5;
	v3 =	vld [tilespmem:s20+$0xFFFFFFF0]  }
0x1d9: {  	v5 =	vunpack.i.u.bf16.f32 v2;
	v2 =	vunpack.i.l.bf16.f32 v2  }
0x1da: {  	v1 =	vadd.f32 v2, v1;
	v0 =	vadd.f32 v5, v0  }
0x1db: {  	v2 =	vunpack.i.u.bf16.f32 v4;
	v4 =	vunpack.i.l.bf16.f32 v4  }
0x1dc: {  	v1 =	vadd.f32 v4, v1;
	v0 =	vadd.f32 v2, v0  }
0x1dd: {  	v2 =	vunpack.i.u.bf16.f32 v3;
	v3 =	vunpack.i.l.bf16.f32 v3  }
0x1de: {  	v1 =	vadd.f32 v3, v1;
	v0 =	vadd.f32 v2, v0;
	_ =	sdelay $0x1  }
0x1df: {  	v1 =	vmul.f32 $2.000000030e-01, v1;
	v0 =	vmul.f32 $2.000000030e-01, v0  }
0x1e0: {  	s24 =	sshra.s32 s26, $0x2  }
0x1e1: {  	[tilespmem:s24+$0x6400] =	vst v1  }
0x1e2: {  	[tilespmem:s24+$0x6410] =	vst v0  }
0x1e3: {  	v0 =	vld [tilespmem:s20+$0x0]  }
0x1e4: {  	v1 =	vld [tilespmem:s20+$0x10];
	_ =	sdelay $0x1  }
0x1e5: {  	v2 =	vld [tilespmem:s20+$0x20];
	_ =	sdelay $0x1  }
0x1e6: {  	v3 =	vld [tilespmem:s20+$0x30]  }
0x1e7: {  	v4 =	vunpack.i.u.bf16.f32 v0;
	v0 =	vunpack.i.l.bf16.f32 v0;
	v5 =	vunpack.i.u.bf16.f32 v1  }
0x1e8: {  	v1 =	vunpack.i.l.bf16.f32 v1;
	v4 =	vadd.f32 v5, v4;
	v5 =	vld [tilespmem:s20+$0x40]  }
0x1e9: {  	v0 =	vadd.f32 v1, v0;
	v1 =	vunpack.i.u.bf16.f32 v2  }
.Ltmp3:
0x1ea: {  	v2 =	vunpack.i.l.bf16.f32 v2;
	v1 =	vadd.f32 v1, v4;
	(pc) =	sbr.rel @p0 .LBB2_8-.Ltmp3, $4  }
0x1eb: {  	v0 =	vadd.f32 v2, v0;
	v2 =	vunpack.i.u.bf16.f32 v3  }
0x1ec: {  	v3 =	vunpack.i.l.bf16.f32 v3;
	v1 =	vadd.f32 v2, v1  }
0x1ed: {  	v0 =	vadd.f32 v3, v0;
	v3 =	vunpack.i.u.bf16.f32 v5  }
0x1ee: {  	v2 =	vunpack.i.l.bf16.f32 v5;
	v1 =	vadd.f32 v3, v1  }
0x1ef: {  	v0 =	vadd.f32 v2, v0  }
0x1f0: {  	v1 =	vmul.f32 $2.000000030e-01, v1  }
0x1f1: {  	s18 =	sadd.s32 $0x1, s18;
	v0 =	vmul.f32 $2.000000030e-01, v0  }
0x1f2: {  	p0 =	sne.s32 s18, s9;
	[tilespmem:s24+$0x6430] =	vst v1  }
.Ltmp4:
0x1f3: {  	[tilespmem:s24+$0x6420] =	vst v0;
	(pc) =	sbr.rel @p0 .LBB2_1-.Ltmp4, $4  }
0x1f4: {  	[hbm4b:s8+s2] =	stream.linear.scatter [tilespmem:s1], [sflag:$0x2], $0x2000, $0x38;
	[tilespmem:$0x8400] =	vst v63  }
0x1f5: {  	_ =	swait.ge [sflag:s10], $0x2000  }
0x1f6: {  	[sflag:s10] =	ssyncset.done $0x0  }
0x1f7: {  	[sflag:s10] =	ssyncadd.s32 $0xFFFFE000  }
0x1f8: {  	_ =	sfence.sel $0x180000  }
0x1f9: {  	[bflag:$0x0] =	sbarrier.arrive $0xFFFF  }
0x1fa: {  	_ =	strace $0x90000047  }
0x1fb: {  	s0 =	stileid.u32;
	[bflag:$0x2] =	sbarrier.arrive $0xFFFF  }
0x1fc: {  	p0 =	sne.s32 s0, $0x0;
	s0 =	rddreg [dreg:$0x1]  }
0x1fd: {  	s0 =	sadd.s32 @!p0 $0x100000, s0  }
0x1fe: {  	[sflag:s0] =	ssyncadd.tile.s32 @!p0 $0x1;
	_ =	shalt  }
.Lfunc_end2:
_tile_overlayer_lowered:
.L_overlay_start_2:
0x1ff: {  	(tag) =	ssettag $0x2  }
0x200: {  	s0 =	rddreg [dreg:$0x0];
	s2 =	stileid.u32  }
0x201: {  	s1 =	rddreg [dreg:$0x1];
	p0 =	sne.s32 s2, $0x0  }
0x202: {  	s3 =	rddreg [dreg:$0x2];
	[bflag:$0x3] =	sbarrier.arrive $0xFFFF;
	s2 =	simm.s32 @!p0 $0x1C02  }
0x203: {  	[timem:s3], [sflag:s2] =	dma.local @!p0 [hbm:s0], s1  }
0x204: {  	s0 =	simm.s32 @!p0 $0x2  }
0x205: {  	_ =	swait.ge @!p0 [sflag:s0], s1  }
0x206: {  	s1 =	ssub.s32 @!p0 $0x0, s1;
	[sflag:s0] =	ssyncset.done @!p0 $0x0  }
0x207: {  	[sflag:s0] =	ssyncadd.s32 @!p0 s1  }
0x208: {  	[bflag:$0x3] =	sbarrier.arrive $0xFFFF  }
0x209: {  	_ =	shalt  }

</sc_bundles>
